<compile_context>
chip_gen: v7x
topology: tpu7x:2x2x1
jax: 0.10.2.dev20260603
libtpu: 0.0.44.dev20260713+nightly
codegen_flags: <defaults>
</compile_context>

<pallas_src>
import dataclasses
import functools

import jax
import jax.numpy as jnp
from jax import lax
from jax.experimental import pallas as pl
from jax.experimental.pallas import tpu as pltpu
from jax.experimental.pallas import tpu_sc as plsc

_D = 10000
_FIN1 = 4
_CL1_F = 32
_CL1_K = 25
_CL2_F = 64
_CL2_K = 25
_FC1_F = 128
_FC2_F = 10
_B = 16
_NNZ1 = 160000
_NNZ2 = 80000

_NTILES = 16
_LANES = 16


def _cheby_sc_kernel(V, Ch, E, G, K, SUB, EU, RU, NBUF):
    E16 = E // _NTILES
    NCH = E16 // G
    SLAB = V // _NTILES
    NSUB = SLAB // SUB
    assert NCH * G == E16 and NSUB * SUB == SLAB
    assert G % EU == 0 and SUB % RU == 0
    assert NBUF == 1 or NCH % 2 == 0
    WGRP = Ch // _LANES

    mesh = plsc.VectorSubcoreMesh(core_axis_name="c", subcore_axis_name="s")
    cp = pltpu.CompilerParams()
    fields = pltpu.CompilerParams.__dataclass_fields__
    if "needs_layout_passes" in fields:
        cp = dataclasses.replace(cp, needs_layout_passes=False)
    if "use_tc_tiling_on_sc" in fields:
        cp = dataclasses.replace(cp, use_tc_tiling_on_sc=False)

    @functools.partial(
        pl.kernel,
        out_type=jax.ShapeDtypeStruct((K, 2, V, Ch), jnp.float32),
        mesh=mesh,
        compiler_params=cp,
        scratch_types=[
            pltpu.VMEM((NCH, G), jnp.int32),
            pltpu.VMEM((NCH, G), jnp.int32),
            pltpu.VMEM((NCH, G), jnp.float32),
            *[pltpu.VMEM((G, Ch), jnp.float32) for _ in range(NBUF)],
            pltpu.VMEM((SUB, Ch), jnp.float32),
            pltpu.VMEM((SUB, Ch), jnp.float32),
            pltpu.VMEM((SUB, Ch), jnp.float32),
            pltpu.VMEM_SHARED((V, Ch), jnp.float32),
            pltpu.SemaphoreType.DMA,
            pltpu.SemaphoreType.DMA,
        ],
    )
    def kern(x0_hbm, cols_hbm, rows_hbm, vals_hbm, out_hbm,
             cols_v, rows_v, vals_v, *rest):
        gbufs = rest[:NBUF]
        (abuf, b1buf, b0buf, acc_sh, semA, semB) = rest[NBUF:]
        gbufA = gbufs[0]
        gbufB = gbufs[-1]
        c = lax.axis_index("c")
        s = lax.axis_index("s")
        base = s * SLAB

        pltpu.sync_copy(cols_hbm.at[s], cols_v)
        pltpu.sync_copy(rows_hbm.at[s], rows_v)
        pltpu.sync_copy(vals_hbm.at[s], vals_v)

        zeros = jnp.zeros((_LANES,), jnp.float32)

        @pl.loop(0, NSUB)
        def _(i):
            sl = pl.ds(base + i * SUB, SUB)
            pltpu.sync_copy(x0_hbm.at[c, sl], abuf)
            pltpu.sync_copy(abuf, out_hbm.at[0, c, sl])

        plsc.subcore_barrier()

        @pl.loop(1, K)
        def _(kk):
            @pl.loop(0, SUB)
            def _(r):
                for w in range(WGRP):
                    abuf.at[r, pl.ds(w * _LANES, _LANES)][...] = zeros

            @pl.loop(0, NSUB)
            def _(i):
                pltpu.sync_copy(abuf, acc_sh.at[pl.ds(base + i * SUB, SUB)])

            plsc.subcore_barrier()

            src = out_hbm.at[kk - 1, c]

            def issue(j, gb, sem):
                pltpu.async_copy(src.at[cols_v.at[j]], gb, sem)

            def wait(j, gb, sem):
                pltpu.make_async_copy(src.at[cols_v.at[j]], gb, sem).wait()

            def scale_scatter(j, gb):
                @pl.loop(0, G, step=EU)
                def _(e0):
                    for u in range(EU):
                        e = e0 + u
                        vsp = plsc.load_gather(
                            vals_v,
                            [jnp.full((_LANES,), j, jnp.int32),
                             jnp.full((_LANES,), e, jnp.int32)],
                        )
                        for w in range(WGRP):
                            sl = (e, pl.ds(w * _LANES, _LANES))
                            gb.at[*sl][...] = gb.at[*sl][...] * vsp

                pltpu.sync_copy(gb, acc_sh.at[rows_v.at[j]], add=True)

            if NBUF == 2:
                issue(0, gbufA, semA)

                @pl.loop(0, NCH // 2)
                def _(jj):
                    j = 2 * jj
                    wait(j, gbufA, semA)
                    issue(j + 1, gbufB, semB)
                    scale_scatter(j, gbufA)
                    wait(j + 1, gbufB, semB)

                    @pl.when(j + 2 < NCH)
                    def _():
                        issue(j + 2, gbufA, semA)

                    scale_scatter(j + 1, gbufB)
            else:
                @pl.loop(0, NCH)
                def _(j):
                    pltpu.sync_copy(src.at[cols_v.at[j]], gbufA)
                    scale_scatter(j, gbufA)

            plsc.subcore_barrier()

            ca = jnp.where(kk == 1, 1.0, 2.0).astype(jnp.float32)
            cc = jnp.where(kk == 1, 0.0, 1.0).astype(jnp.float32)
            kprev2 = jnp.maximum(kk - 2, 0)

            @pl.loop(0, NSUB)
            def _(i):
                sl = pl.ds(base + i * SUB, SUB)
                pltpu.sync_copy(acc_sh.at[sl], abuf)
                pltpu.sync_copy(out_hbm.at[kk - 1, c, sl], b1buf)
                pltpu.sync_copy(out_hbm.at[kprev2, c, sl], b0buf)

                @pl.loop(0, SUB, step=RU)
                def _(r0):
                    for u in range(RU):
                        r = r0 + u
                        for w in range(WGRP):
                            rsl = (r, pl.ds(w * _LANES, _LANES))
                            abuf.at[*rsl][...] = (
                                ca * abuf.at[*rsl][...]
                                - ca * b1buf.at[*rsl][...]
                                - cc * b0buf.at[*rsl][...]
                            )

                pltpu.sync_copy(abuf, out_hbm.at[kk, c, sl])

            plsc.subcore_barrier()

    return kern


def _cheby_terms(x0, idx, vals_scaled, V, Vp, C, E, G, K, SUB, EU, RU, NBUF):
    Ch = C // 2
    if Vp != V:
        x0 = jnp.pad(x0, ((0, Vp - V), (0, 0)))
    x0s = x0.reshape(Vp, 2, Ch).transpose(1, 0, 2)
    cols3 = idx[1].reshape(_NTILES, -1, G)
    rows3 = idx[0].reshape(_NTILES, -1, G)
    vals3 = vals_scaled.reshape(_NTILES, -1, G)
    kern = _cheby_sc_kernel(Vp, Ch, E, G, K, SUB, EU, RU, NBUF)
    terms = kern(x0s, cols3, rows3, vals3)
    terms = terms.transpose(0, 2, 1, 3).reshape(K, Vp, C)
    return terms[:, :V, :]


def _mm_bias_relu(x, wT, b, blk):
    M, Kd = x.shape
    N = wT.shape[1]
    assert M % blk == 0

    def body(x_ref, w_ref, b_ref, o_ref):
        acc = jnp.dot(x_ref[...], w_ref[...],
                      preferred_element_type=jnp.float32)
        o_ref[...] = jnp.maximum(acc + b_ref[...], 0.0)

    return pl.pallas_call(
        body,
        grid=(M // blk,),
        in_specs=[
            pl.BlockSpec((blk, Kd), lambda i: (i, 0)),
            pl.BlockSpec((Kd, N), lambda i: (0, 0)),
            pl.BlockSpec((1, N), lambda i: (0, 0)),
        ],
        out_specs=pl.BlockSpec((blk, N), lambda i: (i, 0)),
        out_shape=jax.ShapeDtypeStruct((M, N), jnp.float32),
    )(x, wT, b)


def _fc_head(h, w1T, b1, w2T, b2, kblk):
    Bb, Kd = h.shape
    F1 = w1T.shape[1]
    F2 = w2T.shape[1]
    nk = Kd // kblk
    assert nk * kblk == Kd

    def body(h_ref, w1_ref, b1_ref, w2_ref, b2_ref, o_ref, acc):
        i = pl.program_id(0)

        @pl.when(i == 0)
        def _():
            acc[...] = jnp.zeros_like(acc)

        acc[...] += jnp.dot(h_ref[...], w1_ref[...],
                            preferred_element_type=jnp.float32)

        @pl.when(i == nk - 1)
        def _():
            a = jnp.maximum(acc[...] + b1_ref[...], 0.0)
            o_ref[...] = jnp.dot(a, w2_ref[...],
                                 preferred_element_type=jnp.float32) + b2_ref[...]

    return pl.pallas_call(
        body,
        grid=(nk,),
        in_specs=[
            pl.BlockSpec((Bb, kblk), lambda i: (0, i)),
            pl.BlockSpec((kblk, F1), lambda i: (i, 0)),
            pl.BlockSpec((1, F1), lambda i: (0, 0)),
            pl.BlockSpec((F1, F2), lambda i: (0, 0)),
            pl.BlockSpec((1, F2), lambda i: (0, 0)),
        ],
        out_specs=pl.BlockSpec((Bb, F2), lambda i: (0, 0)),
        out_shape=jax.ShapeDtypeStruct((Bb, F2), jnp.float32),
        scratch_shapes=[pltpu.VMEM((Bb, F1), jnp.float32)],
    )(h, w1T, b1, w2T, b2)


def _cheby_layer(x, idx, vals, lmax, W, b, K, Fout, V, Vp, E, G, SUB, EU, RU,
                 NBUF, blk):
    Bb, _, Fin = x.shape
    C = Fin * Bb
    x0 = jnp.transpose(x, (1, 2, 0)).reshape(V, C)
    vals_scaled = vals * (2.0 / lmax)
    terms = _cheby_terms(x0, idx, vals_scaled, V, Vp, C, E, G, K, SUB, EU, RU,
                         NBUF)
    xs = terms.reshape(K, V, Fin, Bb)
    xs = jnp.transpose(xs, (3, 1, 2, 0)).reshape(Bb * V, Fin * K)
    y = _mm_bias_relu(xs, W.T, b.reshape(1, -1), blk)
    return y.reshape(Bb, V, Fout)


def _pool2(x):
    Bb, V, F = x.shape
    x = x.reshape(Bb, V // 2, 2, F)
    return jnp.maximum(x[:, :, 0, :], x[:, :, 1, :])


def kernel(x, L1_indices, L1_values, L2_indices, L2_values, lmax1, lmax2, d,
           cl1_w, cl1_b, cl2_w, cl2_b, fc1_w, fc1_b, fc2_w, fc2_b):
    h = _cheby_layer(x, L1_indices, L1_values, lmax1, cl1_w, cl1_b,
                     _CL1_K, _CL1_F, V=_D, Vp=10240, E=_NNZ1, G=400, SUB=128,
                     EU=1, RU=1, NBUF=1, blk=1000)
    h = _pool2(h)
    h = _cheby_layer(h, L2_indices, L2_values, lmax2, cl2_w, cl2_b,
                     _CL2_K, _CL2_F, V=_D // 2, Vp=5120, E=_NNZ2, G=50,
                     SUB=16, EU=1, RU=1, NBUF=1, blk=1000)
    h = _pool2(h)
    h = h.reshape(_B, -1)
    out = _fc_head(h, fc1_w.T, fc1_b.reshape(1, -1), fc2_w.T,
                   fc2_b.reshape(1, -1), kblk=1280)
    return out

# --- scband reference (transcript-rebuilt; emitter-appended) ---
"""Pipeline reference for scband-graph-conv-net-le-net5-76914274337414 (READ-ONLY COPY).

The authoritative reference and input builder live on the scoring server;
editing this copy changes nothing except your own understanding.
"""

import jax, jax.numpy as jnp
import numpy as np

D = 10000
FIN1 = 4
CL1_F = 32
CL1_K = 25
CL2_F = 64
CL2_K = 25
FC1_F = 128
FC2_F = 10
B = 16
NNZ1 = 160000
NNZ2 = 80000
FC1FIN = CL2_F * (D // 4)


def _unif(k, shape, fin, fout):
    s = float(np.sqrt(2.0 / (fin + fout)))
    return jax.random.uniform(k, shape, minval=-s, maxval=s, dtype=jnp.float32)


def setup_inputs(seed: int = 0):
    key = jax.random.key(seed)
    ks = jax.random.split(key, 16)
    x = jax.random.normal(ks[0], (B, D, FIN1), dtype=jnp.float32)
    L1_indices = jax.random.randint(ks[1], (2, NNZ1), 0, D, dtype=jnp.int32)
    L1_values = jax.random.normal(ks[2], (NNZ1,), dtype=jnp.float32) * 0.1
    L2_indices = jax.random.randint(ks[3], (2, NNZ2), 0, D // 2, dtype=jnp.int32)
    L2_values = jax.random.normal(ks[4], (NNZ2,), dtype=jnp.float32) * 0.1
    cl1_w = _unif(ks[5], (CL1_F, CL1_K * FIN1), CL1_K, CL1_F)
    cl1_b = jnp.zeros((CL1_F,), dtype=jnp.float32)
    cl2_w = _unif(ks[6], (CL2_F, CL2_K * CL1_F), CL2_K * CL1_F, CL2_F)
    cl2_b = jnp.zeros((CL2_F,), dtype=jnp.float32)
    fc1_w = _unif(ks[7], (FC1_F, FC1FIN), FC1FIN, FC1_F)
    fc1_b = jnp.zeros((FC1_F,), dtype=jnp.float32)
    fc2_w = _unif(ks[8], (FC2_F, FC1_F), FC1_F, FC2_F)
    fc2_b = jnp.zeros((FC2_F,), dtype=jnp.float32)
    lmax1 = jnp.float32(2.0)
    lmax2 = jnp.float32(2.0)
    d = jnp.float32(0.0)
    return {"x": x, "L1_indices": L1_indices, "L1_values": L1_values,
            "L2_indices": L2_indices, "L2_values": L2_values,
            "lmax1": lmax1, "lmax2": lmax2, "d": d,
            "cl1_w": cl1_w, "cl1_b": cl1_b, "cl2_w": cl2_w, "cl2_b": cl2_b,
            "fc1_w": fc1_w, "fc1_b": fc1_b, "fc2_w": fc2_w, "fc2_b": fc2_b}


def _spmm(idx, vals, x):
    # sparse COO matmul: y[r] += vals * x[c]  (gather + scatter-add)
    gathered = jnp.take(x, idx[1], axis=0) * vals[:, None]
    return jax.ops.segment_sum(gathered, idx[0], num_segments=x.shape[0])


def _cheby(x, idx, vals, lmax, W, b, K, Fout):
    Bb, V, Fin = x.shape
    x0 = jnp.transpose(x, (1, 2, 0)).reshape(V, Fin * Bb)
    scale = 2.0 / lmax

    def Lr(v):
        # rescaled Laplacian apply: (2/lmax * L - I) @ v
        return scale * _spmm(idx, vals, v) - v

    terms = [x0]
    if K > 1:
        x1 = Lr(x0)
        terms.append(x1)
        for _ in range(2, K):
            x2 = 2.0 * Lr(x1) - x0
            terms.append(x2)
            x0, x1 = x1, x2
    xs = jnp.stack(terms, 0).reshape(K, V, Fin, Bb)
    xs = jnp.transpose(xs, (3, 1, 2, 0)).reshape(Bb * V, Fin * K)
    y = xs @ W.T + b
    return y.reshape(Bb, V, Fout)


def _pool2(x):
    Bb, V, F = x.shape
    return x.reshape(Bb, V // 2, 2, F).max(axis=2)


def reference(x, L1_indices, L1_values, L2_indices, L2_values, lmax1, lmax2, d,
              cl1_w, cl1_b, cl2_w, cl2_b, fc1_w, fc1_b, fc2_w, fc2_b):
    h = _cheby(x, L1_indices, L1_values, lmax1, cl1_w, cl1_b, CL1_K, CL1_F)
    h = jax.nn.relu(h)
    h = _pool2(h)
    h = _cheby(h, L2_indices, L2_values, lmax2, cl2_w, cl2_b, CL2_K, CL2_F)
    h = jax.nn.relu(h)
    h = _pool2(h)
    h = h.reshape(-1, FC1FIN)
    h = jax.nn.relu(h @ fc1_w.T + fc1_b)
    mask = jax.random.bernoulli(jax.random.key(123), 1.0 - d, h.shape)
    h = jnp.where(mask, h, 0.0) / (1.0 - d)
    return h @ fc2_w.T + fc2_b

if __name__ == "__main__":
    import jax
    _d = setup_inputs()
    print(jax.jit(kernel)(*tuple(_d.values())))

</pallas_src>

<mosaic_0001>
#map = affine_map<(d0, d1) -> (0, 0, 0)>
#map1 = affine_map<(d0, d1) -> (0, 0, 0, 0)>
module attributes {stable_mosaic.version = 14 : i64} {
  func.func @kern(%arg0: i32, %arg1: i32, %arg2: memref<2x5120x256xf32, #tpu.memory_space<hbm>>, %arg3: memref<16x100x50xi32, #tpu.memory_space<hbm>>, %arg4: memref<16x100x50xi32, #tpu.memory_space<hbm>>, %arg5: memref<16x100x50xf32, #tpu.memory_space<hbm>>, %arg6: memref<25x2x5120x256xf32, #tpu.memory_space<hbm>>, %arg7: memref<100x50xi32, #tpu.memory_space<vmem>>, %arg8: memref<100x50xi32, #tpu.memory_space<vmem>>, %arg9: memref<100x50xf32, #tpu.memory_space<vmem>>, %arg10: memref<50x256xf32, #tpu.memory_space<vmem>>, %arg11: memref<16x256xf32, #tpu.memory_space<vmem>>, %arg12: memref<16x256xf32, #tpu.memory_space<vmem>>, %arg13: memref<16x256xf32, #tpu.memory_space<vmem>>, %arg14: memref<5120x256xf32, #tpu.memory_space<vmem_shared>>, %arg15: memref<!tpu.dma_semaphore, #tpu.memory_space<semaphore_mem>>, %arg16: memref<!tpu.dma_semaphore, #tpu.memory_space<semaphore_mem>>) attributes {dimension_semantics = [#tpu.dimension_semantics<core_parallel>, #tpu.dimension_semantics<subcore_parallel>], iteration_bounds = array<i64: 2, 16>, scalar_prefetch = 0 : i64, scratch_operands = 10 : i64, tpu.core_type = #tpu.core_type<sc_vector_subcore>, window_params = [{transform_indices = #map}, {transform_indices = #map}, {transform_indices = #map}, {transform_indices = #map}, {transform_indices = #map1}]} {
    %mul3A = arith.constant 320 : i32
    %mul3A_0 = arith.muli %arg1, %mul3A : i32
    "tpu.region"() ({
      %run_scoped3A = tpu.sem_alloc : memref<!tpu.dma_semaphore, #tpu.memory_space<semaphore_mem>>
      %dma_start3A = arith.constant 0 : i32
      %dma_start3A_11 = arith.constant 0 : i32
      %dma_start3A_12 = tpu.memref_slice %arg3[%arg1, %dma_start3A, %dma_start3A_11] : memref<16x100x50xi32, #tpu.memory_space<hbm>> -> memref<1x100x50xi32, #tpu.memory_space<hbm>>
      %dma_start3A_13 = tpu.memref_squeeze %dma_start3A_12 : memref<1x100x50xi32, #tpu.memory_space<hbm>> -> memref<100x50xi32, #tpu.memory_space<hbm>>
      %dma_start3A_14 = arith.constant 0 : i32
      %dma_start3A_15 = arith.constant 0 : i32
      %dma_start3A_16 = tpu.memref_slice %arg3[%arg1, %dma_start3A_14, %dma_start3A_15] : memref<16x100x50xi32, #tpu.memory_space<hbm>> -> memref<1x100x50xi32, #tpu.memory_space<hbm>>
      %dma_start3A_17 = tpu.memref_squeeze %dma_start3A_16 : memref<1x100x50xi32, #tpu.memory_space<hbm>> -> memref<100x50xi32, #tpu.memory_space<hbm>>
      tpu.enqueue_dma source(%dma_start3A_17 : memref<100x50xi32, #tpu.memory_space<hbm>>) target(%arg7 : memref<100x50xi32, #tpu.memory_space<vmem>>) target_semaphore(%run_scoped3A : memref<!tpu.dma_semaphore, #tpu.memory_space<semaphore_mem>>)
      %dma_wait3A = arith.constant 0 : i32
      %dma_wait3A_18 = arith.constant 0 : i32
      %dma_wait3A_19 = tpu.memref_slice %arg3[%arg1, %dma_wait3A, %dma_wait3A_18] : memref<16x100x50xi32, #tpu.memory_space<hbm>> -> memref<1x100x50xi32, #tpu.memory_space<hbm>>
      %dma_wait3A_20 = tpu.memref_squeeze %dma_wait3A_19 : memref<1x100x50xi32, #tpu.memory_space<hbm>> -> memref<100x50xi32, #tpu.memory_space<hbm>>
      %dma_wait3A_21 = arith.constant 0 : i32
      %dma_wait3A_22 = arith.constant 0 : i32
      %dma_wait3A_23 = tpu.memref_slice %arg3[%arg1, %dma_wait3A_21, %dma_wait3A_22] : memref<16x100x50xi32, #tpu.memory_space<hbm>> -> memref<1x100x50xi32, #tpu.memory_space<hbm>>
      %dma_wait3A_24 = tpu.memref_squeeze %dma_wait3A_23 : memref<1x100x50xi32, #tpu.memory_space<hbm>> -> memref<100x50xi32, #tpu.memory_space<hbm>>
      tpu.wait_dma2 semaphore(%run_scoped3A : memref<!tpu.dma_semaphore, #tpu.memory_space<semaphore_mem>>) src(%dma_wait3A_24 : memref<100x50xi32, #tpu.memory_space<hbm>>) dst(%arg7 : memref<100x50xi32, #tpu.memory_space<vmem>>)
      tpu.yield
    }) : () -> ()
    "tpu.region"() ({
      %run_scoped3A = tpu.sem_alloc : memref<!tpu.dma_semaphore, #tpu.memory_space<semaphore_mem>>
      %dma_start3A = arith.constant 0 : i32
      %dma_start3A_11 = arith.constant 0 : i32
      %dma_start3A_12 = tpu.memref_slice %arg4[%arg1, %dma_start3A, %dma_start3A_11] : memref<16x100x50xi32, #tpu.memory_space<hbm>> -> memref<1x100x50xi32, #tpu.memory_space<hbm>>
      %dma_start3A_13 = tpu.memref_squeeze %dma_start3A_12 : memref<1x100x50xi32, #tpu.memory_space<hbm>> -> memref<100x50xi32, #tpu.memory_space<hbm>>
      %dma_start3A_14 = arith.constant 0 : i32
      %dma_start3A_15 = arith.constant 0 : i32
      %dma_start3A_16 = tpu.memref_slice %arg4[%arg1, %dma_start3A_14, %dma_start3A_15] : memref<16x100x50xi32, #tpu.memory_space<hbm>> -> memref<1x100x50xi32, #tpu.memory_space<hbm>>
      %dma_start3A_17 = tpu.memref_squeeze %dma_start3A_16 : memref<1x100x50xi32, #tpu.memory_space<hbm>> -> memref<100x50xi32, #tpu.memory_space<hbm>>
      tpu.enqueue_dma source(%dma_start3A_17 : memref<100x50xi32, #tpu.memory_space<hbm>>) target(%arg8 : memref<100x50xi32, #tpu.memory_space<vmem>>) target_semaphore(%run_scoped3A : memref<!tpu.dma_semaphore, #tpu.memory_space<semaphore_mem>>)
      %dma_wait3A = arith.constant 0 : i32
      %dma_wait3A_18 = arith.constant 0 : i32
      %dma_wait3A_19 = tpu.memref_slice %arg4[%arg1, %dma_wait3A, %dma_wait3A_18] : memref<16x100x50xi32, #tpu.memory_space<hbm>> -> memref<1x100x50xi32, #tpu.memory_space<hbm>>
      %dma_wait3A_20 = tpu.memref_squeeze %dma_wait3A_19 : memref<1x100x50xi32, #tpu.memory_space<hbm>> -> memref<100x50xi32, #tpu.memory_space<hbm>>
      %dma_wait3A_21 = arith.constant 0 : i32
      %dma_wait3A_22 = arith.constant 0 : i32
      %dma_wait3A_23 = tpu.memref_slice %arg4[%arg1, %dma_wait3A_21, %dma_wait3A_22] : memref<16x100x50xi32, #tpu.memory_space<hbm>> -> memref<1x100x50xi32, #tpu.memory_space<hbm>>
      %dma_wait3A_24 = tpu.memref_squeeze %dma_wait3A_23 : memref<1x100x50xi32, #tpu.memory_space<hbm>> -> memref<100x50xi32, #tpu.memory_space<hbm>>
      tpu.wait_dma2 semaphore(%run_scoped3A : memref<!tpu.dma_semaphore, #tpu.memory_space<semaphore_mem>>) src(%dma_wait3A_24 : memref<100x50xi32, #tpu.memory_space<hbm>>) dst(%arg8 : memref<100x50xi32, #tpu.memory_space<vmem>>)
      tpu.yield
    }) : () -> ()
    "tpu.region"() ({
      %run_scoped3A = tpu.sem_alloc : memref<!tpu.dma_semaphore, #tpu.memory_space<semaphore_mem>>
      %dma_start3A = arith.constant 0 : i32
      %dma_start3A_11 = arith.constant 0 : i32
      %dma_start3A_12 = tpu.memref_slice %arg5[%arg1, %dma_start3A, %dma_start3A_11] : memref<16x100x50xf32, #tpu.memory_space<hbm>> -> memref<1x100x50xf32, #tpu.memory_space<hbm>>
      %dma_start3A_13 = tpu.memref_squeeze %dma_start3A_12 : memref<1x100x50xf32, #tpu.memory_space<hbm>> -> memref<100x50xf32, #tpu.memory_space<hbm>>
      %dma_start3A_14 = arith.constant 0 : i32
      %dma_start3A_15 = arith.constant 0 : i32
      %dma_start3A_16 = tpu.memref_slice %arg5[%arg1, %dma_start3A_14, %dma_start3A_15] : memref<16x100x50xf32, #tpu.memory_space<hbm>> -> memref<1x100x50xf32, #tpu.memory_space<hbm>>
      %dma_start3A_17 = tpu.memref_squeeze %dma_start3A_16 : memref<1x100x50xf32, #tpu.memory_space<hbm>> -> memref<100x50xf32, #tpu.memory_space<hbm>>
      tpu.enqueue_dma source(%dma_start3A_17 : memref<100x50xf32, #tpu.memory_space<hbm>>) target(%arg9 : memref<100x50xf32, #tpu.memory_space<vmem>>) target_semaphore(%run_scoped3A : memref<!tpu.dma_semaphore, #tpu.memory_space<semaphore_mem>>)
      %dma_wait3A = arith.constant 0 : i32
      %dma_wait3A_18 = arith.constant 0 : i32
      %dma_wait3A_19 = tpu.memref_slice %arg5[%arg1, %dma_wait3A, %dma_wait3A_18] : memref<16x100x50xf32, #tpu.memory_space<hbm>> -> memref<1x100x50xf32, #tpu.memory_space<hbm>>
      %dma_wait3A_20 = tpu.memref_squeeze %dma_wait3A_19 : memref<1x100x50xf32, #tpu.memory_space<hbm>> -> memref<100x50xf32, #tpu.memory_space<hbm>>
      %dma_wait3A_21 = arith.constant 0 : i32
      %dma_wait3A_22 = arith.constant 0 : i32
      %dma_wait3A_23 = tpu.memref_slice %arg5[%arg1, %dma_wait3A_21, %dma_wait3A_22] : memref<16x100x50xf32, #tpu.memory_space<hbm>> -> memref<1x100x50xf32, #tpu.memory_space<hbm>>
      %dma_wait3A_24 = tpu.memref_squeeze %dma_wait3A_23 : memref<1x100x50xf32, #tpu.memory_space<hbm>> -> memref<100x50xf32, #tpu.memory_space<hbm>>
      tpu.wait_dma2 semaphore(%run_scoped3A : memref<!tpu.dma_semaphore, #tpu.memory_space<semaphore_mem>>) src(%dma_wait3A_24 : memref<100x50xf32, #tpu.memory_space<hbm>>) dst(%arg9 : memref<100x50xf32, #tpu.memory_space<vmem>>)
      tpu.yield
    }) : () -> ()
    %broadcast_in_dim3A = arith.constant 0.000000e+00 : f32
    %broadcast_in_dim3A_1 = vector.broadcast %broadcast_in_dim3A : f32 to vector<16xf32>
    %scan3A = arith.constant 0 : i32
    %scan3A_2 = arith.constant 20 : i32
    %scan3A_3 = arith.addi %scan3A, %scan3A_2 : i32
    %scan3A_4 = arith.constant 1 : i32
    scf.for %scan3A_11 = %scan3A to %scan3A_3 step %scan3A_4  : i32 {
      %mul3A_12 = arith.constant 1 : i32
      %mul3A_13 = arith.muli %scan3A_11, %mul3A_12 : i32
      %add3A = arith.constant 0 : i32
      %add3A_14 = arith.addi %add3A, %mul3A_13 : i32
      %mul3A_15 = arith.constant 16 : i32
      %mul3A_16 = arith.muli %add3A_14, %mul3A_15 : i32
      %add3A_17 = arith.addi %mul3A_0, %mul3A_16 : i32
      "tpu.region"() ({
        %run_scoped3A_18 = tpu.sem_alloc : memref<!tpu.dma_semaphore, #tpu.memory_space<semaphore_mem>>
        %dma_start3A = arith.constant 0 : i32
        %dma_start3A_19 = tpu.memref_slice %arg2[%arg0, %add3A_17, %dma_start3A] : memref<2x5120x256xf32, #tpu.memory_space<hbm>> -> memref<1x16x256xf32, #tpu.memory_space<hbm>>
        %dma_start3A_20 = tpu.memref_squeeze %dma_start3A_19 : memref<1x16x256xf32, #tpu.memory_space<hbm>> -> memref<16x256xf32, #tpu.memory_space<hbm>>
        %dma_start3A_21 = arith.constant 0 : i32
        %dma_start3A_22 = tpu.memref_slice %arg2[%arg0, %add3A_17, %dma_start3A_21] : memref<2x5120x256xf32, #tpu.memory_space<hbm>> -> memref<1x16x256xf32, #tpu.memory_space<hbm>>
        %dma_start3A_23 = tpu.memref_squeeze %dma_start3A_22 : memref<1x16x256xf32, #tpu.memory_space<hbm>> -> memref<16x256xf32, #tpu.memory_space<hbm>>
        tpu.enqueue_dma source(%dma_start3A_23 : memref<16x256xf32, #tpu.memory_space<hbm>>) target(%arg11 : memref<16x256xf32, #tpu.memory_space<vmem>>) target_semaphore(%run_scoped3A_18 : memref<!tpu.dma_semaphore, #tpu.memory_space<semaphore_mem>>)
        %dma_wait3A = arith.constant 0 : i32
        %dma_wait3A_24 = tpu.memref_slice %arg2[%arg0, %add3A_17, %dma_wait3A] : memref<2x5120x256xf32, #tpu.memory_space<hbm>> -> memref<1x16x256xf32, #tpu.memory_space<hbm>>
        %dma_wait3A_25 = tpu.memref_squeeze %dma_wait3A_24 : memref<1x16x256xf32, #tpu.memory_space<hbm>> -> memref<16x256xf32, #tpu.memory_space<hbm>>
        %dma_wait3A_26 = arith.constant 0 : i32
        %dma_wait3A_27 = tpu.memref_slice %arg2[%arg0, %add3A_17, %dma_wait3A_26] : memref<2x5120x256xf32, #tpu.memory_space<hbm>> -> memref<1x16x256xf32, #tpu.memory_space<hbm>>
        %dma_wait3A_28 = tpu.memref_squeeze %dma_wait3A_27 : memref<1x16x256xf32, #tpu.memory_space<hbm>> -> memref<16x256xf32, #tpu.memory_space<hbm>>
        tpu.wait_dma2 semaphore(%run_scoped3A_18 : memref<!tpu.dma_semaphore, #tpu.memory_space<semaphore_mem>>) src(%dma_wait3A_28 : memref<16x256xf32, #tpu.memory_space<hbm>>) dst(%arg11 : memref<16x256xf32, #tpu.memory_space<vmem>>)
        tpu.yield
      }) : () -> ()
      %run_scoped3A = arith.constant 0 : i32
      "tpu.region"() ({
        %run_scoped3A_18 = tpu.sem_alloc : memref<!tpu.dma_semaphore, #tpu.memory_space<semaphore_mem>>
        %dma_start3A = arith.constant 0 : i32
        %dma_start3A_19 = tpu.memref_slice %arg6[%run_scoped3A, %arg0, %add3A_17, %dma_start3A] : memref<25x2x5120x256xf32, #tpu.memory_space<hbm>> -> memref<1x1x16x256xf32, #tpu.memory_space<hbm>>
        %dma_start3A_20 = tpu.memref_squeeze %dma_start3A_19 : memref<1x1x16x256xf32, #tpu.memory_space<hbm>> -> memref<16x256xf32, #tpu.memory_space<hbm>>
        %dma_start3A_21 = arith.constant 0 : i32
        %dma_start3A_22 = tpu.memref_slice %arg6[%run_scoped3A, %arg0, %add3A_17, %dma_start3A_21] : memref<25x2x5120x256xf32, #tpu.memory_space<hbm>> -> memref<1x1x16x256xf32, #tpu.memory_space<hbm>>
        %dma_start3A_23 = tpu.memref_squeeze %dma_start3A_22 : memref<1x1x16x256xf32, #tpu.memory_space<hbm>> -> memref<16x256xf32, #tpu.memory_space<hbm>>
        tpu.enqueue_dma source(%arg11 : memref<16x256xf32, #tpu.memory_space<vmem>>) target(%dma_start3A_23 : memref<16x256xf32, #tpu.memory_space<hbm>>) target_semaphore(%run_scoped3A_18 : memref<!tpu.dma_semaphore, #tpu.memory_space<semaphore_mem>>)
        %dma_wait3A = arith.constant 0 : i32
        %dma_wait3A_24 = tpu.memref_slice %arg6[%run_scoped3A, %arg0, %add3A_17, %dma_wait3A] : memref<25x2x5120x256xf32, #tpu.memory_space<hbm>> -> memref<1x1x16x256xf32, #tpu.memory_space<hbm>>
        %dma_wait3A_25 = tpu.memref_squeeze %dma_wait3A_24 : memref<1x1x16x256xf32, #tpu.memory_space<hbm>> -> memref<16x256xf32, #tpu.memory_space<hbm>>
        %dma_wait3A_26 = arith.constant 0 : i32
        %dma_wait3A_27 = tpu.memref_slice %arg6[%run_scoped3A, %arg0, %add3A_17, %dma_wait3A_26] : memref<25x2x5120x256xf32, #tpu.memory_space<hbm>> -> memref<1x1x16x256xf32, #tpu.memory_space<hbm>>
        %dma_wait3A_28 = tpu.memref_squeeze %dma_wait3A_27 : memref<1x1x16x256xf32, #tpu.memory_space<hbm>> -> memref<16x256xf32, #tpu.memory_space<hbm>>
        tpu.wait_dma2 semaphore(%run_scoped3A_18 : memref<!tpu.dma_semaphore, #tpu.memory_space<semaphore_mem>>) src(%arg11 : memref<16x256xf32, #tpu.memory_space<vmem>>) dst(%dma_wait3A_28 : memref<16x256xf32, #tpu.memory_space<hbm>>)
        tpu.yield
      }) : () -> ()
    }
    %scan3A_5 = arith.constant 20 : i32
    %barrier3A = arith.constant 0 : index
    tpu.barrier barrier_id(%barrier3A)
    %scan3A_6 = arith.constant 0 : i32
    %scan3A_7 = arith.constant 24 : i32
    %scan3A_8 = arith.addi %scan3A_6, %scan3A_7 : i32
    %scan3A_9 = arith.constant 1 : i32
    scf.for %scan3A_11 = %scan3A_6 to %scan3A_8 step %scan3A_9  : i32 {
      %mul3A_12 = arith.constant 1 : i32
      %mul3A_13 = arith.muli %scan3A_11, %mul3A_12 : i32
      %add3A = arith.constant 1 : i32
      %add3A_14 = arith.addi %add3A, %mul3A_13 : i32
      %scan3A_15 = arith.constant 0 : i32
      %scan3A_16 = arith.constant 16 : i32
      %scan3A_17 = arith.addi %scan3A_15, %scan3A_16 : i32
      %scan3A_18 = arith.constant 1 : i32
      scf.for %scan3A_49 = %scan3A_15 to %scan3A_17 step %scan3A_18  : i32 {
        %mul3A_50 = arith.constant 1 : i32
        %mul3A_51 = arith.muli %scan3A_49, %mul3A_50 : i32
        %add3A_52 = arith.constant 0 : i32
        %add3A_53 = arith.addi %add3A_52, %mul3A_51 : i32
        %swap3A = arith.index_cast %add3A_53 : i32 to index
        %swap3A_54 = arith.constant 0 : index
        %swap3A_55 = tpu.vector_load %arg11[%swap3A, %swap3A_54] {strides = array<i32>} : memref<16x256xf32, #tpu.memory_space<vmem>>, vector<16xf32>,
        tpu.vector_store %arg11[%swap3A, %swap3A_54], %broadcast_in_dim3A_1 {strides = array<i32>} : memref<16x256xf32, #tpu.memory_space<vmem>>, vector<16xf32>,
        %swap3A_56 = arith.index_cast %add3A_53 : i32 to index
        %swap3A_57 = arith.constant 16 : index
        %swap3A_58 = tpu.vector_load %arg11[%swap3A_56, %swap3A_57] {strides = array<i32>} : memref<16x256xf32, #tpu.memory_space<vmem>>, vector<16xf32>,
        tpu.vector_store %arg11[%swap3A_56, %swap3A_57], %broadcast_in_dim3A_1 {strides = array<i32>} : memref<16x256xf32, #tpu.memory_space<vmem>>, vector<16xf32>,
        %swap3A_59 = arith.index_cast %add3A_53 : i32 to index
        %swap3A_60 = arith.constant 32 : index
        %swap3A_61 = tpu.vector_load %arg11[%swap3A_59, %swap3A_60] {strides = array<i32>} : memref<16x256xf32, #tpu.memory_space<vmem>>, vector<16xf32>,
        tpu.vector_store %arg11[%swap3A_59, %swap3A_60], %broadcast_in_dim3A_1 {strides = array<i32>} : memref<16x256xf32, #tpu.memory_space<vmem>>, vector<16xf32>,
        %swap3A_62 = arith.index_cast %add3A_53 : i32 to index
        %swap3A_63 = arith.constant 48 : index
        %swap3A_64 = tpu.vector_load %arg11[%swap3A_62, %swap3A_63] {strides = array<i32>} : memref<16x256xf32, #tpu.memory_space<vmem>>, vector<16xf32>,
        tpu.vector_store %arg11[%swap3A_62, %swap3A_63], %broadcast_in_dim3A_1 {strides = array<i32>} : memref<16x256xf32, #tpu.memory_space<vmem>>, vector<16xf32>,
        %swap3A_65 = arith.index_cast %add3A_53 : i32 to index
        %swap3A_66 = arith.constant 64 : index
        %swap3A_67 = tpu.vector_load %arg11[%swap3A_65, %swap3A_66] {strides = array<i32>} : memref<16x256xf32, #tpu.memory_space<vmem>>, vector<16xf32>,
        tpu.vector_store %arg11[%swap3A_65, %swap3A_66], %broadcast_in_dim3A_1 {strides = array<i32>} : memref<16x256xf32, #tpu.memory_space<vmem>>, vector<16xf32>,
        %swap3A_68 = arith.index_cast %add3A_53 : i32 to index
        %swap3A_69 = arith.constant 80 : index
        %swap3A_70 = tpu.vector_load %arg11[%swap3A_68, %swap3A_69] {strides = array<i32>} : memref<16x256xf32, #tpu.memory_space<vmem>>, vector<16xf32>,
        tpu.vector_store %arg11[%swap3A_68, %swap3A_69], %broadcast_in_dim3A_1 {strides = array<i32>} : memref<16x256xf32, #tpu.memory_space<vmem>>, vector<16xf32>,
        %swap3A_71 = arith.index_cast %add3A_53 : i32 to index
        %swap3A_72 = arith.constant 96 : index
        %swap3A_73 = tpu.vector_load %arg11[%swap3A_71, %swap3A_72] {strides = array<i32>} : memref<16x256xf32, #tpu.memory_space<vmem>>, vector<16xf32>,
        tpu.vector_store %arg11[%swap3A_71, %swap3A_72], %broadcast_in_dim3A_1 {strides = array<i32>} : memref<16x256xf32, #tpu.memory_space<vmem>>, vector<16xf32>,
        %swap3A_74 = arith.index_cast %add3A_53 : i32 to index
        %swap3A_75 = arith.constant 112 : index
        %swap3A_76 = tpu.vector_load %arg11[%swap3A_74, %swap3A_75] {strides = array<i32>} : memref<16x256xf32, #tpu.memory_space<vmem>>, vector<16xf32>,
        tpu.vector_store %arg11[%swap3A_74, %swap3A_75], %broadcast_in_dim3A_1 {strides = array<i32>} : memref<16x256xf32, #tpu.memory_space<vmem>>, vector<16xf32>,
        %swap3A_77 = arith.index_cast %add3A_53 : i32 to index
        %swap3A_78 = arith.constant 128 : index
        %swap3A_79 = tpu.vector_load %arg11[%swap3A_77, %swap3A_78] {strides = array<i32>} : memref<16x256xf32, #tpu.memory_space<vmem>>, vector<16xf32>,
        tpu.vector_store %arg11[%swap3A_77, %swap3A_78], %broadcast_in_dim3A_1 {strides = array<i32>} : memref<16x256xf32, #tpu.memory_space<vmem>>, vector<16xf32>,
        %swap3A_80 = arith.index_cast %add3A_53 : i32 to index
        %swap3A_81 = arith.constant 144 : index
        %swap3A_82 = tpu.vector_load %arg11[%swap3A_80, %swap3A_81] {strides = array<i32>} : memref<16x256xf32, #tpu.memory_space<vmem>>, vector<16xf32>,
        tpu.vector_store %arg11[%swap3A_80, %swap3A_81], %broadcast_in_dim3A_1 {strides = array<i32>} : memref<16x256xf32, #tpu.memory_space<vmem>>, vector<16xf32>,
        %swap3A_83 = arith.index_cast %add3A_53 : i32 to index
        %swap3A_84 = arith.constant 160 : index
        %swap3A_85 = tpu.vector_load %arg11[%swap3A_83, %swap3A_84] {strides = array<i32>} : memref<16x256xf32, #tpu.memory_space<vmem>>, vector<16xf32>,
        tpu.vector_store %arg11[%swap3A_83, %swap3A_84], %broadcast_in_dim3A_1 {strides = array<i32>} : memref<16x256xf32, #tpu.memory_space<vmem>>, vector<16xf32>,
        %swap3A_86 = arith.index_cast %add3A_53 : i32 to index
        %swap3A_87 = arith.constant 176 : index
        %swap3A_88 = tpu.vector_load %arg11[%swap3A_86, %swap3A_87] {strides = array<i32>} : memref<16x256xf32, #tpu.memory_space<vmem>>, vector<16xf32>,
        tpu.vector_store %arg11[%swap3A_86, %swap3A_87], %broadcast_in_dim3A_1 {strides = array<i32>} : memref<16x256xf32, #tpu.memory_space<vmem>>, vector<16xf32>,
        %swap3A_89 = arith.index_cast %add3A_53 : i32 to index
        %swap3A_90 = arith.constant 192 : index
        %swap3A_91 = tpu.vector_load %arg11[%swap3A_89, %swap3A_90] {strides = array<i32>} : memref<16x256xf32, #tpu.memory_space<vmem>>, vector<16xf32>,
        tpu.vector_store %arg11[%swap3A_89, %swap3A_90], %broadcast_in_dim3A_1 {strides = array<i32>} : memref<16x256xf32, #tpu.memory_space<vmem>>, vector<16xf32>,
        %swap3A_92 = arith.index_cast %add3A_53 : i32 to index
        %swap3A_93 = arith.constant 208 : index
        %swap3A_94 = tpu.vector_load %arg11[%swap3A_92, %swap3A_93] {strides = array<i32>} : memref<16x256xf32, #tpu.memory_space<vmem>>, vector<16xf32>,
        tpu.vector_store %arg11[%swap3A_92, %swap3A_93], %broadcast_in_dim3A_1 {strides = array<i32>} : memref<16x256xf32, #tpu.memory_space<vmem>>, vector<16xf32>,
        %swap3A_95 = arith.index_cast %add3A_53 : i32 to index
        %swap3A_96 = arith.constant 224 : index
        %swap3A_97 = tpu.vector_load %arg11[%swap3A_95, %swap3A_96] {strides = array<i32>} : memref<16x256xf32, #tpu.memory_space<vmem>>, vector<16xf32>,
        tpu.vector_store %arg11[%swap3A_95, %swap3A_96], %broadcast_in_dim3A_1 {strides = array<i32>} : memref<16x256xf32, #tpu.memory_space<vmem>>, vector<16xf32>,
        %swap3A_98 = arith.index_cast %add3A_53 : i32 to index
        %swap3A_99 = arith.constant 240 : index
        %swap3A_100 = tpu.vector_load %arg11[%swap3A_98, %swap3A_99] {strides = array<i32>} : memref<16x256xf32, #tpu.memory_space<vmem>>, vector<16xf32>,
        tpu.vector_store %arg11[%swap3A_98, %swap3A_99], %broadcast_in_dim3A_1 {strides = array<i32>} : memref<16x256xf32, #tpu.memory_space<vmem>>, vector<16xf32>,
      }
      %scan3A_19 = arith.constant 16 : i32
      %scan3A_20 = arith.constant 0 : i32
      %scan3A_21 = arith.constant 20 : i32
      %scan3A_22 = arith.addi %scan3A_20, %scan3A_21 : i32
      %scan3A_23 = arith.constant 1 : i32
      scf.for %scan3A_49 = %scan3A_20 to %scan3A_22 step %scan3A_23  : i32 {
        %mul3A_50 = arith.constant 1 : i32
        %mul3A_51 = arith.muli %scan3A_49, %mul3A_50 : i32
        %add3A_52 = arith.constant 0 : i32
        %add3A_53 = arith.addi %add3A_52, %mul3A_51 : i32
        %mul3A_54 = arith.constant 16 : i32
        %mul3A_55 = arith.muli %add3A_53, %mul3A_54 : i32
        %add3A_56 = arith.addi %mul3A_0, %mul3A_55 : i32
        "tpu.region"() ({
          %run_scoped3A = tpu.sem_alloc : memref<!tpu.dma_semaphore, #tpu.memory_space<semaphore_mem>>
          %dma_start3A = arith.constant 0 : i32
          %dma_start3A_57 = tpu.memref_slice %arg14[%add3A_56, %dma_start3A] : memref<5120x256xf32, #tpu.memory_space<vmem_shared>> -> memref<16x256xf32, #tpu.memory_space<vmem_shared>>
          %dma_start3A_58 = arith.constant 0 : i32
          %dma_start3A_59 = tpu.memref_slice %arg14[%add3A_56, %dma_start3A_58] : memref<5120x256xf32, #tpu.memory_space<vmem_shared>> -> memref<16x256xf32, #tpu.memory_space<vmem_shared>>
          tpu.enqueue_dma source(%arg11 : memref<16x256xf32, #tpu.memory_space<vmem>>) target(%dma_start3A_59 : memref<16x256xf32, #tpu.memory_space<vmem_shared>>) target_semaphore(%run_scoped3A : memref<!tpu.dma_semaphore, #tpu.memory_space<semaphore_mem>>)
          %dma_wait3A = arith.constant 0 : i32
          %dma_wait3A_60 = tpu.memref_slice %arg14[%add3A_56, %dma_wait3A] : memref<5120x256xf32, #tpu.memory_space<vmem_shared>> -> memref<16x256xf32, #tpu.memory_space<vmem_shared>>
          %dma_wait3A_61 = arith.constant 0 : i32
          %dma_wait3A_62 = tpu.memref_slice %arg14[%add3A_56, %dma_wait3A_61] : memref<5120x256xf32, #tpu.memory_space<vmem_shared>> -> memref<16x256xf32, #tpu.memory_space<vmem_shared>>
          tpu.wait_dma2 semaphore(%run_scoped3A : memref<!tpu.dma_semaphore, #tpu.memory_space<semaphore_mem>>) src(%arg11 : memref<16x256xf32, #tpu.memory_space<vmem>>) dst(%dma_wait3A_62 : memref<16x256xf32, #tpu.memory_space<vmem_shared>>)
          tpu.yield
        }) : () -> ()
      }
      %scan3A_24 = arith.constant 20 : i32
      %barrier3A_25 = arith.constant 0 : index
      tpu.barrier barrier_id(%barrier3A_25)
      %sub3A = arith.constant 1 : i32
      %sub3A_26 = arith.subi %add3A_14, %sub3A : i32
      %scan3A_27 = arith.constant 0 : i32
      %scan3A_28 = arith.constant 100 : i32
      %scan3A_29 = arith.addi %scan3A_27, %scan3A_28 : i32
      %scan3A_30 = arith.constant 1 : i32
      scf.for %scan3A_49 = %scan3A_27 to %scan3A_29 step %scan3A_30  : i32 {
        %mul3A_50 = arith.constant 1 : i32
        %mul3A_51 = arith.muli %scan3A_49, %mul3A_50 : i32
        %add3A_52 = arith.constant 0 : i32
        %add3A_53 = arith.addi %add3A_52, %mul3A_51 : i32
        "tpu.region"() ({
          %run_scoped3A = tpu.sem_alloc : memref<!tpu.dma_semaphore, #tpu.memory_space<semaphore_mem>>
          %dma_start3A = arith.constant 0 : i32
          %dma_start3A_59 = tpu.memref_slice %arg7[%add3A_53, %dma_start3A] : memref<100x50xi32, #tpu.memory_space<vmem>> -> memref<1x50xi32, #tpu.memory_space<vmem>>
          %dma_start3A_60 = tpu.memref_squeeze %dma_start3A_59 : memref<1x50xi32, #tpu.memory_space<vmem>> -> memref<50xi32, #tpu.memory_space<vmem>>
          %dma_start3A_61 = arith.constant 0 : i32
          %dma_start3A_62 = arith.constant 0 : i32
          %dma_start3A_63 = tpu.memref_slice %arg6[%sub3A_26, %arg0, %dma_start3A_61, %dma_start3A_62] : memref<25x2x5120x256xf32, #tpu.memory_space<hbm>> -> memref<1x1x5120x256xf32, #tpu.memory_space<hbm>>
          %dma_start3A_64 = tpu.memref_squeeze %dma_start3A_63 : memref<1x1x5120x256xf32, #tpu.memory_space<hbm>> -> memref<5120x256xf32, #tpu.memory_space<hbm>>
          %dma_start3A_65 = arith.constant 0 : i32
          %dma_start3A_66 = arith.constant 0 : i32
          %dma_start3A_67 = tpu.memref_slice %dma_start3A_64[%dma_start3A_65, %dma_start3A_66] : memref<5120x256xf32, #tpu.memory_space<hbm>> -> memref<5120x256xf32, #tpu.memory_space<hbm>>
          tpu.enqueue_indirect_dma source(%dma_start3A_67 : memref<5120x256xf32, #tpu.memory_space<hbm>>) target(%arg10 : memref<50x256xf32, #tpu.memory_space<vmem>>) offsets(%dma_start3A_60 : memref<50xi32, #tpu.memory_space<vmem>>) semaphore(%run_scoped3A : memref<!tpu.dma_semaphore, #tpu.memory_space<semaphore_mem>>)
          %dma_wait3A = arith.constant 0 : i32
          %dma_wait3A_68 = tpu.memref_slice %arg7[%add3A_53, %dma_wait3A] : memref<100x50xi32, #tpu.memory_space<vmem>> -> memref<1x50xi32, #tpu.memory_space<vmem>>
          %dma_wait3A_69 = tpu.memref_squeeze %dma_wait3A_68 : memref<1x50xi32, #tpu.memory_space<vmem>> -> memref<50xi32, #tpu.memory_space<vmem>>
          %dma_wait3A_70 = arith.constant 0 : i32
          %dma_wait3A_71 = arith.constant 0 : i32
          %dma_wait3A_72 = tpu.memref_slice %arg6[%sub3A_26, %arg0, %dma_wait3A_70, %dma_wait3A_71] : memref<25x2x5120x256xf32, #tpu.memory_space<hbm>> -> memref<1x1x5120x256xf32, #tpu.memory_space<hbm>>
          %dma_wait3A_73 = tpu.memref_squeeze %dma_wait3A_72 : memref<1x1x5120x256xf32, #tpu.memory_space<hbm>> -> memref<5120x256xf32, #tpu.memory_space<hbm>>
          %dma_wait3A_74 = arith.constant 0 : i32
          %dma_wait3A_75 = arith.constant 0 : i32
          %dma_wait3A_76 = tpu.memref_slice %dma_wait3A_73[%dma_wait3A_74, %dma_wait3A_75] : memref<5120x256xf32, #tpu.memory_space<hbm>> -> memref<5120x256xf32, #tpu.memory_space<hbm>>
          tpu.wait_indirect_dma semaphore(%run_scoped3A : memref<!tpu.dma_semaphore, #tpu.memory_space<semaphore_mem>>) src(%dma_wait3A_76 : memref<5120x256xf32, #tpu.memory_space<hbm>>) dst(%arg10 : memref<50x256xf32, #tpu.memory_space<vmem>>)
          tpu.yield
        }) : () -> ()
        %scan3A_54 = arith.constant 0 : i32
        %scan3A_55 = arith.constant 50 : i32
        %scan3A_56 = arith.addi %scan3A_54, %scan3A_55 : i32
        %scan3A_57 = arith.constant 1 : i32
        scf.for %scan3A_59 = %scan3A_54 to %scan3A_56 step %scan3A_57  : i32 {
          %mul3A_60 = arith.constant 1 : i32
          %mul3A_61 = arith.muli %scan3A_59, %mul3A_60 : i32
          %add3A_62 = arith.constant 0 : i32
          %add3A_63 = arith.addi %add3A_62, %mul3A_61 : i32
          %add3A_64 = arith.constant 0 : i32
          %add3A_65 = arith.addi %add3A_63, %add3A_64 : i32
          %broadcast_in_dim3A_66 = vector.broadcast %add3A_53 : i32 to vector<16xi32>
          %broadcast_in_dim3A_67 = vector.broadcast %add3A_65 : i32 to vector<16xi32>
          %gather3A = tpu.vector_load_idx %arg9[%broadcast_in_dim3A_66, %broadcast_in_dim3A_67] : memref<100x50xf32, #tpu.memory_space<vmem>>[vector<16xi32>, vector<16xi32>], vector<16xf32>,
          %get3A = arith.index_cast %add3A_65 : i32 to index
          %get3A_68 = arith.constant 0 : index
          %get3A_69 = tpu.vector_load %arg10[%get3A, %get3A_68] {strides = array<i32>} : memref<50x256xf32, #tpu.memory_space<vmem>>, vector<16xf32>,
          %mul3A_70 = arith.mulf %get3A_69, %gather3A : vector<16xf32>
          %swap3A = arith.index_cast %add3A_65 : i32 to index
          %swap3A_71 = arith.constant 0 : index
          %swap3A_72 = tpu.vector_load %arg10[%swap3A, %swap3A_71] {strides = array<i32>} : memref<50x256xf32, #tpu.memory_space<vmem>>, vector<16xf32>,
          tpu.vector_store %arg10[%swap3A, %swap3A_71], %mul3A_70 {strides = array<i32>} : memref<50x256xf32, #tpu.memory_space<vmem>>, vector<16xf32>,
          %get3A_73 = arith.index_cast %add3A_65 : i32 to index
          %get3A_74 = arith.constant 16 : index
          %get3A_75 = tpu.vector_load %arg10[%get3A_73, %get3A_74] {strides = array<i32>} : memref<50x256xf32, #tpu.memory_space<vmem>>, vector<16xf32>,
          %mul3A_76 = arith.mulf %get3A_75, %gather3A : vector<16xf32>
          %swap3A_77 = arith.index_cast %add3A_65 : i32 to index
          %swap3A_78 = arith.constant 16 : index
          %swap3A_79 = tpu.vector_load %arg10[%swap3A_77, %swap3A_78] {strides = array<i32>} : memref<50x256xf32, #tpu.memory_space<vmem>>, vector<16xf32>,
          tpu.vector_store %arg10[%swap3A_77, %swap3A_78], %mul3A_76 {strides = array<i32>} : memref<50x256xf32, #tpu.memory_space<vmem>>, vector<16xf32>,
          %get3A_80 = arith.index_cast %add3A_65 : i32 to index
          %get3A_81 = arith.constant 32 : index
          %get3A_82 = tpu.vector_load %arg10[%get3A_80, %get3A_81] {strides = array<i32>} : memref<50x256xf32, #tpu.memory_space<vmem>>, vector<16xf32>,
          %mul3A_83 = arith.mulf %get3A_82, %gather3A : vector<16xf32>
          %swap3A_84 = arith.index_cast %add3A_65 : i32 to index
          %swap3A_85 = arith.constant 32 : index
          %swap3A_86 = tpu.vector_load %arg10[%swap3A_84, %swap3A_85] {strides = array<i32>} : memref<50x256xf32, #tpu.memory_space<vmem>>, vector<16xf32>,
          tpu.vector_store %arg10[%swap3A_84, %swap3A_85], %mul3A_83 {strides = array<i32>} : memref<50x256xf32, #tpu.memory_space<vmem>>, vector<16xf32>,
          %get3A_87 = arith.index_cast %add3A_65 : i32 to index
          %get3A_88 = arith.constant 48 : index
          %get3A_89 = tpu.vector_load %arg10[%get3A_87, %get3A_88] {strides = array<i32>} : memref<50x256xf32, #tpu.memory_space<vmem>>, vector<16xf32>,
          %mul3A_90 = arith.mulf %get3A_89, %gather3A : vector<16xf32>
          %swap3A_91 = arith.index_cast %add3A_65 : i32 to index
          %swap3A_92 = arith.constant 48 : index
          %swap3A_93 = tpu.vector_load %arg10[%swap3A_91, %swap3A_92] {strides = array<i32>} : memref<50x256xf32, #tpu.memory_space<vmem>>, vector<16xf32>,
          tpu.vector_store %arg10[%swap3A_91, %swap3A_92], %mul3A_90 {strides = array<i32>} : memref<50x256xf32, #tpu.memory_space<vmem>>, vector<16xf32>,
          %get3A_94 = arith.index_cast %add3A_65 : i32 to index
          %get3A_95 = arith.constant 64 : index
          %get3A_96 = tpu.vector_load %arg10[%get3A_94, %get3A_95] {strides = array<i32>} : memref<50x256xf32, #tpu.memory_space<vmem>>, vector<16xf32>,
          %mul3A_97 = arith.mulf %get3A_96, %gather3A : vector<16xf32>
          %swap3A_98 = arith.index_cast %add3A_65 : i32 to index
          %swap3A_99 = arith.constant 64 : index
          %swap3A_100 = tpu.vector_load %arg10[%swap3A_98, %swap3A_99] {strides = array<i32>} : memref<50x256xf32, #tpu.memory_space<vmem>>, vector<16xf32>,
          tpu.vector_store %arg10[%swap3A_98, %swap3A_99], %mul3A_97 {strides = array<i32>} : memref<50x256xf32, #tpu.memory_space<vmem>>, vector<16xf32>,
          %get3A_101 = arith.index_cast %add3A_65 : i32 to index
          %get3A_102 = arith.constant 80 : index
          %get3A_103 = tpu.vector_load %arg10[%get3A_101, %get3A_102] {strides = array<i32>} : memref<50x256xf32, #tpu.memory_space<vmem>>, vector<16xf32>,
          %mul3A_104 = arith.mulf %get3A_103, %gather3A : vector<16xf32>
          %swap3A_105 = arith.index_cast %add3A_65 : i32 to index
          %swap3A_106 = arith.constant 80 : index
          %swap3A_107 = tpu.vector_load %arg10[%swap3A_105, %swap3A_106] {strides = array<i32>} : memref<50x256xf32, #tpu.memory_space<vmem>>, vector<16xf32>,
          tpu.vector_store %arg10[%swap3A_105, %swap3A_106], %mul3A_104 {strides = array<i32>} : memref<50x256xf32, #tpu.memory_space<vmem>>, vector<16xf32>,
          %get3A_108 = arith.index_cast %add3A_65 : i32 to index
          %get3A_109 = arith.constant 96 : index
          %get3A_110 = tpu.vector_load %arg10[%get3A_108, %get3A_109] {strides = array<i32>} : memref<50x256xf32, #tpu.memory_space<vmem>>, vector<16xf32>,
          %mul3A_111 = arith.mulf %get3A_110, %gather3A : vector<16xf32>
          %swap3A_112 = arith.index_cast %add3A_65 : i32 to index
          %swap3A_113 = arith.constant 96 : index
          %swap3A_114 = tpu.vector_load %arg10[%swap3A_112, %swap3A_113] {strides = array<i32>} : memref<50x256xf32, #tpu.memory_space<vmem>>, vector<16xf32>,
          tpu.vector_store %arg10[%swap3A_112, %swap3A_113], %mul3A_111 {strides = array<i32>} : memref<50x256xf32, #tpu.memory_space<vmem>>, vector<16xf32>,
          %get3A_115 = arith.index_cast %add3A_65 : i32 to index
          %get3A_116 = arith.constant 112 : index
          %get3A_117 = tpu.vector_load %arg10[%get3A_115, %get3A_116] {strides = array<i32>} : memref<50x256xf32, #tpu.memory_space<vmem>>, vector<16xf32>,
          %mul3A_118 = arith.mulf %get3A_117, %gather3A : vector<16xf32>
          %swap3A_119 = arith.index_cast %add3A_65 : i32 to index
          %swap3A_120 = arith.constant 112 : index
          %swap3A_121 = tpu.vector_load %arg10[%swap3A_119, %swap3A_120] {strides = array<i32>} : memref<50x256xf32, #tpu.memory_space<vmem>>, vector<16xf32>,
          tpu.vector_store %arg10[%swap3A_119, %swap3A_120], %mul3A_118 {strides = array<i32>} : memref<50x256xf32, #tpu.memory_space<vmem>>, vector<16xf32>,
          %get3A_122 = arith.index_cast %add3A_65 : i32 to index
          %get3A_123 = arith.constant 128 : index
          %get3A_124 = tpu.vector_load %arg10[%get3A_122, %get3A_123] {strides = array<i32>} : memref<50x256xf32, #tpu.memory_space<vmem>>, vector<16xf32>,
          %mul3A_125 = arith.mulf %get3A_124, %gather3A : vector<16xf32>
          %swap3A_126 = arith.index_cast %add3A_65 : i32 to index
          %swap3A_127 = arith.constant 128 : index
          %swap3A_128 = tpu.vector_load %arg10[%swap3A_126, %swap3A_127] {strides = array<i32>} : memref<50x256xf32, #tpu.memory_space<vmem>>, vector<16xf32>,
          tpu.vector_store %arg10[%swap3A_126, %swap3A_127], %mul3A_125 {strides = array<i32>} : memref<50x256xf32, #tpu.memory_space<vmem>>, vector<16xf32>,
          %get3A_129 = arith.index_cast %add3A_65 : i32 to index
          %get3A_130 = arith.constant 144 : index
          %get3A_131 = tpu.vector_load %arg10[%get3A_129, %get3A_130] {strides = array<i32>} : memref<50x256xf32, #tpu.memory_space<vmem>>, vector<16xf32>,
          %mul3A_132 = arith.mulf %get3A_131, %gather3A : vector<16xf32>
          %swap3A_133 = arith.index_cast %add3A_65 : i32 to index
          %swap3A_134 = arith.constant 144 : index
          %swap3A_135 = tpu.vector_load %arg10[%swap3A_133, %swap3A_134] {strides = array<i32>} : memref<50x256xf32, #tpu.memory_space<vmem>>, vector<16xf32>,
          tpu.vector_store %arg10[%swap3A_133, %swap3A_134], %mul3A_132 {strides = array<i32>} : memref<50x256xf32, #tpu.memory_space<vmem>>, vector<16xf32>,
          %get3A_136 = arith.index_cast %add3A_65 : i32 to index
          %get3A_137 = arith.constant 160 : index
          %get3A_138 = tpu.vector_load %arg10[%get3A_136, %get3A_137] {strides = array<i32>} : memref<50x256xf32, #tpu.memory_space<vmem>>, vector<16xf32>,
          %mul3A_139 = arith.mulf %get3A_138, %gather3A : vector<16xf32>
          %swap3A_140 = arith.index_cast %add3A_65 : i32 to index
          %swap3A_141 = arith.constant 160 : index
          %swap3A_142 = tpu.vector_load %arg10[%swap3A_140, %swap3A_141] {strides = array<i32>} : memref<50x256xf32, #tpu.memory_space<vmem>>, vector<16xf32>,
          tpu.vector_store %arg10[%swap3A_140, %swap3A_141], %mul3A_139 {strides = array<i32>} : memref<50x256xf32, #tpu.memory_space<vmem>>, vector<16xf32>,
          %get3A_143 = arith.index_cast %add3A_65 : i32 to index
          %get3A_144 = arith.constant 176 : index
          %get3A_145 = tpu.vector_load %arg10[%get3A_143, %get3A_144] {strides = array<i32>} : memref<50x256xf32, #tpu.memory_space<vmem>>, vector<16xf32>,
          %mul3A_146 = arith.mulf %get3A_145, %gather3A : vector<16xf32>
          %swap3A_147 = arith.index_cast %add3A_65 : i32 to index
          %swap3A_148 = arith.constant 176 : index
          %swap3A_149 = tpu.vector_load %arg10[%swap3A_147, %swap3A_148] {strides = array<i32>} : memref<50x256xf32, #tpu.memory_space<vmem>>, vector<16xf32>,
          tpu.vector_store %arg10[%swap3A_147, %swap3A_148], %mul3A_146 {strides = array<i32>} : memref<50x256xf32, #tpu.memory_space<vmem>>, vector<16xf32>,
          %get3A_150 = arith.index_cast %add3A_65 : i32 to index
          %get3A_151 = arith.constant 192 : index
          %get3A_152 = tpu.vector_load %arg10[%get3A_150, %get3A_151] {strides = array<i32>} : memref<50x256xf32, #tpu.memory_space<vmem>>, vector<16xf32>,
          %mul3A_153 = arith.mulf %get3A_152, %gather3A : vector<16xf32>
          %swap3A_154 = arith.index_cast %add3A_65 : i32 to index
          %swap3A_155 = arith.constant 192 : index
          %swap3A_156 = tpu.vector_load %arg10[%swap3A_154, %swap3A_155] {strides = array<i32>} : memref<50x256xf32, #tpu.memory_space<vmem>>, vector<16xf32>,
          tpu.vector_store %arg10[%swap3A_154, %swap3A_155], %mul3A_153 {strides = array<i32>} : memref<50x256xf32, #tpu.memory_space<vmem>>, vector<16xf32>,
          %get3A_157 = arith.index_cast %add3A_65 : i32 to index
          %get3A_158 = arith.constant 208 : index
          %get3A_159 = tpu.vector_load %arg10[%get3A_157, %get3A_158] {strides = array<i32>} : memref<50x256xf32, #tpu.memory_space<vmem>>, vector<16xf32>,
          %mul3A_160 = arith.mulf %get3A_159, %gather3A : vector<16xf32>
          %swap3A_161 = arith.index_cast %add3A_65 : i32 to index
          %swap3A_162 = arith.constant 208 : index
          %swap3A_163 = tpu.vector_load %arg10[%swap3A_161, %swap3A_162] {strides = array<i32>} : memref<50x256xf32, #tpu.memory_space<vmem>>, vector<16xf32>,
          tpu.vector_store %arg10[%swap3A_161, %swap3A_162], %mul3A_160 {strides = array<i32>} : memref<50x256xf32, #tpu.memory_space<vmem>>, vector<16xf32>,
          %get3A_164 = arith.index_cast %add3A_65 : i32 to index
          %get3A_165 = arith.constant 224 : index
          %get3A_166 = tpu.vector_load %arg10[%get3A_164, %get3A_165] {strides = array<i32>} : memref<50x256xf32, #tpu.memory_space<vmem>>, vector<16xf32>,
          %mul3A_167 = arith.mulf %get3A_166, %gather3A : vector<16xf32>
          %swap3A_168 = arith.index_cast %add3A_65 : i32 to index
          %swap3A_169 = arith.constant 224 : index
          %swap3A_170 = tpu.vector_load %arg10[%swap3A_168, %swap3A_169] {strides = array<i32>} : memref<50x256xf32, #tpu.memory_space<vmem>>, vector<16xf32>,
          tpu.vector_store %arg10[%swap3A_168, %swap3A_169], %mul3A_167 {strides = array<i32>} : memref<50x256xf32, #tpu.memory_space<vmem>>, vector<16xf32>,
          %get3A_171 = arith.index_cast %add3A_65 : i32 to index
          %get3A_172 = arith.constant 240 : index
          %get3A_173 = tpu.vector_load %arg10[%get3A_171, %get3A_172] {strides = array<i32>} : memref<50x256xf32, #tpu.memory_space<vmem>>, vector<16xf32>,
          %mul3A_174 = arith.mulf %get3A_173, %gather3A : vector<16xf32>
          %swap3A_175 = arith.index_cast %add3A_65 : i32 to index
          %swap3A_176 = arith.constant 240 : index
          %swap3A_177 = tpu.vector_load %arg10[%swap3A_175, %swap3A_176] {strides = array<i32>} : memref<50x256xf32, #tpu.memory_space<vmem>>, vector<16xf32>,
          tpu.vector_store %arg10[%swap3A_175, %swap3A_176], %mul3A_174 {strides = array<i32>} : memref<50x256xf32, #tpu.memory_space<vmem>>, vector<16xf32>,
        }
        %scan3A_58 = arith.constant 50 : i32
        "tpu.region"() ({
          %run_scoped3A = tpu.sem_alloc : memref<!tpu.dma_semaphore, #tpu.memory_space<semaphore_mem>>
          %dma_start3A = arith.constant 0 : i32
          %dma_start3A_59 = tpu.memref_slice %arg8[%add3A_53, %dma_start3A] : memref<100x50xi32, #tpu.memory_space<vmem>> -> memref<1x50xi32, #tpu.memory_space<vmem>>
          %dma_start3A_60 = tpu.memref_squeeze %dma_start3A_59 : memref<1x50xi32, #tpu.memory_space<vmem>> -> memref<50xi32, #tpu.memory_space<vmem>>
          %dma_start3A_61 = arith.constant 0 : i32
          %dma_start3A_62 = arith.constant 0 : i32
          %dma_start3A_63 = tpu.memref_slice %arg14[%dma_start3A_61, %dma_start3A_62] : memref<5120x256xf32, #tpu.memory_space<vmem_shared>> -> memref<5120x256xf32, #tpu.memory_space<vmem_shared>>
          tpu.enqueue_indirect_dma source(%arg10 : memref<50x256xf32, #tpu.memory_space<vmem>>) target(%dma_start3A_63 : memref<5120x256xf32, #tpu.memory_space<vmem_shared>>) offsets(%dma_start3A_60 : memref<50xi32, #tpu.memory_space<vmem>>) semaphore(%run_scoped3A : memref<!tpu.dma_semaphore, #tpu.memory_space<semaphore_mem>>) {add = true}
          %dma_wait3A = arith.constant 0 : i32
          %dma_wait3A_64 = tpu.memref_slice %arg8[%add3A_53, %dma_wait3A] : memref<100x50xi32, #tpu.memory_space<vmem>> -> memref<1x50xi32, #tpu.memory_space<vmem>>
          %dma_wait3A_65 = tpu.memref_squeeze %dma_wait3A_64 : memref<1x50xi32, #tpu.memory_space<vmem>> -> memref<50xi32, #tpu.memory_space<vmem>>
          %dma_wait3A_66 = arith.constant 0 : i32
          %dma_wait3A_67 = arith.constant 0 : i32
          %dma_wait3A_68 = tpu.memref_slice %arg14[%dma_wait3A_66, %dma_wait3A_67] : memref<5120x256xf32, #tpu.memory_space<vmem_shared>> -> memref<5120x256xf32, #tpu.memory_space<vmem_shared>>
          tpu.wait_indirect_dma semaphore(%run_scoped3A : memref<!tpu.dma_semaphore, #tpu.memory_space<semaphore_mem>>) src(%arg10 : memref<50x256xf32, #tpu.memory_space<vmem>>) dst(%dma_wait3A_68 : memref<5120x256xf32, #tpu.memory_space<vmem_shared>>)
          tpu.yield
        }) : () -> ()
      }
      %scan3A_31 = arith.constant 100 : i32
      %barrier3A_32 = arith.constant 0 : index
      tpu.barrier barrier_id(%barrier3A_32)
      %eq3A = arith.constant 1 : i32
      %eq3A_33 = arith.cmpi eq, %add3A_14, %eq3A : i32
      %jit3A = arith.constant 1.000000e+00 : f32
      %jit3A_34 = arith.constant 2.000000e+00 : f32
      %select_n3A = arith.select %eq3A_33, %jit3A, %jit3A_34 : f32
      %eq3A_35 = arith.constant 1 : i32
      %eq3A_36 = arith.cmpi eq, %add3A_14, %eq3A_35 : i32
      %jit3A_37 = arith.constant 0.000000e+00 : f32
      %jit3A_38 = arith.constant 1.000000e+00 : f32
      %select_n3A_39 = arith.select %eq3A_36, %jit3A_37, %jit3A_38 : f32
      %sub3A_40 = arith.constant 2 : i32
      %sub3A_41 = arith.subi %add3A_14, %sub3A_40 : i32
      %max3A = arith.constant 0 : i32
      %max3A_42 = arith.maxsi %sub3A_41, %max3A : i32
      %scan3A_43 = arith.constant 0 : i32
      %scan3A_44 = arith.constant 20 : i32
      %scan3A_45 = arith.addi %scan3A_43, %scan3A_44 : i32
      %scan3A_46 = arith.constant 1 : i32
      scf.for %scan3A_49 = %scan3A_43 to %scan3A_45 step %scan3A_46  : i32 {
        %mul3A_50 = arith.constant 1 : i32
        %mul3A_51 = arith.muli %scan3A_49, %mul3A_50 : i32
        %add3A_52 = arith.constant 0 : i32
        %add3A_53 = arith.addi %add3A_52, %mul3A_51 : i32
        %mul3A_54 = arith.constant 16 : i32
        %mul3A_55 = arith.muli %add3A_53, %mul3A_54 : i32
        %add3A_56 = arith.addi %mul3A_0, %mul3A_55 : i32
        "tpu.region"() ({
          %run_scoped3A = tpu.sem_alloc : memref<!tpu.dma_semaphore, #tpu.memory_space<semaphore_mem>>
          %dma_start3A = arith.constant 0 : i32
          %dma_start3A_64 = tpu.memref_slice %arg14[%add3A_56, %dma_start3A] : memref<5120x256xf32, #tpu.memory_space<vmem_shared>> -> memref<16x256xf32, #tpu.memory_space<vmem_shared>>
          %dma_start3A_65 = arith.constant 0 : i32
          %dma_start3A_66 = tpu.memref_slice %arg14[%add3A_56, %dma_start3A_65] : memref<5120x256xf32, #tpu.memory_space<vmem_shared>> -> memref<16x256xf32, #tpu.memory_space<vmem_shared>>
          tpu.enqueue_dma source(%dma_start3A_66 : memref<16x256xf32, #tpu.memory_space<vmem_shared>>) target(%arg11 : memref<16x256xf32, #tpu.memory_space<vmem>>) target_semaphore(%run_scoped3A : memref<!tpu.dma_semaphore, #tpu.memory_space<semaphore_mem>>)
          %dma_wait3A = arith.constant 0 : i32
          %dma_wait3A_67 = tpu.memref_slice %arg14[%add3A_56, %dma_wait3A] : memref<5120x256xf32, #tpu.memory_space<vmem_shared>> -> memref<16x256xf32, #tpu.memory_space<vmem_shared>>
          %dma_wait3A_68 = arith.constant 0 : i32
          %dma_wait3A_69 = tpu.memref_slice %arg14[%add3A_56, %dma_wait3A_68] : memref<5120x256xf32, #tpu.memory_space<vmem_shared>> -> memref<16x256xf32, #tpu.memory_space<vmem_shared>>
          tpu.wait_dma2 semaphore(%run_scoped3A : memref<!tpu.dma_semaphore, #tpu.memory_space<semaphore_mem>>) src(%dma_wait3A_69 : memref<16x256xf32, #tpu.memory_space<vmem_shared>>) dst(%arg11 : memref<16x256xf32, #tpu.memory_space<vmem>>)
          tpu.yield
        }) : () -> ()
        %sub3A_57 = arith.constant 1 : i32
        %sub3A_58 = arith.subi %add3A_14, %sub3A_57 : i32
        "tpu.region"() ({
          %run_scoped3A = tpu.sem_alloc : memref<!tpu.dma_semaphore, #tpu.memory_space<semaphore_mem>>
          %dma_start3A = arith.constant 0 : i32
          %dma_start3A_64 = tpu.memref_slice %arg6[%sub3A_58, %arg0, %add3A_56, %dma_start3A] : memref<25x2x5120x256xf32, #tpu.memory_space<hbm>> -> memref<1x1x16x256xf32, #tpu.memory_space<hbm>>
          %dma_start3A_65 = tpu.memref_squeeze %dma_start3A_64 : memref<1x1x16x256xf32, #tpu.memory_space<hbm>> -> memref<16x256xf32, #tpu.memory_space<hbm>>
          %dma_start3A_66 = arith.constant 0 : i32
          %dma_start3A_67 = tpu.memref_slice %arg6[%sub3A_58, %arg0, %add3A_56, %dma_start3A_66] : memref<25x2x5120x256xf32, #tpu.memory_space<hbm>> -> memref<1x1x16x256xf32, #tpu.memory_space<hbm>>
          %dma_start3A_68 = tpu.memref_squeeze %dma_start3A_67 : memref<1x1x16x256xf32, #tpu.memory_space<hbm>> -> memref<16x256xf32, #tpu.memory_space<hbm>>
          tpu.enqueue_dma source(%dma_start3A_68 : memref<16x256xf32, #tpu.memory_space<hbm>>) target(%arg12 : memref<16x256xf32, #tpu.memory_space<vmem>>) target_semaphore(%run_scoped3A : memref<!tpu.dma_semaphore, #tpu.memory_space<semaphore_mem>>)
          %dma_wait3A = arith.constant 0 : i32
          %dma_wait3A_69 = tpu.memref_slice %arg6[%sub3A_58, %arg0, %add3A_56, %dma_wait3A] : memref<25x2x5120x256xf32, #tpu.memory_space<hbm>> -> memref<1x1x16x256xf32, #tpu.memory_space<hbm>>
          %dma_wait3A_70 = tpu.memref_squeeze %dma_wait3A_69 : memref<1x1x16x256xf32, #tpu.memory_space<hbm>> -> memref<16x256xf32, #tpu.memory_space<hbm>>
          %dma_wait3A_71 = arith.constant 0 : i32
          %dma_wait3A_72 = tpu.memref_slice %arg6[%sub3A_58, %arg0, %add3A_56, %dma_wait3A_71] : memref<25x2x5120x256xf32, #tpu.memory_space<hbm>> -> memref<1x1x16x256xf32, #tpu.memory_space<hbm>>
          %dma_wait3A_73 = tpu.memref_squeeze %dma_wait3A_72 : memref<1x1x16x256xf32, #tpu.memory_space<hbm>> -> memref<16x256xf32, #tpu.memory_space<hbm>>
          tpu.wait_dma2 semaphore(%run_scoped3A : memref<!tpu.dma_semaphore, #tpu.memory_space<semaphore_mem>>) src(%dma_wait3A_73 : memref<16x256xf32, #tpu.memory_space<hbm>>) dst(%arg12 : memref<16x256xf32, #tpu.memory_space<vmem>>)
          tpu.yield
        }) : () -> ()
        "tpu.region"() ({
          %run_scoped3A = tpu.sem_alloc : memref<!tpu.dma_semaphore, #tpu.memory_space<semaphore_mem>>
          %dma_start3A = arith.constant 0 : i32
          %dma_start3A_64 = tpu.memref_slice %arg6[%max3A_42, %arg0, %add3A_56, %dma_start3A] : memref<25x2x5120x256xf32, #tpu.memory_space<hbm>> -> memref<1x1x16x256xf32, #tpu.memory_space<hbm>>
          %dma_start3A_65 = tpu.memref_squeeze %dma_start3A_64 : memref<1x1x16x256xf32, #tpu.memory_space<hbm>> -> memref<16x256xf32, #tpu.memory_space<hbm>>
          %dma_start3A_66 = arith.constant 0 : i32
          %dma_start3A_67 = tpu.memref_slice %arg6[%max3A_42, %arg0, %add3A_56, %dma_start3A_66] : memref<25x2x5120x256xf32, #tpu.memory_space<hbm>> -> memref<1x1x16x256xf32, #tpu.memory_space<hbm>>
          %dma_start3A_68 = tpu.memref_squeeze %dma_start3A_67 : memref<1x1x16x256xf32, #tpu.memory_space<hbm>> -> memref<16x256xf32, #tpu.memory_space<hbm>>
          tpu.enqueue_dma source(%dma_start3A_68 : memref<16x256xf32, #tpu.memory_space<hbm>>) target(%arg13 : memref<16x256xf32, #tpu.memory_space<vmem>>) target_semaphore(%run_scoped3A : memref<!tpu.dma_semaphore, #tpu.memory_space<semaphore_mem>>)
          %dma_wait3A = arith.constant 0 : i32
          %dma_wait3A_69 = tpu.memref_slice %arg6[%max3A_42, %arg0, %add3A_56, %dma_wait3A] : memref<25x2x5120x256xf32, #tpu.memory_space<hbm>> -> memref<1x1x16x256xf32, #tpu.memory_space<hbm>>
          %dma_wait3A_70 = tpu.memref_squeeze %dma_wait3A_69 : memref<1x1x16x256xf32, #tpu.memory_space<hbm>> -> memref<16x256xf32, #tpu.memory_space<hbm>>
          %dma_wait3A_71 = arith.constant 0 : i32
          %dma_wait3A_72 = tpu.memref_slice %arg6[%max3A_42, %arg0, %add3A_56, %dma_wait3A_71] : memref<25x2x5120x256xf32, #tpu.memory_space<hbm>> -> memref<1x1x16x256xf32, #tpu.memory_space<hbm>>
          %dma_wait3A_73 = tpu.memref_squeeze %dma_wait3A_72 : memref<1x1x16x256xf32, #tpu.memory_space<hbm>> -> memref<16x256xf32, #tpu.memory_space<hbm>>
          tpu.wait_dma2 semaphore(%run_scoped3A : memref<!tpu.dma_semaphore, #tpu.memory_space<semaphore_mem>>) src(%dma_wait3A_73 : memref<16x256xf32, #tpu.memory_space<hbm>>) dst(%arg13 : memref<16x256xf32, #tpu.memory_space<vmem>>)
          tpu.yield
        }) : () -> ()
        %scan3A_59 = arith.constant 0 : i32
        %scan3A_60 = arith.constant 16 : i32
        %scan3A_61 = arith.addi %scan3A_59, %scan3A_60 : i32
        %scan3A_62 = arith.constant 1 : i32
        scf.for %scan3A_64 = %scan3A_59 to %scan3A_61 step %scan3A_62  : i32 {
          %mul3A_65 = arith.constant 1 : i32
          %mul3A_66 = arith.muli %scan3A_64, %mul3A_65 : i32
          %add3A_67 = arith.constant 0 : i32
          %add3A_68 = arith.addi %add3A_67, %mul3A_66 : i32
          %add3A_69 = arith.constant 0 : i32
          %add3A_70 = arith.addi %add3A_68, %add3A_69 : i32
          %get3A = arith.index_cast %add3A_70 : i32 to index
          %get3A_71 = arith.constant 0 : index
          %get3A_72 = tpu.vector_load %arg11[%get3A, %get3A_71] {strides = array<i32>} : memref<16x256xf32, #tpu.memory_space<vmem>>, vector<16xf32>,
          %mul3A_73 = vector.broadcast %select_n3A : f32 to vector<16xf32>
          %mul3A_74 = arith.mulf %mul3A_73, %get3A_72 : vector<16xf32>
          %get3A_75 = arith.index_cast %add3A_70 : i32 to index
          %get3A_76 = arith.constant 0 : index
          %get3A_77 = tpu.vector_load %arg12[%get3A_75, %get3A_76] {strides = array<i32>} : memref<16x256xf32, #tpu.memory_space<vmem>>, vector<16xf32>,
          %mul3A_78 = vector.broadcast %select_n3A : f32 to vector<16xf32>
          %mul3A_79 = arith.mulf %mul3A_78, %get3A_77 : vector<16xf32>
          %sub3A_80 = arith.subf %mul3A_74, %mul3A_79 : vector<16xf32>
          %get3A_81 = arith.index_cast %add3A_70 : i32 to index
          %get3A_82 = arith.constant 0 : index
          %get3A_83 = tpu.vector_load %arg13[%get3A_81, %get3A_82] {strides = array<i32>} : memref<16x256xf32, #tpu.memory_space<vmem>>, vector<16xf32>,
          %mul3A_84 = vector.broadcast %select_n3A_39 : f32 to vector<16xf32>
          %mul3A_85 = arith.mulf %mul3A_84, %get3A_83 : vector<16xf32>
          %sub3A_86 = arith.subf %sub3A_80, %mul3A_85 : vector<16xf32>
          %swap3A = arith.index_cast %add3A_70 : i32 to index
          %swap3A_87 = arith.constant 0 : index
          %swap3A_88 = tpu.vector_load %arg11[%swap3A, %swap3A_87] {strides = array<i32>} : memref<16x256xf32, #tpu.memory_space<vmem>>, vector<16xf32>,
          tpu.vector_store %arg11[%swap3A, %swap3A_87], %sub3A_86 {strides = array<i32>} : memref<16x256xf32, #tpu.memory_space<vmem>>, vector<16xf32>,
          %get3A_89 = arith.index_cast %add3A_70 : i32 to index
          %get3A_90 = arith.constant 16 : index
          %get3A_91 = tpu.vector_load %arg11[%get3A_89, %get3A_90] {strides = array<i32>} : memref<16x256xf32, #tpu.memory_space<vmem>>, vector<16xf32>,
          %mul3A_92 = vector.broadcast %select_n3A : f32 to vector<16xf32>
          %mul3A_93 = arith.mulf %mul3A_92, %get3A_91 : vector<16xf32>
          %get3A_94 = arith.index_cast %add3A_70 : i32 to index
          %get3A_95 = arith.constant 16 : index
          %get3A_96 = tpu.vector_load %arg12[%get3A_94, %get3A_95] {strides = array<i32>} : memref<16x256xf32, #tpu.memory_space<vmem>>, vector<16xf32>,
          %mul3A_97 = vector.broadcast %select_n3A : f32 to vector<16xf32>
          %mul3A_98 = arith.mulf %mul3A_97, %get3A_96 : vector<16xf32>
          %sub3A_99 = arith.subf %mul3A_93, %mul3A_98 : vector<16xf32>
          %get3A_100 = arith.index_cast %add3A_70 : i32 to index
          %get3A_101 = arith.constant 16 : index
          %get3A_102 = tpu.vector_load %arg13[%get3A_100, %get3A_101] {strides = array<i32>} : memref<16x256xf32, #tpu.memory_space<vmem>>, vector<16xf32>,
          %mul3A_103 = vector.broadcast %select_n3A_39 : f32 to vector<16xf32>
          %mul3A_104 = arith.mulf %mul3A_103, %get3A_102 : vector<16xf32>
          %sub3A_105 = arith.subf %sub3A_99, %mul3A_104 : vector<16xf32>
          %swap3A_106 = arith.index_cast %add3A_70 : i32 to index
          %swap3A_107 = arith.constant 16 : index
          %swap3A_108 = tpu.vector_load %arg11[%swap3A_106, %swap3A_107] {strides = array<i32>} : memref<16x256xf32, #tpu.memory_space<vmem>>, vector<16xf32>,
          tpu.vector_store %arg11[%swap3A_106, %swap3A_107], %sub3A_105 {strides = array<i32>} : memref<16x256xf32, #tpu.memory_space<vmem>>, vector<16xf32>,
          %get3A_109 = arith.index_cast %add3A_70 : i32 to index
          %get3A_110 = arith.constant 32 : index
          %get3A_111 = tpu.vector_load %arg11[%get3A_109, %get3A_110] {strides = array<i32>} : memref<16x256xf32, #tpu.memory_space<vmem>>, vector<16xf32>,
          %mul3A_112 = vector.broadcast %select_n3A : f32 to vector<16xf32>
          %mul3A_113 = arith.mulf %mul3A_112, %get3A_111 : vector<16xf32>
          %get3A_114 = arith.index_cast %add3A_70 : i32 to index
          %get3A_115 = arith.constant 32 : index
          %get3A_116 = tpu.vector_load %arg12[%get3A_114, %get3A_115] {strides = array<i32>} : memref<16x256xf32, #tpu.memory_space<vmem>>, vector<16xf32>,
          %mul3A_117 = vector.broadcast %select_n3A : f32 to vector<16xf32>
          %mul3A_118 = arith.mulf %mul3A_117, %get3A_116 : vector<16xf32>
          %sub3A_119 = arith.subf %mul3A_113, %mul3A_118 : vector<16xf32>
          %get3A_120 = arith.index_cast %add3A_70 : i32 to index
          %get3A_121 = arith.constant 32 : index
          %get3A_122 = tpu.vector_load %arg13[%get3A_120, %get3A_121] {strides = array<i32>} : memref<16x256xf32, #tpu.memory_space<vmem>>, vector<16xf32>,
          %mul3A_123 = vector.broadcast %select_n3A_39 : f32 to vector<16xf32>
          %mul3A_124 = arith.mulf %mul3A_123, %get3A_122 : vector<16xf32>
          %sub3A_125 = arith.subf %sub3A_119, %mul3A_124 : vector<16xf32>
          %swap3A_126 = arith.index_cast %add3A_70 : i32 to index
          %swap3A_127 = arith.constant 32 : index
          %swap3A_128 = tpu.vector_load %arg11[%swap3A_126, %swap3A_127] {strides = array<i32>} : memref<16x256xf32, #tpu.memory_space<vmem>>, vector<16xf32>,
          tpu.vector_store %arg11[%swap3A_126, %swap3A_127], %sub3A_125 {strides = array<i32>} : memref<16x256xf32, #tpu.memory_space<vmem>>, vector<16xf32>,
          %get3A_129 = arith.index_cast %add3A_70 : i32 to index
          %get3A_130 = arith.constant 48 : index
          %get3A_131 = tpu.vector_load %arg11[%get3A_129, %get3A_130] {strides = array<i32>} : memref<16x256xf32, #tpu.memory_space<vmem>>, vector<16xf32>,
          %mul3A_132 = vector.broadcast %select_n3A : f32 to vector<16xf32>
          %mul3A_133 = arith.mulf %mul3A_132, %get3A_131 : vector<16xf32>
          %get3A_134 = arith.index_cast %add3A_70 : i32 to index
          %get3A_135 = arith.constant 48 : index
          %get3A_136 = tpu.vector_load %arg12[%get3A_134, %get3A_135] {strides = array<i32>} : memref<16x256xf32, #tpu.memory_space<vmem>>, vector<16xf32>,
          %mul3A_137 = vector.broadcast %select_n3A : f32 to vector<16xf32>
          %mul3A_138 = arith.mulf %mul3A_137, %get3A_136 : vector<16xf32>
          %sub3A_139 = arith.subf %mul3A_133, %mul3A_138 : vector<16xf32>
          %get3A_140 = arith.index_cast %add3A_70 : i32 to index
          %get3A_141 = arith.constant 48 : index
          %get3A_142 = tpu.vector_load %arg13[%get3A_140, %get3A_141] {strides = array<i32>} : memref<16x256xf32, #tpu.memory_space<vmem>>, vector<16xf32>,
          %mul3A_143 = vector.broadcast %select_n3A_39 : f32 to vector<16xf32>
          %mul3A_144 = arith.mulf %mul3A_143, %get3A_142 : vector<16xf32>
          %sub3A_145 = arith.subf %sub3A_139, %mul3A_144 : vector<16xf32>
          %swap3A_146 = arith.index_cast %add3A_70 : i32 to index
          %swap3A_147 = arith.constant 48 : index
          %swap3A_148 = tpu.vector_load %arg11[%swap3A_146, %swap3A_147] {strides = array<i32>} : memref<16x256xf32, #tpu.memory_space<vmem>>, vector<16xf32>,
          tpu.vector_store %arg11[%swap3A_146, %swap3A_147], %sub3A_145 {strides = array<i32>} : memref<16x256xf32, #tpu.memory_space<vmem>>, vector<16xf32>,
          %get3A_149 = arith.index_cast %add3A_70 : i32 to index
          %get3A_150 = arith.constant 64 : index
          %get3A_151 = tpu.vector_load %arg11[%get3A_149, %get3A_150] {strides = array<i32>} : memref<16x256xf32, #tpu.memory_space<vmem>>, vector<16xf32>,
          %mul3A_152 = vector.broadcast %select_n3A : f32 to vector<16xf32>
          %mul3A_153 = arith.mulf %mul3A_152, %get3A_151 : vector<16xf32>
          %get3A_154 = arith.index_cast %add3A_70 : i32 to index
          %get3A_155 = arith.constant 64 : index
          %get3A_156 = tpu.vector_load %arg12[%get3A_154, %get3A_155] {strides = array<i32>} : memref<16x256xf32, #tpu.memory_space<vmem>>, vector<16xf32>,
          %mul3A_157 = vector.broadcast %select_n3A : f32 to vector<16xf32>
          %mul3A_158 = arith.mulf %mul3A_157, %get3A_156 : vector<16xf32>
          %sub3A_159 = arith.subf %mul3A_153, %mul3A_158 : vector<16xf32>
          %get3A_160 = arith.index_cast %add3A_70 : i32 to index
          %get3A_161 = arith.constant 64 : index
          %get3A_162 = tpu.vector_load %arg13[%get3A_160, %get3A_161] {strides = array<i32>} : memref<16x256xf32, #tpu.memory_space<vmem>>, vector<16xf32>,
          %mul3A_163 = vector.broadcast %select_n3A_39 : f32 to vector<16xf32>
          %mul3A_164 = arith.mulf %mul3A_163, %get3A_162 : vector<16xf32>
          %sub3A_165 = arith.subf %sub3A_159, %mul3A_164 : vector<16xf32>
          %swap3A_166 = arith.index_cast %add3A_70 : i32 to index
          %swap3A_167 = arith.constant 64 : index
          %swap3A_168 = tpu.vector_load %arg11[%swap3A_166, %swap3A_167] {strides = array<i32>} : memref<16x256xf32, #tpu.memory_space<vmem>>, vector<16xf32>,
          tpu.vector_store %arg11[%swap3A_166, %swap3A_167], %sub3A_165 {strides = array<i32>} : memref<16x256xf32, #tpu.memory_space<vmem>>, vector<16xf32>,
          %get3A_169 = arith.index_cast %add3A_70 : i32 to index
          %get3A_170 = arith.constant 80 : index
          %get3A_171 = tpu.vector_load %arg11[%get3A_169, %get3A_170] {strides = array<i32>} : memref<16x256xf32, #tpu.memory_space<vmem>>, vector<16xf32>,
          %mul3A_172 = vector.broadcast %select_n3A : f32 to vector<16xf32>
          %mul3A_173 = arith.mulf %mul3A_172, %get3A_171 : vector<16xf32>
          %get3A_174 = arith.index_cast %add3A_70 : i32 to index
          %get3A_175 = arith.constant 80 : index
          %get3A_176 = tpu.vector_load %arg12[%get3A_174, %get3A_175] {strides = array<i32>} : memref<16x256xf32, #tpu.memory_space<vmem>>, vector<16xf32>,
          %mul3A_177 = vector.broadcast %select_n3A : f32 to vector<16xf32>
          %mul3A_178 = arith.mulf %mul3A_177, %get3A_176 : vector<16xf32>
          %sub3A_179 = arith.subf %mul3A_173, %mul3A_178 : vector<16xf32>
          %get3A_180 = arith.index_cast %add3A_70 : i32 to index
          %get3A_181 = arith.constant 80 : index
          %get3A_182 = tpu.vector_load %arg13[%get3A_180, %get3A_181] {strides = array<i32>} : memref<16x256xf32, #tpu.memory_space<vmem>>, vector<16xf32>,
          %mul3A_183 = vector.broadcast %select_n3A_39 : f32 to vector<16xf32>
          %mul3A_184 = arith.mulf %mul3A_183, %get3A_182 : vector<16xf32>
          %sub3A_185 = arith.subf %sub3A_179, %mul3A_184 : vector<16xf32>
          %swap3A_186 = arith.index_cast %add3A_70 : i32 to index
          %swap3A_187 = arith.constant 80 : index
          %swap3A_188 = tpu.vector_load %arg11[%swap3A_186, %swap3A_187] {strides = array<i32>} : memref<16x256xf32, #tpu.memory_space<vmem>>, vector<16xf32>,
          tpu.vector_store %arg11[%swap3A_186, %swap3A_187], %sub3A_185 {strides = array<i32>} : memref<16x256xf32, #tpu.memory_space<vmem>>, vector<16xf32>,
          %get3A_189 = arith.index_cast %add3A_70 : i32 to index
          %get3A_190 = arith.constant 96 : index
          %get3A_191 = tpu.vector_load %arg11[%get3A_189, %get3A_190] {strides = array<i32>} : memref<16x256xf32, #tpu.memory_space<vmem>>, vector<16xf32>,
          %mul3A_192 = vector.broadcast %select_n3A : f32 to vector<16xf32>
          %mul3A_193 = arith.mulf %mul3A_192, %get3A_191 : vector<16xf32>
          %get3A_194 = arith.index_cast %add3A_70 : i32 to index
          %get3A_195 = arith.constant 96 : index
          %get3A_196 = tpu.vector_load %arg12[%get3A_194, %get3A_195] {strides = array<i32>} : memref<16x256xf32, #tpu.memory_space<vmem>>, vector<16xf32>,
          %mul3A_197 = vector.broadcast %select_n3A : f32 to vector<16xf32>
          %mul3A_198 = arith.mulf %mul3A_197, %get3A_196 : vector<16xf32>
          %sub3A_199 = arith.subf %mul3A_193, %mul3A_198 : vector<16xf32>
          %get3A_200 = arith.index_cast %add3A_70 : i32 to index
          %get3A_201 = arith.constant 96 : index
          %get3A_202 = tpu.vector_load %arg13[%get3A_200, %get3A_201] {strides = array<i32>} : memref<16x256xf32, #tpu.memory_space<vmem>>, vector<16xf32>,
          %mul3A_203 = vector.broadcast %select_n3A_39 : f32 to vector<16xf32>
          %mul3A_204 = arith.mulf %mul3A_203, %get3A_202 : vector<16xf32>
          %sub3A_205 = arith.subf %sub3A_199, %mul3A_204 : vector<16xf32>
          %swap3A_206 = arith.index_cast %add3A_70 : i32 to index
          %swap3A_207 = arith.constant 96 : index
          %swap3A_208 = tpu.vector_load %arg11[%swap3A_206, %swap3A_207] {strides = array<i32>} : memref<16x256xf32, #tpu.memory_space<vmem>>, vector<16xf32>,
          tpu.vector_store %arg11[%swap3A_206, %swap3A_207], %sub3A_205 {strides = array<i32>} : memref<16x256xf32, #tpu.memory_space<vmem>>, vector<16xf32>,
          %get3A_209 = arith.index_cast %add3A_70 : i32 to index
          %get3A_210 = arith.constant 112 : index
          %get3A_211 = tpu.vector_load %arg11[%get3A_209, %get3A_210] {strides = array<i32>} : memref<16x256xf32, #tpu.memory_space<vmem>>, vector<16xf32>,
          %mul3A_212 = vector.broadcast %select_n3A : f32 to vector<16xf32>
          %mul3A_213 = arith.mulf %mul3A_212, %get3A_211 : vector<16xf32>
          %get3A_214 = arith.index_cast %add3A_70 : i32 to index
          %get3A_215 = arith.constant 112 : index
          %get3A_216 = tpu.vector_load %arg12[%get3A_214, %get3A_215] {strides = array<i32>} : memref<16x256xf32, #tpu.memory_space<vmem>>, vector<16xf32>,
          %mul3A_217 = vector.broadcast %select_n3A : f32 to vector<16xf32>
          %mul3A_218 = arith.mulf %mul3A_217, %get3A_216 : vector<16xf32>
          %sub3A_219 = arith.subf %mul3A_213, %mul3A_218 : vector<16xf32>
          %get3A_220 = arith.index_cast %add3A_70 : i32 to index
          %get3A_221 = arith.constant 112 : index
          %get3A_222 = tpu.vector_load %arg13[%get3A_220, %get3A_221] {strides = array<i32>} : memref<16x256xf32, #tpu.memory_space<vmem>>, vector<16xf32>,
          %mul3A_223 = vector.broadcast %select_n3A_39 : f32 to vector<16xf32>
          %mul3A_224 = arith.mulf %mul3A_223, %get3A_222 : vector<16xf32>
          %sub3A_225 = arith.subf %sub3A_219, %mul3A_224 : vector<16xf32>
          %swap3A_226 = arith.index_cast %add3A_70 : i32 to index
          %swap3A_227 = arith.constant 112 : index
          %swap3A_228 = tpu.vector_load %arg11[%swap3A_226, %swap3A_227] {strides = array<i32>} : memref<16x256xf32, #tpu.memory_space<vmem>>, vector<16xf32>,
          tpu.vector_store %arg11[%swap3A_226, %swap3A_227], %sub3A_225 {strides = array<i32>} : memref<16x256xf32, #tpu.memory_space<vmem>>, vector<16xf32>,
          %get3A_229 = arith.index_cast %add3A_70 : i32 to index
          %get3A_230 = arith.constant 128 : index
          %get3A_231 = tpu.vector_load %arg11[%get3A_229, %get3A_230] {strides = array<i32>} : memref<16x256xf32, #tpu.memory_space<vmem>>, vector<16xf32>,
          %mul3A_232 = vector.broadcast %select_n3A : f32 to vector<16xf32>
          %mul3A_233 = arith.mulf %mul3A_232, %get3A_231 : vector<16xf32>
          %get3A_234 = arith.index_cast %add3A_70 : i32 to index
          %get3A_235 = arith.constant 128 : index
          %get3A_236 = tpu.vector_load %arg12[%get3A_234, %get3A_235] {strides = array<i32>} : memref<16x256xf32, #tpu.memory_space<vmem>>, vector<16xf32>,
          %mul3A_237 = vector.broadcast %select_n3A : f32 to vector<16xf32>
          %mul3A_238 = arith.mulf %mul3A_237, %get3A_236 : vector<16xf32>
          %sub3A_239 = arith.subf %mul3A_233, %mul3A_238 : vector<16xf32>
          %get3A_240 = arith.index_cast %add3A_70 : i32 to index
          %get3A_241 = arith.constant 128 : index
          %get3A_242 = tpu.vector_load %arg13[%get3A_240, %get3A_241] {strides = array<i32>} : memref<16x256xf32, #tpu.memory_space<vmem>>, vector<16xf32>,
          %mul3A_243 = vector.broadcast %select_n3A_39 : f32 to vector<16xf32>
          %mul3A_244 = arith.mulf %mul3A_243, %get3A_242 : vector<16xf32>
          %sub3A_245 = arith.subf %sub3A_239, %mul3A_244 : vector<16xf32>
          %swap3A_246 = arith.index_cast %add3A_70 : i32 to index
          %swap3A_247 = arith.constant 128 : index
          %swap3A_248 = tpu.vector_load %arg11[%swap3A_246, %swap3A_247] {strides = array<i32>} : memref<16x256xf32, #tpu.memory_space<vmem>>, vector<16xf32>,
          tpu.vector_store %arg11[%swap3A_246, %swap3A_247], %sub3A_245 {strides = array<i32>} : memref<16x256xf32, #tpu.memory_space<vmem>>, vector<16xf32>,
          %get3A_249 = arith.index_cast %add3A_70 : i32 to index
          %get3A_250 = arith.constant 144 : index
          %get3A_251 = tpu.vector_load %arg11[%get3A_249, %get3A_250] {strides = array<i32>} : memref<16x256xf32, #tpu.memory_space<vmem>>, vector<16xf32>,
          %mul3A_252 = vector.broadcast %select_n3A : f32 to vector<16xf32>
          %mul3A_253 = arith.mulf %mul3A_252, %get3A_251 : vector<16xf32>
          %get3A_254 = arith.index_cast %add3A_70 : i32 to index
          %get3A_255 = arith.constant 144 : index
          %get3A_256 = tpu.vector_load %arg12[%get3A_254, %get3A_255] {strides = array<i32>} : memref<16x256xf32, #tpu.memory_space<vmem>>, vector<16xf32>,
          %mul3A_257 = vector.broadcast %select_n3A : f32 to vector<16xf32>
          %mul3A_258 = arith.mulf %mul3A_257, %get3A_256 : vector<16xf32>
          %sub3A_259 = arith.subf %mul3A_253, %mul3A_258 : vector<16xf32>
          %get3A_260 = arith.index_cast %add3A_70 : i32 to index
          %get3A_261 = arith.constant 144 : index
          %get3A_262 = tpu.vector_load %arg13[%get3A_260, %get3A_261] {strides = array<i32>} : memref<16x256xf32, #tpu.memory_space<vmem>>, vector<16xf32>,
          %mul3A_263 = vector.broadcast %select_n3A_39 : f32 to vector<16xf32>
          %mul3A_264 = arith.mulf %mul3A_263, %get3A_262 : vector<16xf32>
          %sub3A_265 = arith.subf %sub3A_259, %mul3A_264 : vector<16xf32>
          %swap3A_266 = arith.index_cast %add3A_70 : i32 to index
          %swap3A_267 = arith.constant 144 : index
          %swap3A_268 = tpu.vector_load %arg11[%swap3A_266, %swap3A_267] {strides = array<i32>} : memref<16x256xf32, #tpu.memory_space<vmem>>, vector<16xf32>,
          tpu.vector_store %arg11[%swap3A_266, %swap3A_267], %sub3A_265 {strides = array<i32>} : memref<16x256xf32, #tpu.memory_space<vmem>>, vector<16xf32>,
          %get3A_269 = arith.index_cast %add3A_70 : i32 to index
          %get3A_270 = arith.constant 160 : index
          %get3A_271 = tpu.vector_load %arg11[%get3A_269, %get3A_270] {strides = array<i32>} : memref<16x256xf32, #tpu.memory_space<vmem>>, vector<16xf32>,
          %mul3A_272 = vector.broadcast %select_n3A : f32 to vector<16xf32>
          %mul3A_273 = arith.mulf %mul3A_272, %get3A_271 : vector<16xf32>
          %get3A_274 = arith.index_cast %add3A_70 : i32 to index
          %get3A_275 = arith.constant 160 : index
          %get3A_276 = tpu.vector_load %arg12[%get3A_274, %get3A_275] {strides = array<i32>} : memref<16x256xf32, #tpu.memory_space<vmem>>, vector<16xf32>,
          %mul3A_277 = vector.broadcast %select_n3A : f32 to vector<16xf32>
          %mul3A_278 = arith.mulf %mul3A_277, %get3A_276 : vector<16xf32>
          %sub3A_279 = arith.subf %mul3A_273, %mul3A_278 : vector<16xf32>
          %get3A_280 = arith.index_cast %add3A_70 : i32 to index
          %get3A_281 = arith.constant 160 : index
          %get3A_282 = tpu.vector_load %arg13[%get3A_280, %get3A_281] {strides = array<i32>} : memref<16x256xf32, #tpu.memory_space<vmem>>, vector<16xf32>,
          %mul3A_283 = vector.broadcast %select_n3A_39 : f32 to vector<16xf32>
          %mul3A_284 = arith.mulf %mul3A_283, %get3A_282 : vector<16xf32>
          %sub3A_285 = arith.subf %sub3A_279, %mul3A_284 : vector<16xf32>
          %swap3A_286 = arith.index_cast %add3A_70 : i32 to index
          %swap3A_287 = arith.constant 160 : index
          %swap3A_288 = tpu.vector_load %arg11[%swap3A_286, %swap3A_287] {strides = array<i32>} : memref<16x256xf32, #tpu.memory_space<vmem>>, vector<16xf32>,
          tpu.vector_store %arg11[%swap3A_286, %swap3A_287], %sub3A_285 {strides = array<i32>} : memref<16x256xf32, #tpu.memory_space<vmem>>, vector<16xf32>,
          %get3A_289 = arith.index_cast %add3A_70 : i32 to index
          %get3A_290 = arith.constant 176 : index
          %get3A_291 = tpu.vector_load %arg11[%get3A_289, %get3A_290] {strides = array<i32>} : memref<16x256xf32, #tpu.memory_space<vmem>>, vector<16xf32>,
          %mul3A_292 = vector.broadcast %select_n3A : f32 to vector<16xf32>
          %mul3A_293 = arith.mulf %mul3A_292, %get3A_291 : vector<16xf32>
          %get3A_294 = arith.index_cast %add3A_70 : i32 to index
          %get3A_295 = arith.constant 176 : index
          %get3A_296 = tpu.vector_load %arg12[%get3A_294, %get3A_295] {strides = array<i32>} : memref<16x256xf32, #tpu.memory_space<vmem>>, vector<16xf32>,
          %mul3A_297 = vector.broadcast %select_n3A : f32 to vector<16xf32>
          %mul3A_298 = arith.mulf %mul3A_297, %get3A_296 : vector<16xf32>
          %sub3A_299 = arith.subf %mul3A_293, %mul3A_298 : vector<16xf32>
          %get3A_300 = arith.index_cast %add3A_70 : i32 to index
          %get3A_301 = arith.constant 176 : index
          %get3A_302 = tpu.vector_load %arg13[%get3A_300, %get3A_301] {strides = array<i32>} : memref<16x256xf32, #tpu.memory_space<vmem>>, vector<16xf32>,
          %mul3A_303 = vector.broadcast %select_n3A_39 : f32 to vector<16xf32>
          %mul3A_304 = arith.mulf %mul3A_303, %get3A_302 : vector<16xf32>
          %sub3A_305 = arith.subf %sub3A_299, %mul3A_304 : vector<16xf32>
          %swap3A_306 = arith.index_cast %add3A_70 : i32 to index
          %swap3A_307 = arith.constant 176 : index
          %swap3A_308 = tpu.vector_load %arg11[%swap3A_306, %swap3A_307] {strides = array<i32>} : memref<16x256xf32, #tpu.memory_space<vmem>>, vector<16xf32>,
          tpu.vector_store %arg11[%swap3A_306, %swap3A_307], %sub3A_305 {strides = array<i32>} : memref<16x256xf32, #tpu.memory_space<vmem>>, vector<16xf32>,
          %get3A_309 = arith.index_cast %add3A_70 : i32 to index
          %get3A_310 = arith.constant 192 : index
          %get3A_311 = tpu.vector_load %arg11[%get3A_309, %get3A_310] {strides = array<i32>} : memref<16x256xf32, #tpu.memory_space<vmem>>, vector<16xf32>,
          %mul3A_312 = vector.broadcast %select_n3A : f32 to vector<16xf32>
          %mul3A_313 = arith.mulf %mul3A_312, %get3A_311 : vector<16xf32>
          %get3A_314 = arith.index_cast %add3A_70 : i32 to index
          %get3A_315 = arith.constant 192 : index
          %get3A_316 = tpu.vector_load %arg12[%get3A_314, %get3A_315] {strides = array<i32>} : memref<16x256xf32, #tpu.memory_space<vmem>>, vector<16xf32>,
          %mul3A_317 = vector.broadcast %select_n3A : f32 to vector<16xf32>
          %mul3A_318 = arith.mulf %mul3A_317, %get3A_316 : vector<16xf32>
          %sub3A_319 = arith.subf %mul3A_313, %mul3A_318 : vector<16xf32>
          %get3A_320 = arith.index_cast %add3A_70 : i32 to index
          %get3A_321 = arith.constant 192 : index
          %get3A_322 = tpu.vector_load %arg13[%get3A_320, %get3A_321] {strides = array<i32>} : memref<16x256xf32, #tpu.memory_space<vmem>>, vector<16xf32>,
          %mul3A_323 = vector.broadcast %select_n3A_39 : f32 to vector<16xf32>
          %mul3A_324 = arith.mulf %mul3A_323, %get3A_322 : vector<16xf32>
          %sub3A_325 = arith.subf %sub3A_319, %mul3A_324 : vector<16xf32>
          %swap3A_326 = arith.index_cast %add3A_70 : i32 to index
          %swap3A_327 = arith.constant 192 : index
          %swap3A_328 = tpu.vector_load %arg11[%swap3A_326, %swap3A_327] {strides = array<i32>} : memref<16x256xf32, #tpu.memory_space<vmem>>, vector<16xf32>,
          tpu.vector_store %arg11[%swap3A_326, %swap3A_327], %sub3A_325 {strides = array<i32>} : memref<16x256xf32, #tpu.memory_space<vmem>>, vector<16xf32>,
          %get3A_329 = arith.index_cast %add3A_70 : i32 to index
          %get3A_330 = arith.constant 208 : index
          %get3A_331 = tpu.vector_load %arg11[%get3A_329, %get3A_330] {strides = array<i32>} : memref<16x256xf32, #tpu.memory_space<vmem>>, vector<16xf32>,
          %mul3A_332 = vector.broadcast %select_n3A : f32 to vector<16xf32>
          %mul3A_333 = arith.mulf %mul3A_332, %get3A_331 : vector<16xf32>
          %get3A_334 = arith.index_cast %add3A_70 : i32 to index
          %get3A_335 = arith.constant 208 : index
          %get3A_336 = tpu.vector_load %arg12[%get3A_334, %get3A_335] {strides = array<i32>} : memref<16x256xf32, #tpu.memory_space<vmem>>, vector<16xf32>,
          %mul3A_337 = vector.broadcast %select_n3A : f32 to vector<16xf32>
          %mul3A_338 = arith.mulf %mul3A_337, %get3A_336 : vector<16xf32>
          %sub3A_339 = arith.subf %mul3A_333, %mul3A_338 : vector<16xf32>
          %get3A_340 = arith.index_cast %add3A_70 : i32 to index
          %get3A_341 = arith.constant 208 : index
          %get3A_342 = tpu.vector_load %arg13[%get3A_340, %get3A_341] {strides = array<i32>} : memref<16x256xf32, #tpu.memory_space<vmem>>, vector<16xf32>,
          %mul3A_343 = vector.broadcast %select_n3A_39 : f32 to vector<16xf32>
          %mul3A_344 = arith.mulf %mul3A_343, %get3A_342 : vector<16xf32>
          %sub3A_345 = arith.subf %sub3A_339, %mul3A_344 : vector<16xf32>
          %swap3A_346 = arith.index_cast %add3A_70 : i32 to index
          %swap3A_347 = arith.constant 208 : index
          %swap3A_348 = tpu.vector_load %arg11[%swap3A_346, %swap3A_347] {strides = array<i32>} : memref<16x256xf32, #tpu.memory_space<vmem>>, vector<16xf32>,
          tpu.vector_store %arg11[%swap3A_346, %swap3A_347], %sub3A_345 {strides = array<i32>} : memref<16x256xf32, #tpu.memory_space<vmem>>, vector<16xf32>,
          %get3A_349 = arith.index_cast %add3A_70 : i32 to index
          %get3A_350 = arith.constant 224 : index
          %get3A_351 = tpu.vector_load %arg11[%get3A_349, %get3A_350] {strides = array<i32>} : memref<16x256xf32, #tpu.memory_space<vmem>>, vector<16xf32>,
          %mul3A_352 = vector.broadcast %select_n3A : f32 to vector<16xf32>
          %mul3A_353 = arith.mulf %mul3A_352, %get3A_351 : vector<16xf32>
          %get3A_354 = arith.index_cast %add3A_70 : i32 to index
          %get3A_355 = arith.constant 224 : index
          %get3A_356 = tpu.vector_load %arg12[%get3A_354, %get3A_355] {strides = array<i32>} : memref<16x256xf32, #tpu.memory_space<vmem>>, vector<16xf32>,
          %mul3A_357 = vector.broadcast %select_n3A : f32 to vector<16xf32>
          %mul3A_358 = arith.mulf %mul3A_357, %get3A_356 : vector<16xf32>
          %sub3A_359 = arith.subf %mul3A_353, %mul3A_358 : vector<16xf32>
          %get3A_360 = arith.index_cast %add3A_70 : i32 to index
          %get3A_361 = arith.constant 224 : index
          %get3A_362 = tpu.vector_load %arg13[%get3A_360, %get3A_361] {strides = array<i32>} : memref<16x256xf32, #tpu.memory_space<vmem>>, vector<16xf32>,
          %mul3A_363 = vector.broadcast %select_n3A_39 : f32 to vector<16xf32>
          %mul3A_364 = arith.mulf %mul3A_363, %get3A_362 : vector<16xf32>
          %sub3A_365 = arith.subf %sub3A_359, %mul3A_364 : vector<16xf32>
          %swap3A_366 = arith.index_cast %add3A_70 : i32 to index
          %swap3A_367 = arith.constant 224 : index
          %swap3A_368 = tpu.vector_load %arg11[%swap3A_366, %swap3A_367] {strides = array<i32>} : memref<16x256xf32, #tpu.memory_space<vmem>>, vector<16xf32>,
          tpu.vector_store %arg11[%swap3A_366, %swap3A_367], %sub3A_365 {strides = array<i32>} : memref<16x256xf32, #tpu.memory_space<vmem>>, vector<16xf32>,
          %get3A_369 = arith.index_cast %add3A_70 : i32 to index
          %get3A_370 = arith.constant 240 : index
          %get3A_371 = tpu.vector_load %arg11[%get3A_369, %get3A_370] {strides = array<i32>} : memref<16x256xf32, #tpu.memory_space<vmem>>, vector<16xf32>,
          %mul3A_372 = vector.broadcast %select_n3A : f32 to vector<16xf32>
          %mul3A_373 = arith.mulf %mul3A_372, %get3A_371 : vector<16xf32>
          %get3A_374 = arith.index_cast %add3A_70 : i32 to index
          %get3A_375 = arith.constant 240 : index
          %get3A_376 = tpu.vector_load %arg12[%get3A_374, %get3A_375] {strides = array<i32>} : memref<16x256xf32, #tpu.memory_space<vmem>>, vector<16xf32>,
          %mul3A_377 = vector.broadcast %select_n3A : f32 to vector<16xf32>
          %mul3A_378 = arith.mulf %mul3A_377, %get3A_376 : vector<16xf32>
          %sub3A_379 = arith.subf %mul3A_373, %mul3A_378 : vector<16xf32>
          %get3A_380 = arith.index_cast %add3A_70 : i32 to index
          %get3A_381 = arith.constant 240 : index
          %get3A_382 = tpu.vector_load %arg13[%get3A_380, %get3A_381] {strides = array<i32>} : memref<16x256xf32, #tpu.memory_space<vmem>>, vector<16xf32>,
          %mul3A_383 = vector.broadcast %select_n3A_39 : f32 to vector<16xf32>
          %mul3A_384 = arith.mulf %mul3A_383, %get3A_382 : vector<16xf32>
          %sub3A_385 = arith.subf %sub3A_379, %mul3A_384 : vector<16xf32>
          %swap3A_386 = arith.index_cast %add3A_70 : i32 to index
          %swap3A_387 = arith.constant 240 : index
          %swap3A_388 = tpu.vector_load %arg11[%swap3A_386, %swap3A_387] {strides = array<i32>} : memref<16x256xf32, #tpu.memory_space<vmem>>, vector<16xf32>,
          tpu.vector_store %arg11[%swap3A_386, %swap3A_387], %sub3A_385 {strides = array<i32>} : memref<16x256xf32, #tpu.memory_space<vmem>>, vector<16xf32>,
        }
        %scan3A_63 = arith.constant 16 : i32
        "tpu.region"() ({
          %run_scoped3A = tpu.sem_alloc : memref<!tpu.dma_semaphore, #tpu.memory_space<semaphore_mem>>
          %dma_start3A = arith.constant 0 : i32
          %dma_start3A_64 = tpu.memref_slice %arg6[%add3A_14, %arg0, %add3A_56, %dma_start3A] : memref<25x2x5120x256xf32, #tpu.memory_space<hbm>> -> memref<1x1x16x256xf32, #tpu.memory_space<hbm>>
          %dma_start3A_65 = tpu.memref_squeeze %dma_start3A_64 : memref<1x1x16x256xf32, #tpu.memory_space<hbm>> -> memref<16x256xf32, #tpu.memory_space<hbm>>
          %dma_start3A_66 = arith.constant 0 : i32
          %dma_start3A_67 = tpu.memref_slice %arg6[%add3A_14, %arg0, %add3A_56, %dma_start3A_66] : memref<25x2x5120x256xf32, #tpu.memory_space<hbm>> -> memref<1x1x16x256xf32, #tpu.memory_space<hbm>>
          %dma_start3A_68 = tpu.memref_squeeze %dma_start3A_67 : memref<1x1x16x256xf32, #tpu.memory_space<hbm>> -> memref<16x256xf32, #tpu.memory_space<hbm>>
          tpu.enqueue_dma source(%arg11 : memref<16x256xf32, #tpu.memory_space<vmem>>) target(%dma_start3A_68 : memref<16x256xf32, #tpu.memory_space<hbm>>) target_semaphore(%run_scoped3A : memref<!tpu.dma_semaphore, #tpu.memory_space<semaphore_mem>>)
          %dma_wait3A = arith.constant 0 : i32
          %dma_wait3A_69 = tpu.memref_slice %arg6[%add3A_14, %arg0, %add3A_56, %dma_wait3A] : memref<25x2x5120x256xf32, #tpu.memory_space<hbm>> -> memref<1x1x16x256xf32, #tpu.memory_space<hbm>>
          %dma_wait3A_70 = tpu.memref_squeeze %dma_wait3A_69 : memref<1x1x16x256xf32, #tpu.memory_space<hbm>> -> memref<16x256xf32, #tpu.memory_space<hbm>>
          %dma_wait3A_71 = arith.constant 0 : i32
          %dma_wait3A_72 = tpu.memref_slice %arg6[%add3A_14, %arg0, %add3A_56, %dma_wait3A_71] : memref<25x2x5120x256xf32, #tpu.memory_space<hbm>> -> memref<1x1x16x256xf32, #tpu.memory_space<hbm>>
          %dma_wait3A_73 = tpu.memref_squeeze %dma_wait3A_72 : memref<1x1x16x256xf32, #tpu.memory_space<hbm>> -> memref<16x256xf32, #tpu.memory_space<hbm>>
          tpu.wait_dma2 semaphore(%run_scoped3A : memref<!tpu.dma_semaphore, #tpu.memory_space<semaphore_mem>>) src(%arg11 : memref<16x256xf32, #tpu.memory_space<vmem>>) dst(%dma_wait3A_73 : memref<16x256xf32, #tpu.memory_space<hbm>>)
          tpu.yield
        }) : () -> ()
      }
      %scan3A_47 = arith.constant 20 : i32
      %barrier3A_48 = arith.constant 0 : index
      tpu.barrier barrier_id(%barrier3A_48)
    }
    %scan3A_10 = arith.constant 24 : i32
    return
  }
}

#map = affine_map<(d0, d1) -> (0, 0, 0)>
#map1 = affine_map<(d0, d1) -> (0, 0, 0, 0)>
module attributes {stable_mosaic.version = 14 : i64} {
  func.func @kern(%arg0: i32, %arg1: i32, %arg2: memref<2x10240x32xf32, #tpu.memory_space<hbm>>, %arg3: memref<16x25x400xi32, #tpu.memory_space<hbm>>, %arg4: memref<16x25x400xi32, #tpu.memory_space<hbm>>, %arg5: memref<16x25x400xf32, #tpu.memory_space<hbm>>, %arg6: memref<25x2x10240x32xf32, #tpu.memory_space<hbm>>, %arg7: memref<25x400xi32, #tpu.memory_space<vmem>>, %arg8: memref<25x400xi32, #tpu.memory_space<vmem>>, %arg9: memref<25x400xf32, #tpu.memory_space<vmem>>, %arg10: memref<400x32xf32, #tpu.memory_space<vmem>>, %arg11: memref<128x32xf32, #tpu.memory_space<vmem>>, %arg12: memref<128x32xf32, #tpu.memory_space<vmem>>, %arg13: memref<128x32xf32, #tpu.memory_space<vmem>>, %arg14: memref<10240x32xf32, #tpu.memory_space<vmem_shared>>, %arg15: memref<!tpu.dma_semaphore, #tpu.memory_space<semaphore_mem>>, %arg16: memref<!tpu.dma_semaphore, #tpu.memory_space<semaphore_mem>>) attributes {dimension_semantics = [#tpu.dimension_semantics<core_parallel>, #tpu.dimension_semantics<subcore_parallel>], iteration_bounds = array<i64: 2, 16>, scalar_prefetch = 0 : i64, scratch_operands = 10 : i64, tpu.core_type = #tpu.core_type<sc_vector_subcore>, window_params = [{transform_indices = #map}, {transform_indices = #map}, {transform_indices = #map}, {transform_indices = #map}, {transform_indices = #map1}]} {
    %mul3A = arith.constant 640 : i32
    %mul3A_0 = arith.muli %arg1, %mul3A : i32
    "tpu.region"() ({
      %run_scoped3A = tpu.sem_alloc : memref<!tpu.dma_semaphore, #tpu.memory_space<semaphore_mem>>
      %dma_start3A = arith.constant 0 : i32
      %dma_start3A_11 = arith.constant 0 : i32
      %dma_start3A_12 = tpu.memref_slice %arg3[%arg1, %dma_start3A, %dma_start3A_11] : memref<16x25x400xi32, #tpu.memory_space<hbm>> -> memref<1x25x400xi32, #tpu.memory_space<hbm>>
      %dma_start3A_13 = tpu.memref_squeeze %dma_start3A_12 : memref<1x25x400xi32, #tpu.memory_space<hbm>> -> memref<25x400xi32, #tpu.memory_space<hbm>>
      %dma_start3A_14 = arith.constant 0 : i32
      %dma_start3A_15 = arith.constant 0 : i32
      %dma_start3A_16 = tpu.memref_slice %arg3[%arg1, %dma_start3A_14, %dma_start3A_15] : memref<16x25x400xi32, #tpu.memory_space<hbm>> -> memref<1x25x400xi32, #tpu.memory_space<hbm>>
      %dma_start3A_17 = tpu.memref_squeeze %dma_start3A_16 : memref<1x25x400xi32, #tpu.memory_space<hbm>> -> memref<25x400xi32, #tpu.memory_space<hbm>>
      tpu.enqueue_dma source(%dma_start3A_17 : memref<25x400xi32, #tpu.memory_space<hbm>>) target(%arg7 : memref<25x400xi32, #tpu.memory_space<vmem>>) target_semaphore(%run_scoped3A : memref<!tpu.dma_semaphore, #tpu.memory_space<semaphore_mem>>)
      %dma_wait3A = arith.constant 0 : i32
      %dma_wait3A_18 = arith.constant 0 : i32
      %dma_wait3A_19 = tpu.memref_slice %arg3[%arg1, %dma_wait3A, %dma_wait3A_18] : memref<16x25x400xi32, #tpu.memory_space<hbm>> -> memref<1x25x400xi32, #tpu.memory_space<hbm>>
      %dma_wait3A_20 = tpu.memref_squeeze %dma_wait3A_19 : memref<1x25x400xi32, #tpu.memory_space<hbm>> -> memref<25x400xi32, #tpu.memory_space<hbm>>
      %dma_wait3A_21 = arith.constant 0 : i32
      %dma_wait3A_22 = arith.constant 0 : i32
      %dma_wait3A_23 = tpu.memref_slice %arg3[%arg1, %dma_wait3A_21, %dma_wait3A_22] : memref<16x25x400xi32, #tpu.memory_space<hbm>> -> memref<1x25x400xi32, #tpu.memory_space<hbm>>
      %dma_wait3A_24 = tpu.memref_squeeze %dma_wait3A_23 : memref<1x25x400xi32, #tpu.memory_space<hbm>> -> memref<25x400xi32, #tpu.memory_space<hbm>>
      tpu.wait_dma2 semaphore(%run_scoped3A : memref<!tpu.dma_semaphore, #tpu.memory_space<semaphore_mem>>) src(%dma_wait3A_24 : memref<25x400xi32, #tpu.memory_space<hbm>>) dst(%arg7 : memref<25x400xi32, #tpu.memory_space<vmem>>)
      tpu.yield
    }) : () -> ()
    "tpu.region"() ({
      %run_scoped3A = tpu.sem_alloc : memref<!tpu.dma_semaphore, #tpu.memory_space<semaphore_mem>>
      %dma_start3A = arith.constant 0 : i32
      %dma_start3A_11 = arith.constant 0 : i32
      %dma_start3A_12 = tpu.memref_slice %arg4[%arg1, %dma_start3A, %dma_start3A_11] : memref<16x25x400xi32, #tpu.memory_space<hbm>> -> memref<1x25x400xi32, #tpu.memory_space<hbm>>
      %dma_start3A_13 = tpu.memref_squeeze %dma_start3A_12 : memref<1x25x400xi32, #tpu.memory_space<hbm>> -> memref<25x400xi32, #tpu.memory_space<hbm>>
      %dma_start3A_14 = arith.constant 0 : i32
      %dma_start3A_15 = arith.constant 0 : i32
      %dma_start3A_16 = tpu.memref_slice %arg4[%arg1, %dma_start3A_14, %dma_start3A_15] : memref<16x25x400xi32, #tpu.memory_space<hbm>> -> memref<1x25x400xi32, #tpu.memory_space<hbm>>
      %dma_start3A_17 = tpu.memref_squeeze %dma_start3A_16 : memref<1x25x400xi32, #tpu.memory_space<hbm>> -> memref<25x400xi32, #tpu.memory_space<hbm>>
      tpu.enqueue_dma source(%dma_start3A_17 : memref<25x400xi32, #tpu.memory_space<hbm>>) target(%arg8 : memref<25x400xi32, #tpu.memory_space<vmem>>) target_semaphore(%run_scoped3A : memref<!tpu.dma_semaphore, #tpu.memory_space<semaphore_mem>>)
      %dma_wait3A = arith.constant 0 : i32
      %dma_wait3A_18 = arith.constant 0 : i32
      %dma_wait3A_19 = tpu.memref_slice %arg4[%arg1, %dma_wait3A, %dma_wait3A_18] : memref<16x25x400xi32, #tpu.memory_space<hbm>> -> memref<1x25x400xi32, #tpu.memory_space<hbm>>
      %dma_wait3A_20 = tpu.memref_squeeze %dma_wait3A_19 : memref<1x25x400xi32, #tpu.memory_space<hbm>> -> memref<25x400xi32, #tpu.memory_space<hbm>>
      %dma_wait3A_21 = arith.constant 0 : i32
      %dma_wait3A_22 = arith.constant 0 : i32
      %dma_wait3A_23 = tpu.memref_slice %arg4[%arg1, %dma_wait3A_21, %dma_wait3A_22] : memref<16x25x400xi32, #tpu.memory_space<hbm>> -> memref<1x25x400xi32, #tpu.memory_space<hbm>>
      %dma_wait3A_24 = tpu.memref_squeeze %dma_wait3A_23 : memref<1x25x400xi32, #tpu.memory_space<hbm>> -> memref<25x400xi32, #tpu.memory_space<hbm>>
      tpu.wait_dma2 semaphore(%run_scoped3A : memref<!tpu.dma_semaphore, #tpu.memory_space<semaphore_mem>>) src(%dma_wait3A_24 : memref<25x400xi32, #tpu.memory_space<hbm>>) dst(%arg8 : memref<25x400xi32, #tpu.memory_space<vmem>>)
      tpu.yield
    }) : () -> ()
    "tpu.region"() ({
      %run_scoped3A = tpu.sem_alloc : memref<!tpu.dma_semaphore, #tpu.memory_space<semaphore_mem>>
      %dma_start3A = arith.constant 0 : i32
      %dma_start3A_11 = arith.constant 0 : i32
      %dma_start3A_12 = tpu.memref_slice %arg5[%arg1, %dma_start3A, %dma_start3A_11] : memref<16x25x400xf32, #tpu.memory_space<hbm>> -> memref<1x25x400xf32, #tpu.memory_space<hbm>>
      %dma_start3A_13 = tpu.memref_squeeze %dma_start3A_12 : memref<1x25x400xf32, #tpu.memory_space<hbm>> -> memref<25x400xf32, #tpu.memory_space<hbm>>
      %dma_start3A_14 = arith.constant 0 : i32
      %dma_start3A_15 = arith.constant 0 : i32
      %dma_start3A_16 = tpu.memref_slice %arg5[%arg1, %dma_start3A_14, %dma_start3A_15] : memref<16x25x400xf32, #tpu.memory_space<hbm>> -> memref<1x25x400xf32, #tpu.memory_space<hbm>>
      %dma_start3A_17 = tpu.memref_squeeze %dma_start3A_16 : memref<1x25x400xf32, #tpu.memory_space<hbm>> -> memref<25x400xf32, #tpu.memory_space<hbm>>
      tpu.enqueue_dma source(%dma_start3A_17 : memref<25x400xf32, #tpu.memory_space<hbm>>) target(%arg9 : memref<25x400xf32, #tpu.memory_space<vmem>>) target_semaphore(%run_scoped3A : memref<!tpu.dma_semaphore, #tpu.memory_space<semaphore_mem>>)
      %dma_wait3A = arith.constant 0 : i32
      %dma_wait3A_18 = arith.constant 0 : i32
      %dma_wait3A_19 = tpu.memref_slice %arg5[%arg1, %dma_wait3A, %dma_wait3A_18] : memref<16x25x400xf32, #tpu.memory_space<hbm>> -> memref<1x25x400xf32, #tpu.memory_space<hbm>>
      %dma_wait3A_20 = tpu.memref_squeeze %dma_wait3A_19 : memref<1x25x400xf32, #tpu.memory_space<hbm>> -> memref<25x400xf32, #tpu.memory_space<hbm>>
      %dma_wait3A_21 = arith.constant 0 : i32
      %dma_wait3A_22 = arith.constant 0 : i32
      %dma_wait3A_23 = tpu.memref_slice %arg5[%arg1, %dma_wait3A_21, %dma_wait3A_22] : memref<16x25x400xf32, #tpu.memory_space<hbm>> -> memref<1x25x400xf32, #tpu.memory_space<hbm>>
      %dma_wait3A_24 = tpu.memref_squeeze %dma_wait3A_23 : memref<1x25x400xf32, #tpu.memory_space<hbm>> -> memref<25x400xf32, #tpu.memory_space<hbm>>
      tpu.wait_dma2 semaphore(%run_scoped3A : memref<!tpu.dma_semaphore, #tpu.memory_space<semaphore_mem>>) src(%dma_wait3A_24 : memref<25x400xf32, #tpu.memory_space<hbm>>) dst(%arg9 : memref<25x400xf32, #tpu.memory_space<vmem>>)
      tpu.yield
    }) : () -> ()
    %broadcast_in_dim3A = arith.constant 0.000000e+00 : f32
    %broadcast_in_dim3A_1 = vector.broadcast %broadcast_in_dim3A : f32 to vector<16xf32>
    %scan3A = arith.constant 0 : i32
    %scan3A_2 = arith.constant 5 : i32
    %scan3A_3 = arith.addi %scan3A, %scan3A_2 : i32
    %scan3A_4 = arith.constant 1 : i32
    scf.for %scan3A_11 = %scan3A to %scan3A_3 step %scan3A_4  : i32 {
      %mul3A_12 = arith.constant 1 : i32
      %mul3A_13 = arith.muli %scan3A_11, %mul3A_12 : i32
      %add3A = arith.constant 0 : i32
      %add3A_14 = arith.addi %add3A, %mul3A_13 : i32
      %mul3A_15 = arith.constant 128 : i32
      %mul3A_16 = arith.muli %add3A_14, %mul3A_15 : i32
      %add3A_17 = arith.addi %mul3A_0, %mul3A_16 : i32
      "tpu.region"() ({
        %run_scoped3A_18 = tpu.sem_alloc : memref<!tpu.dma_semaphore, #tpu.memory_space<semaphore_mem>>
        %dma_start3A = arith.constant 0 : i32
        %dma_start3A_19 = tpu.memref_slice %arg2[%arg0, %add3A_17, %dma_start3A] : memref<2x10240x32xf32, #tpu.memory_space<hbm>> -> memref<1x128x32xf32, #tpu.memory_space<hbm>>
        %dma_start3A_20 = tpu.memref_squeeze %dma_start3A_19 : memref<1x128x32xf32, #tpu.memory_space<hbm>> -> memref<128x32xf32, #tpu.memory_space<hbm>>
        %dma_start3A_21 = arith.constant 0 : i32
        %dma_start3A_22 = tpu.memref_slice %arg2[%arg0, %add3A_17, %dma_start3A_21] : memref<2x10240x32xf32, #tpu.memory_space<hbm>> -> memref<1x128x32xf32, #tpu.memory_space<hbm>>
        %dma_start3A_23 = tpu.memref_squeeze %dma_start3A_22 : memref<1x128x32xf32, #tpu.memory_space<hbm>> -> memref<128x32xf32, #tpu.memory_space<hbm>>
        tpu.enqueue_dma source(%dma_start3A_23 : memref<128x32xf32, #tpu.memory_space<hbm>>) target(%arg11 : memref<128x32xf32, #tpu.memory_space<vmem>>) target_semaphore(%run_scoped3A_18 : memref<!tpu.dma_semaphore, #tpu.memory_space<semaphore_mem>>)
        %dma_wait3A = arith.constant 0 : i32
        %dma_wait3A_24 = tpu.memref_slice %arg2[%arg0, %add3A_17, %dma_wait3A] : memref<2x10240x32xf32, #tpu.memory_space<hbm>> -> memref<1x128x32xf32, #tpu.memory_space<hbm>>
        %dma_wait3A_25 = tpu.memref_squeeze %dma_wait3A_24 : memref<1x128x32xf32, #tpu.memory_space<hbm>> -> memref<128x32xf32, #tpu.memory_space<hbm>>
        %dma_wait3A_26 = arith.constant 0 : i32
        %dma_wait3A_27 = tpu.memref_slice %arg2[%arg0, %add3A_17, %dma_wait3A_26] : memref<2x10240x32xf32, #tpu.memory_space<hbm>> -> memref<1x128x32xf32, #tpu.memory_space<hbm>>
        %dma_wait3A_28 = tpu.memref_squeeze %dma_wait3A_27 : memref<1x128x32xf32, #tpu.memory_space<hbm>> -> memref<128x32xf32, #tpu.memory_space<hbm>>
        tpu.wait_dma2 semaphore(%run_scoped3A_18 : memref<!tpu.dma_semaphore, #tpu.memory_space<semaphore_mem>>) src(%dma_wait3A_28 : memref<128x32xf32, #tpu.memory_space<hbm>>) dst(%arg11 : memref<128x32xf32, #tpu.memory_space<vmem>>)
        tpu.yield
      }) : () -> ()
      %run_scoped3A = arith.constant 0 : i32
      "tpu.region"() ({
        %run_scoped3A_18 = tpu.sem_alloc : memref<!tpu.dma_semaphore, #tpu.memory_space<semaphore_mem>>
        %dma_start3A = arith.constant 0 : i32
        %dma_start3A_19 = tpu.memref_slice %arg6[%run_scoped3A, %arg0, %add3A_17, %dma_start3A] : memref<25x2x10240x32xf32, #tpu.memory_space<hbm>> -> memref<1x1x128x32xf32, #tpu.memory_space<hbm>>
        %dma_start3A_20 = tpu.memref_squeeze %dma_start3A_19 : memref<1x1x128x32xf32, #tpu.memory_space<hbm>> -> memref<128x32xf32, #tpu.memory_space<hbm>>
        %dma_start3A_21 = arith.constant 0 : i32
        %dma_start3A_22 = tpu.memref_slice %arg6[%run_scoped3A, %arg0, %add3A_17, %dma_start3A_21] : memref<25x2x10240x32xf32, #tpu.memory_space<hbm>> -> memref<1x1x128x32xf32, #tpu.memory_space<hbm>>
        %dma_start3A_23 = tpu.memref_squeeze %dma_start3A_22 : memref<1x1x128x32xf32, #tpu.memory_space<hbm>> -> memref<128x32xf32, #tpu.memory_space<hbm>>
        tpu.enqueue_dma source(%arg11 : memref<128x32xf32, #tpu.memory_space<vmem>>) target(%dma_start3A_23 : memref<128x32xf32, #tpu.memory_space<hbm>>) target_semaphore(%run_scoped3A_18 : memref<!tpu.dma_semaphore, #tpu.memory_space<semaphore_mem>>)
        %dma_wait3A = arith.constant 0 : i32
        %dma_wait3A_24 = tpu.memref_slice %arg6[%run_scoped3A, %arg0, %add3A_17, %dma_wait3A] : memref<25x2x10240x32xf32, #tpu.memory_space<hbm>> -> memref<1x1x128x32xf32, #tpu.memory_space<hbm>>
        %dma_wait3A_25 = tpu.memref_squeeze %dma_wait3A_24 : memref<1x1x128x32xf32, #tpu.memory_space<hbm>> -> memref<128x32xf32, #tpu.memory_space<hbm>>
        %dma_wait3A_26 = arith.constant 0 : i32
        %dma_wait3A_27 = tpu.memref_slice %arg6[%run_scoped3A, %arg0, %add3A_17, %dma_wait3A_26] : memref<25x2x10240x32xf32, #tpu.memory_space<hbm>> -> memref<1x1x128x32xf32, #tpu.memory_space<hbm>>
        %dma_wait3A_28 = tpu.memref_squeeze %dma_wait3A_27 : memref<1x1x128x32xf32, #tpu.memory_space<hbm>> -> memref<128x32xf32, #tpu.memory_space<hbm>>
        tpu.wait_dma2 semaphore(%run_scoped3A_18 : memref<!tpu.dma_semaphore, #tpu.memory_space<semaphore_mem>>) src(%arg11 : memref<128x32xf32, #tpu.memory_space<vmem>>) dst(%dma_wait3A_28 : memref<128x32xf32, #tpu.memory_space<hbm>>)
        tpu.yield
      }) : () -> ()
    }
    %scan3A_5 = arith.constant 5 : i32
    %barrier3A = arith.constant 0 : index
    tpu.barrier barrier_id(%barrier3A)
    %scan3A_6 = arith.constant 0 : i32
    %scan3A_7 = arith.constant 24 : i32
    %scan3A_8 = arith.addi %scan3A_6, %scan3A_7 : i32
    %scan3A_9 = arith.constant 1 : i32
    scf.for %scan3A_11 = %scan3A_6 to %scan3A_8 step %scan3A_9  : i32 {
      %mul3A_12 = arith.constant 1 : i32
      %mul3A_13 = arith.muli %scan3A_11, %mul3A_12 : i32
      %add3A = arith.constant 1 : i32
      %add3A_14 = arith.addi %add3A, %mul3A_13 : i32
      %scan3A_15 = arith.constant 0 : i32
      %scan3A_16 = arith.constant 128 : i32
      %scan3A_17 = arith.addi %scan3A_15, %scan3A_16 : i32
      %scan3A_18 = arith.constant 1 : i32
      scf.for %scan3A_49 = %scan3A_15 to %scan3A_17 step %scan3A_18  : i32 {
        %mul3A_50 = arith.constant 1 : i32
        %mul3A_51 = arith.muli %scan3A_49, %mul3A_50 : i32
        %add3A_52 = arith.constant 0 : i32
        %add3A_53 = arith.addi %add3A_52, %mul3A_51 : i32
        %swap3A = arith.index_cast %add3A_53 : i32 to index
        %swap3A_54 = arith.constant 0 : index
        %swap3A_55 = tpu.vector_load %arg11[%swap3A, %swap3A_54] {strides = array<i32>} : memref<128x32xf32, #tpu.memory_space<vmem>>, vector<16xf32>,
        tpu.vector_store %arg11[%swap3A, %swap3A_54], %broadcast_in_dim3A_1 {strides = array<i32>} : memref<128x32xf32, #tpu.memory_space<vmem>>, vector<16xf32>,
        %swap3A_56 = arith.index_cast %add3A_53 : i32 to index
        %swap3A_57 = arith.constant 16 : index
        %swap3A_58 = tpu.vector_load %arg11[%swap3A_56, %swap3A_57] {strides = array<i32>} : memref<128x32xf32, #tpu.memory_space<vmem>>, vector<16xf32>,
        tpu.vector_store %arg11[%swap3A_56, %swap3A_57], %broadcast_in_dim3A_1 {strides = array<i32>} : memref<128x32xf32, #tpu.memory_space<vmem>>, vector<16xf32>,
      }
      %scan3A_19 = arith.constant 128 : i32
      %scan3A_20 = arith.constant 0 : i32
      %scan3A_21 = arith.constant 5 : i32
      %scan3A_22 = arith.addi %scan3A_20, %scan3A_21 : i32
      %scan3A_23 = arith.constant 1 : i32
      scf.for %scan3A_49 = %scan3A_20 to %scan3A_22 step %scan3A_23  : i32 {
        %mul3A_50 = arith.constant 1 : i32
        %mul3A_51 = arith.muli %scan3A_49, %mul3A_50 : i32
        %add3A_52 = arith.constant 0 : i32
        %add3A_53 = arith.addi %add3A_52, %mul3A_51 : i32
        %mul3A_54 = arith.constant 128 : i32
        %mul3A_55 = arith.muli %add3A_53, %mul3A_54 : i32
        %add3A_56 = arith.addi %mul3A_0, %mul3A_55 : i32
        "tpu.region"() ({
          %run_scoped3A = tpu.sem_alloc : memref<!tpu.dma_semaphore, #tpu.memory_space<semaphore_mem>>
          %dma_start3A = arith.constant 0 : i32
          %dma_start3A_57 = tpu.memref_slice %arg14[%add3A_56, %dma_start3A] : memref<10240x32xf32, #tpu.memory_space<vmem_shared>> -> memref<128x32xf32, #tpu.memory_space<vmem_shared>>
          %dma_start3A_58 = arith.constant 0 : i32
          %dma_start3A_59 = tpu.memref_slice %arg14[%add3A_56, %dma_start3A_58] : memref<10240x32xf32, #tpu.memory_space<vmem_shared>> -> memref<128x32xf32, #tpu.memory_space<vmem_shared>>
          tpu.enqueue_dma source(%arg11 : memref<128x32xf32, #tpu.memory_space<vmem>>) target(%dma_start3A_59 : memref<128x32xf32, #tpu.memory_space<vmem_shared>>) target_semaphore(%run_scoped3A : memref<!tpu.dma_semaphore, #tpu.memory_space<semaphore_mem>>)
          %dma_wait3A = arith.constant 0 : i32
          %dma_wait3A_60 = tpu.memref_slice %arg14[%add3A_56, %dma_wait3A] : memref<10240x32xf32, #tpu.memory_space<vmem_shared>> -> memref<128x32xf32, #tpu.memory_space<vmem_shared>>
          %dma_wait3A_61 = arith.constant 0 : i32
          %dma_wait3A_62 = tpu.memref_slice %arg14[%add3A_56, %dma_wait3A_61] : memref<10240x32xf32, #tpu.memory_space<vmem_shared>> -> memref<128x32xf32, #tpu.memory_space<vmem_shared>>
          tpu.wait_dma2 semaphore(%run_scoped3A : memref<!tpu.dma_semaphore, #tpu.memory_space<semaphore_mem>>) src(%arg11 : memref<128x32xf32, #tpu.memory_space<vmem>>) dst(%dma_wait3A_62 : memref<128x32xf32, #tpu.memory_space<vmem_shared>>)
          tpu.yield
        }) : () -> ()
      }
      %scan3A_24 = arith.constant 5 : i32
      %barrier3A_25 = arith.constant 0 : index
      tpu.barrier barrier_id(%barrier3A_25)
      %sub3A = arith.constant 1 : i32
      %sub3A_26 = arith.subi %add3A_14, %sub3A : i32
      %scan3A_27 = arith.constant 0 : i32
      %scan3A_28 = arith.constant 25 : i32
      %scan3A_29 = arith.addi %scan3A_27, %scan3A_28 : i32
      %scan3A_30 = arith.constant 1 : i32
      scf.for %scan3A_49 = %scan3A_27 to %scan3A_29 step %scan3A_30  : i32 {
        %mul3A_50 = arith.constant 1 : i32
        %mul3A_51 = arith.muli %scan3A_49, %mul3A_50 : i32
        %add3A_52 = arith.constant 0 : i32
        %add3A_53 = arith.addi %add3A_52, %mul3A_51 : i32
        "tpu.region"() ({
          %run_scoped3A = tpu.sem_alloc : memref<!tpu.dma_semaphore, #tpu.memory_space<semaphore_mem>>
          %dma_start3A = arith.constant 0 : i32
          %dma_start3A_59 = tpu.memref_slice %arg7[%add3A_53, %dma_start3A] : memref<25x400xi32, #tpu.memory_space<vmem>> -> memref<1x400xi32, #tpu.memory_space<vmem>>
          %dma_start3A_60 = tpu.memref_squeeze %dma_start3A_59 : memref<1x400xi32, #tpu.memory_space<vmem>> -> memref<400xi32, #tpu.memory_space<vmem>>
          %dma_start3A_61 = arith.constant 0 : i32
          %dma_start3A_62 = arith.constant 0 : i32
          %dma_start3A_63 = tpu.memref_slice %arg6[%sub3A_26, %arg0, %dma_start3A_61, %dma_start3A_62] : memref<25x2x10240x32xf32, #tpu.memory_space<hbm>> -> memref<1x1x10240x32xf32, #tpu.memory_space<hbm>>
          %dma_start3A_64 = tpu.memref_squeeze %dma_start3A_63 : memref<1x1x10240x32xf32, #tpu.memory_space<hbm>> -> memref<10240x32xf32, #tpu.memory_space<hbm>>
          %dma_start3A_65 = arith.constant 0 : i32
          %dma_start3A_66 = arith.constant 0 : i32
          %dma_start3A_67 = tpu.memref_slice %dma_start3A_64[%dma_start3A_65, %dma_start3A_66] : memref<10240x32xf32, #tpu.memory_space<hbm>> -> memref<10240x32xf32, #tpu.memory_space<hbm>>
          tpu.enqueue_indirect_dma source(%dma_start3A_67 : memref<10240x32xf32, #tpu.memory_space<hbm>>) target(%arg10 : memref<400x32xf32, #tpu.memory_space<vmem>>) offsets(%dma_start3A_60 : memref<400xi32, #tpu.memory_space<vmem>>) semaphore(%run_scoped3A : memref<!tpu.dma_semaphore, #tpu.memory_space<semaphore_mem>>)
          %dma_wait3A = arith.constant 0 : i32
          %dma_wait3A_68 = tpu.memref_slice %arg7[%add3A_53, %dma_wait3A] : memref<25x400xi32, #tpu.memory_space<vmem>> -> memref<1x400xi32, #tpu.memory_space<vmem>>
          %dma_wait3A_69 = tpu.memref_squeeze %dma_wait3A_68 : memref<1x400xi32, #tpu.memory_space<vmem>> -> memref<400xi32, #tpu.memory_space<vmem>>
          %dma_wait3A_70 = arith.constant 0 : i32
          %dma_wait3A_71 = arith.constant 0 : i32
          %dma_wait3A_72 = tpu.memref_slice %arg6[%sub3A_26, %arg0, %dma_wait3A_70, %dma_wait3A_71] : memref<25x2x10240x32xf32, #tpu.memory_space<hbm>> -> memref<1x1x10240x32xf32, #tpu.memory_space<hbm>>
          %dma_wait3A_73 = tpu.memref_squeeze %dma_wait3A_72 : memref<1x1x10240x32xf32, #tpu.memory_space<hbm>> -> memref<10240x32xf32, #tpu.memory_space<hbm>>
          %dma_wait3A_74 = arith.constant 0 : i32
          %dma_wait3A_75 = arith.constant 0 : i32
          %dma_wait3A_76 = tpu.memref_slice %dma_wait3A_73[%dma_wait3A_74, %dma_wait3A_75] : memref<10240x32xf32, #tpu.memory_space<hbm>> -> memref<10240x32xf32, #tpu.memory_space<hbm>>
          tpu.wait_indirect_dma semaphore(%run_scoped3A : memref<!tpu.dma_semaphore, #tpu.memory_space<semaphore_mem>>) src(%dma_wait3A_76 : memref<10240x32xf32, #tpu.memory_space<hbm>>) dst(%arg10 : memref<400x32xf32, #tpu.memory_space<vmem>>)
          tpu.yield
        }) : () -> ()
        %scan3A_54 = arith.constant 0 : i32
        %scan3A_55 = arith.constant 400 : i32
        %scan3A_56 = arith.addi %scan3A_54, %scan3A_55 : i32
        %scan3A_57 = arith.constant 1 : i32
        scf.for %scan3A_59 = %scan3A_54 to %scan3A_56 step %scan3A_57  : i32 {
          %mul3A_60 = arith.constant 1 : i32
          %mul3A_61 = arith.muli %scan3A_59, %mul3A_60 : i32
          %add3A_62 = arith.constant 0 : i32
          %add3A_63 = arith.addi %add3A_62, %mul3A_61 : i32
          %add3A_64 = arith.constant 0 : i32
          %add3A_65 = arith.addi %add3A_63, %add3A_64 : i32
          %broadcast_in_dim3A_66 = vector.broadcast %add3A_53 : i32 to vector<16xi32>
          %broadcast_in_dim3A_67 = vector.broadcast %add3A_65 : i32 to vector<16xi32>
          %gather3A = tpu.vector_load_idx %arg9[%broadcast_in_dim3A_66, %broadcast_in_dim3A_67] : memref<25x400xf32, #tpu.memory_space<vmem>>[vector<16xi32>, vector<16xi32>], vector<16xf32>,
          %get3A = arith.index_cast %add3A_65 : i32 to index
          %get3A_68 = arith.constant 0 : index
          %get3A_69 = tpu.vector_load %arg10[%get3A, %get3A_68] {strides = array<i32>} : memref<400x32xf32, #tpu.memory_space<vmem>>, vector<16xf32>,
          %mul3A_70 = arith.mulf %get3A_69, %gather3A : vector<16xf32>
          %swap3A = arith.index_cast %add3A_65 : i32 to index
          %swap3A_71 = arith.constant 0 : index
          %swap3A_72 = tpu.vector_load %arg10[%swap3A, %swap3A_71] {strides = array<i32>} : memref<400x32xf32, #tpu.memory_space<vmem>>, vector<16xf32>,
          tpu.vector_store %arg10[%swap3A, %swap3A_71], %mul3A_70 {strides = array<i32>} : memref<400x32xf32, #tpu.memory_space<vmem>>, vector<16xf32>,
          %get3A_73 = arith.index_cast %add3A_65 : i32 to index
          %get3A_74 = arith.constant 16 : index
          %get3A_75 = tpu.vector_load %arg10[%get3A_73, %get3A_74] {strides = array<i32>} : memref<400x32xf32, #tpu.memory_space<vmem>>, vector<16xf32>,
          %mul3A_76 = arith.mulf %get3A_75, %gather3A : vector<16xf32>
          %swap3A_77 = arith.index_cast %add3A_65 : i32 to index
          %swap3A_78 = arith.constant 16 : index
          %swap3A_79 = tpu.vector_load %arg10[%swap3A_77, %swap3A_78] {strides = array<i32>} : memref<400x32xf32, #tpu.memory_space<vmem>>, vector<16xf32>,
          tpu.vector_store %arg10[%swap3A_77, %swap3A_78], %mul3A_76 {strides = array<i32>} : memref<400x32xf32, #tpu.memory_space<vmem>>, vector<16xf32>,
        }
        %scan3A_58 = arith.constant 400 : i32
        "tpu.region"() ({
          %run_scoped3A = tpu.sem_alloc : memref<!tpu.dma_semaphore, #tpu.memory_space<semaphore_mem>>
          %dma_start3A = arith.constant 0 : i32
          %dma_start3A_59 = tpu.memref_slice %arg8[%add3A_53, %dma_start3A] : memref<25x400xi32, #tpu.memory_space<vmem>> -> memref<1x400xi32, #tpu.memory_space<vmem>>
          %dma_start3A_60 = tpu.memref_squeeze %dma_start3A_59 : memref<1x400xi32, #tpu.memory_space<vmem>> -> memref<400xi32, #tpu.memory_space<vmem>>
          %dma_start3A_61 = arith.constant 0 : i32
          %dma_start3A_62 = arith.constant 0 : i32
          %dma_start3A_63 = tpu.memref_slice %arg14[%dma_start3A_61, %dma_start3A_62] : memref<10240x32xf32, #tpu.memory_space<vmem_shared>> -> memref<10240x32xf32, #tpu.memory_space<vmem_shared>>
          tpu.enqueue_indirect_dma source(%arg10 : memref<400x32xf32, #tpu.memory_space<vmem>>) target(%dma_start3A_63 : memref<10240x32xf32, #tpu.memory_space<vmem_shared>>) offsets(%dma_start3A_60 : memref<400xi32, #tpu.memory_space<vmem>>) semaphore(%run_scoped3A : memref<!tpu.dma_semaphore, #tpu.memory_space<semaphore_mem>>) {add = true}
          %dma_wait3A = arith.constant 0 : i32
          %dma_wait3A_64 = tpu.memref_slice %arg8[%add3A_53, %dma_wait3A] : memref<25x400xi32, #tpu.memory_space<vmem>> -> memref<1x400xi32, #tpu.memory_space<vmem>>
          %dma_wait3A_65 = tpu.memref_squeeze %dma_wait3A_64 : memref<1x400xi32, #tpu.memory_space<vmem>> -> memref<400xi32, #tpu.memory_space<vmem>>
          %dma_wait3A_66 = arith.constant 0 : i32
          %dma_wait3A_67 = arith.constant 0 : i32
          %dma_wait3A_68 = tpu.memref_slice %arg14[%dma_wait3A_66, %dma_wait3A_67] : memref<10240x32xf32, #tpu.memory_space<vmem_shared>> -> memref<10240x32xf32, #tpu.memory_space<vmem_shared>>
          tpu.wait_indirect_dma semaphore(%run_scoped3A : memref<!tpu.dma_semaphore, #tpu.memory_space<semaphore_mem>>) src(%arg10 : memref<400x32xf32, #tpu.memory_space<vmem>>) dst(%dma_wait3A_68 : memref<10240x32xf32, #tpu.memory_space<vmem_shared>>)
          tpu.yield
        }) : () -> ()
      }
      %scan3A_31 = arith.constant 25 : i32
      %barrier3A_32 = arith.constant 0 : index
      tpu.barrier barrier_id(%barrier3A_32)
      %eq3A = arith.constant 1 : i32
      %eq3A_33 = arith.cmpi eq, %add3A_14, %eq3A : i32
      %jit3A = arith.constant 1.000000e+00 : f32
      %jit3A_34 = arith.constant 2.000000e+00 : f32
      %select_n3A = arith.select %eq3A_33, %jit3A, %jit3A_34 : f32
      %eq3A_35 = arith.constant 1 : i32
      %eq3A_36 = arith.cmpi eq, %add3A_14, %eq3A_35 : i32
      %jit3A_37 = arith.constant 0.000000e+00 : f32
      %jit3A_38 = arith.constant 1.000000e+00 : f32
      %select_n3A_39 = arith.select %eq3A_36, %jit3A_37, %jit3A_38 : f32
      %sub3A_40 = arith.constant 2 : i32
      %sub3A_41 = arith.subi %add3A_14, %sub3A_40 : i32
      %max3A = arith.constant 0 : i32
      %max3A_42 = arith.maxsi %sub3A_41, %max3A : i32
      %scan3A_43 = arith.constant 0 : i32
      %scan3A_44 = arith.constant 5 : i32
      %scan3A_45 = arith.addi %scan3A_43, %scan3A_44 : i32
      %scan3A_46 = arith.constant 1 : i32
      scf.for %scan3A_49 = %scan3A_43 to %scan3A_45 step %scan3A_46  : i32 {
        %mul3A_50 = arith.constant 1 : i32
        %mul3A_51 = arith.muli %scan3A_49, %mul3A_50 : i32
        %add3A_52 = arith.constant 0 : i32
        %add3A_53 = arith.addi %add3A_52, %mul3A_51 : i32
        %mul3A_54 = arith.constant 128 : i32
        %mul3A_55 = arith.muli %add3A_53, %mul3A_54 : i32
        %add3A_56 = arith.addi %mul3A_0, %mul3A_55 : i32
        "tpu.region"() ({
          %run_scoped3A = tpu.sem_alloc : memref<!tpu.dma_semaphore, #tpu.memory_space<semaphore_mem>>
          %dma_start3A = arith.constant 0 : i32
          %dma_start3A_64 = tpu.memref_slice %arg14[%add3A_56, %dma_start3A] : memref<10240x32xf32, #tpu.memory_space<vmem_shared>> -> memref<128x32xf32, #tpu.memory_space<vmem_shared>>
          %dma_start3A_65 = arith.constant 0 : i32
          %dma_start3A_66 = tpu.memref_slice %arg14[%add3A_56, %dma_start3A_65] : memref<10240x32xf32, #tpu.memory_space<vmem_shared>> -> memref<128x32xf32, #tpu.memory_space<vmem_shared>>
          tpu.enqueue_dma source(%dma_start3A_66 : memref<128x32xf32, #tpu.memory_space<vmem_shared>>) target(%arg11 : memref<128x32xf32, #tpu.memory_space<vmem>>) target_semaphore(%run_scoped3A : memref<!tpu.dma_semaphore, #tpu.memory_space<semaphore_mem>>)
          %dma_wait3A = arith.constant 0 : i32
          %dma_wait3A_67 = tpu.memref_slice %arg14[%add3A_56, %dma_wait3A] : memref<10240x32xf32, #tpu.memory_space<vmem_shared>> -> memref<128x32xf32, #tpu.memory_space<vmem_shared>>
          %dma_wait3A_68 = arith.constant 0 : i32
          %dma_wait3A_69 = tpu.memref_slice %arg14[%add3A_56, %dma_wait3A_68] : memref<10240x32xf32, #tpu.memory_space<vmem_shared>> -> memref<128x32xf32, #tpu.memory_space<vmem_shared>>
          tpu.wait_dma2 semaphore(%run_scoped3A : memref<!tpu.dma_semaphore, #tpu.memory_space<semaphore_mem>>) src(%dma_wait3A_69 : memref<128x32xf32, #tpu.memory_space<vmem_shared>>) dst(%arg11 : memref<128x32xf32, #tpu.memory_space<vmem>>)
          tpu.yield
        }) : () -> ()
        %sub3A_57 = arith.constant 1 : i32
        %sub3A_58 = arith.subi %add3A_14, %sub3A_57 : i32
        "tpu.region"() ({
          %run_scoped3A = tpu.sem_alloc : memref<!tpu.dma_semaphore, #tpu.memory_space<semaphore_mem>>
          %dma_start3A = arith.constant 0 : i32
          %dma_start3A_64 = tpu.memref_slice %arg6[%sub3A_58, %arg0, %add3A_56, %dma_start3A] : memref<25x2x10240x32xf32, #tpu.memory_space<hbm>> -> memref<1x1x128x32xf32, #tpu.memory_space<hbm>>
          %dma_start3A_65 = tpu.memref_squeeze %dma_start3A_64 : memref<1x1x128x32xf32, #tpu.memory_space<hbm>> -> memref<128x32xf32, #tpu.memory_space<hbm>>
          %dma_start3A_66 = arith.constant 0 : i32
          %dma_start3A_67 = tpu.memref_slice %arg6[%sub3A_58, %arg0, %add3A_56, %dma_start3A_66] : memref<25x2x10240x32xf32, #tpu.memory_space<hbm>> -> memref<1x1x128x32xf32, #tpu.memory_space<hbm>>
          %dma_start3A_68 = tpu.memref_squeeze %dma_start3A_67 : memref<1x1x128x32xf32, #tpu.memory_space<hbm>> -> memref<128x32xf32, #tpu.memory_space<hbm>>
          tpu.enqueue_dma source(%dma_start3A_68 : memref<128x32xf32, #tpu.memory_space<hbm>>) target(%arg12 : memref<128x32xf32, #tpu.memory_space<vmem>>) target_semaphore(%run_scoped3A : memref<!tpu.dma_semaphore, #tpu.memory_space<semaphore_mem>>)
          %dma_wait3A = arith.constant 0 : i32
          %dma_wait3A_69 = tpu.memref_slice %arg6[%sub3A_58, %arg0, %add3A_56, %dma_wait3A] : memref<25x2x10240x32xf32, #tpu.memory_space<hbm>> -> memref<1x1x128x32xf32, #tpu.memory_space<hbm>>
          %dma_wait3A_70 = tpu.memref_squeeze %dma_wait3A_69 : memref<1x1x128x32xf32, #tpu.memory_space<hbm>> -> memref<128x32xf32, #tpu.memory_space<hbm>>
          %dma_wait3A_71 = arith.constant 0 : i32
          %dma_wait3A_72 = tpu.memref_slice %arg6[%sub3A_58, %arg0, %add3A_56, %dma_wait3A_71] : memref<25x2x10240x32xf32, #tpu.memory_space<hbm>> -> memref<1x1x128x32xf32, #tpu.memory_space<hbm>>
          %dma_wait3A_73 = tpu.memref_squeeze %dma_wait3A_72 : memref<1x1x128x32xf32, #tpu.memory_space<hbm>> -> memref<128x32xf32, #tpu.memory_space<hbm>>
          tpu.wait_dma2 semaphore(%run_scoped3A : memref<!tpu.dma_semaphore, #tpu.memory_space<semaphore_mem>>) src(%dma_wait3A_73 : memref<128x32xf32, #tpu.memory_space<hbm>>) dst(%arg12 : memref<128x32xf32, #tpu.memory_space<vmem>>)
          tpu.yield
        }) : () -> ()
        "tpu.region"() ({
          %run_scoped3A = tpu.sem_alloc : memref<!tpu.dma_semaphore, #tpu.memory_space<semaphore_mem>>
          %dma_start3A = arith.constant 0 : i32
          %dma_start3A_64 = tpu.memref_slice %arg6[%max3A_42, %arg0, %add3A_56, %dma_start3A] : memref<25x2x10240x32xf32, #tpu.memory_space<hbm>> -> memref<1x1x128x32xf32, #tpu.memory_space<hbm>>
          %dma_start3A_65 = tpu.memref_squeeze %dma_start3A_64 : memref<1x1x128x32xf32, #tpu.memory_space<hbm>> -> memref<128x32xf32, #tpu.memory_space<hbm>>
          %dma_start3A_66 = arith.constant 0 : i32
          %dma_start3A_67 = tpu.memref_slice %arg6[%max3A_42, %arg0, %add3A_56, %dma_start3A_66] : memref<25x2x10240x32xf32, #tpu.memory_space<hbm>> -> memref<1x1x128x32xf32, #tpu.memory_space<hbm>>
          %dma_start3A_68 = tpu.memref_squeeze %dma_start3A_67 : memref<1x1x128x32xf32, #tpu.memory_space<hbm>> -> memref<128x32xf32, #tpu.memory_space<hbm>>
          tpu.enqueue_dma source(%dma_start3A_68 : memref<128x32xf32, #tpu.memory_space<hbm>>) target(%arg13 : memref<128x32xf32, #tpu.memory_space<vmem>>) target_semaphore(%run_scoped3A : memref<!tpu.dma_semaphore, #tpu.memory_space<semaphore_mem>>)
          %dma_wait3A = arith.constant 0 : i32
          %dma_wait3A_69 = tpu.memref_slice %arg6[%max3A_42, %arg0, %add3A_56, %dma_wait3A] : memref<25x2x10240x32xf32, #tpu.memory_space<hbm>> -> memref<1x1x128x32xf32, #tpu.memory_space<hbm>>
          %dma_wait3A_70 = tpu.memref_squeeze %dma_wait3A_69 : memref<1x1x128x32xf32, #tpu.memory_space<hbm>> -> memref<128x32xf32, #tpu.memory_space<hbm>>
          %dma_wait3A_71 = arith.constant 0 : i32
          %dma_wait3A_72 = tpu.memref_slice %arg6[%max3A_42, %arg0, %add3A_56, %dma_wait3A_71] : memref<25x2x10240x32xf32, #tpu.memory_space<hbm>> -> memref<1x1x128x32xf32, #tpu.memory_space<hbm>>
          %dma_wait3A_73 = tpu.memref_squeeze %dma_wait3A_72 : memref<1x1x128x32xf32, #tpu.memory_space<hbm>> -> memref<128x32xf32, #tpu.memory_space<hbm>>
          tpu.wait_dma2 semaphore(%run_scoped3A : memref<!tpu.dma_semaphore, #tpu.memory_space<semaphore_mem>>) src(%dma_wait3A_73 : memref<128x32xf32, #tpu.memory_space<hbm>>) dst(%arg13 : memref<128x32xf32, #tpu.memory_space<vmem>>)
          tpu.yield
        }) : () -> ()
        %scan3A_59 = arith.constant 0 : i32
        %scan3A_60 = arith.constant 128 : i32
        %scan3A_61 = arith.addi %scan3A_59, %scan3A_60 : i32
        %scan3A_62 = arith.constant 1 : i32
        scf.for %scan3A_64 = %scan3A_59 to %scan3A_61 step %scan3A_62  : i32 {
          %mul3A_65 = arith.constant 1 : i32
          %mul3A_66 = arith.muli %scan3A_64, %mul3A_65 : i32
          %add3A_67 = arith.constant 0 : i32
          %add3A_68 = arith.addi %add3A_67, %mul3A_66 : i32
          %add3A_69 = arith.constant 0 : i32
          %add3A_70 = arith.addi %add3A_68, %add3A_69 : i32
          %get3A = arith.index_cast %add3A_70 : i32 to index
          %get3A_71 = arith.constant 0 : index
          %get3A_72 = tpu.vector_load %arg11[%get3A, %get3A_71] {strides = array<i32>} : memref<128x32xf32, #tpu.memory_space<vmem>>, vector<16xf32>,
          %mul3A_73 = vector.broadcast %select_n3A : f32 to vector<16xf32>
          %mul3A_74 = arith.mulf %mul3A_73, %get3A_72 : vector<16xf32>
          %get3A_75 = arith.index_cast %add3A_70 : i32 to index
          %get3A_76 = arith.constant 0 : index
          %get3A_77 = tpu.vector_load %arg12[%get3A_75, %get3A_76] {strides = array<i32>} : memref<128x32xf32, #tpu.memory_space<vmem>>, vector<16xf32>,
          %mul3A_78 = vector.broadcast %select_n3A : f32 to vector<16xf32>
          %mul3A_79 = arith.mulf %mul3A_78, %get3A_77 : vector<16xf32>
          %sub3A_80 = arith.subf %mul3A_74, %mul3A_79 : vector<16xf32>
          %get3A_81 = arith.index_cast %add3A_70 : i32 to index
          %get3A_82 = arith.constant 0 : index
          %get3A_83 = tpu.vector_load %arg13[%get3A_81, %get3A_82] {strides = array<i32>} : memref<128x32xf32, #tpu.memory_space<vmem>>, vector<16xf32>,
          %mul3A_84 = vector.broadcast %select_n3A_39 : f32 to vector<16xf32>
          %mul3A_85 = arith.mulf %mul3A_84, %get3A_83 : vector<16xf32>
          %sub3A_86 = arith.subf %sub3A_80, %mul3A_85 : vector<16xf32>
          %swap3A = arith.index_cast %add3A_70 : i32 to index
          %swap3A_87 = arith.constant 0 : index
          %swap3A_88 = tpu.vector_load %arg11[%swap3A, %swap3A_87] {strides = array<i32>} : memref<128x32xf32, #tpu.memory_space<vmem>>, vector<16xf32>,
          tpu.vector_store %arg11[%swap3A, %swap3A_87], %sub3A_86 {strides = array<i32>} : memref<128x32xf32, #tpu.memory_space<vmem>>, vector<16xf32>,
          %get3A_89 = arith.index_cast %add3A_70 : i32 to index
          %get3A_90 = arith.constant 16 : index
          %get3A_91 = tpu.vector_load %arg11[%get3A_89, %get3A_90] {strides = array<i32>} : memref<128x32xf32, #tpu.memory_space<vmem>>, vector<16xf32>,
          %mul3A_92 = vector.broadcast %select_n3A : f32 to vector<16xf32>
          %mul3A_93 = arith.mulf %mul3A_92, %get3A_91 : vector<16xf32>
          %get3A_94 = arith.index_cast %add3A_70 : i32 to index
          %get3A_95 = arith.constant 16 : index
          %get3A_96 = tpu.vector_load %arg12[%get3A_94, %get3A_95] {strides = array<i32>} : memref<128x32xf32, #tpu.memory_space<vmem>>, vector<16xf32>,
          %mul3A_97 = vector.broadcast %select_n3A : f32 to vector<16xf32>
          %mul3A_98 = arith.mulf %mul3A_97, %get3A_96 : vector<16xf32>
          %sub3A_99 = arith.subf %mul3A_93, %mul3A_98 : vector<16xf32>
          %get3A_100 = arith.index_cast %add3A_70 : i32 to index
          %get3A_101 = arith.constant 16 : index
          %get3A_102 = tpu.vector_load %arg13[%get3A_100, %get3A_101] {strides = array<i32>} : memref<128x32xf32, #tpu.memory_space<vmem>>, vector<16xf32>,
          %mul3A_103 = vector.broadcast %select_n3A_39 : f32 to vector<16xf32>
          %mul3A_104 = arith.mulf %mul3A_103, %get3A_102 : vector<16xf32>
          %sub3A_105 = arith.subf %sub3A_99, %mul3A_104 : vector<16xf32>
          %swap3A_106 = arith.index_cast %add3A_70 : i32 to index
          %swap3A_107 = arith.constant 16 : index
          %swap3A_108 = tpu.vector_load %arg11[%swap3A_106, %swap3A_107] {strides = array<i32>} : memref<128x32xf32, #tpu.memory_space<vmem>>, vector<16xf32>,
          tpu.vector_store %arg11[%swap3A_106, %swap3A_107], %sub3A_105 {strides = array<i32>} : memref<128x32xf32, #tpu.memory_space<vmem>>, vector<16xf32>,
        }
        %scan3A_63 = arith.constant 128 : i32
        "tpu.region"() ({
          %run_scoped3A = tpu.sem_alloc : memref<!tpu.dma_semaphore, #tpu.memory_space<semaphore_mem>>
          %dma_start3A = arith.constant 0 : i32
          %dma_start3A_64 = tpu.memref_slice %arg6[%add3A_14, %arg0, %add3A_56, %dma_start3A] : memref<25x2x10240x32xf32, #tpu.memory_space<hbm>> -> memref<1x1x128x32xf32, #tpu.memory_space<hbm>>
          %dma_start3A_65 = tpu.memref_squeeze %dma_start3A_64 : memref<1x1x128x32xf32, #tpu.memory_space<hbm>> -> memref<128x32xf32, #tpu.memory_space<hbm>>
          %dma_start3A_66 = arith.constant 0 : i32
          %dma_start3A_67 = tpu.memref_slice %arg6[%add3A_14, %arg0, %add3A_56, %dma_start3A_66] : memref<25x2x10240x32xf32, #tpu.memory_space<hbm>> -> memref<1x1x128x32xf32, #tpu.memory_space<hbm>>
          %dma_start3A_68 = tpu.memref_squeeze %dma_start3A_67 : memref<1x1x128x32xf32, #tpu.memory_space<hbm>> -> memref<128x32xf32, #tpu.memory_space<hbm>>
          tpu.enqueue_dma source(%arg11 : memref<128x32xf32, #tpu.memory_space<vmem>>) target(%dma_start3A_68 : memref<128x32xf32, #tpu.memory_space<hbm>>) target_semaphore(%run_scoped3A : memref<!tpu.dma_semaphore, #tpu.memory_space<semaphore_mem>>)
          %dma_wait3A = arith.constant 0 : i32
          %dma_wait3A_69 = tpu.memref_slice %arg6[%add3A_14, %arg0, %add3A_56, %dma_wait3A] : memref<25x2x10240x32xf32, #tpu.memory_space<hbm>> -> memref<1x1x128x32xf32, #tpu.memory_space<hbm>>
          %dma_wait3A_70 = tpu.memref_squeeze %dma_wait3A_69 : memref<1x1x128x32xf32, #tpu.memory_space<hbm>> -> memref<128x32xf32, #tpu.memory_space<hbm>>
          %dma_wait3A_71 = arith.constant 0 : i32
          %dma_wait3A_72 = tpu.memref_slice %arg6[%add3A_14, %arg0, %add3A_56, %dma_wait3A_71] : memref<25x2x10240x32xf32, #tpu.memory_space<hbm>> -> memref<1x1x128x32xf32, #tpu.memory_space<hbm>>
          %dma_wait3A_73 = tpu.memref_squeeze %dma_wait3A_72 : memref<1x1x128x32xf32, #tpu.memory_space<hbm>> -> memref<128x32xf32, #tpu.memory_space<hbm>>
          tpu.wait_dma2 semaphore(%run_scoped3A : memref<!tpu.dma_semaphore, #tpu.memory_space<semaphore_mem>>) src(%arg11 : memref<128x32xf32, #tpu.memory_space<vmem>>) dst(%dma_wait3A_73 : memref<128x32xf32, #tpu.memory_space<hbm>>)
          tpu.yield
        }) : () -> ()
      }
      %scan3A_47 = arith.constant 5 : i32
      %barrier3A_48 = arith.constant 0 : index
      tpu.barrier barrier_id(%barrier3A_48)
    }
    %scan3A_10 = arith.constant 24 : i32
    return
  }
}

module attributes {stable_mosaic.version = 14 : i64} {
  func.func @body(%arg0: i32, %arg1: memref<1000x100xf32, #tpu.memory_space<vmem>>, %arg2: memref<100x32xf32, #tpu.memory_space<vmem>>, %arg3: memref<1x32xf32, #tpu.memory_space<vmem>>, %arg4: memref<1000x32xf32, #tpu.memory_space<vmem>>) attributes {dimension_semantics = [#tpu.dimension_semantics<arbitrary>], iteration_bounds = array<i64: 160>, scalar_prefetch = 0 : i64, scratch_operands = 0 : i64, tpu.core_type = #tpu.core_type<tc>, window_params = [{transform_indices = @transform_0, window_bounds = array<i64: 1000, 100>}, {pipeline_mode = #tpu.pipeline_mode<synchronous>, transform_indices = @transform_1, window_bounds = array<i64: 100, 32>}, {pipeline_mode = #tpu.pipeline_mode<synchronous>, transform_indices = @transform_2, window_bounds = array<i64: 1, 32>}, {transform_indices = @transform_3, window_bounds = array<i64: 1000, 32>}]} {
    %get3A = arith.constant 0 : index
    %get3A_0 = arith.constant 0 : index
    %get3A_1 = vector.load %arg1[%get3A, %get3A_0] : memref<1000x100xf32, #tpu.memory_space<vmem>>, vector<1000x100xf32>
    %get3A_2 = arith.constant 0 : index
    %get3A_3 = arith.constant 0 : index
    %get3A_4 = vector.load %arg2[%get3A_2, %get3A_3] : memref<100x32xf32, #tpu.memory_space<vmem>>, vector<100x32xf32>
    %dot_general3A = arith.constant dense<0.000000e+00> : vector<1000x32xf32>
    %dot_general3A_5 = tpu.matmul %get3A_1, %get3A_4, %dot_general3A {dimension_numbers = #tpu.dot_dimension_numbers<[1], [0], [0], [1], [0, 0, 1, 1], [], []>, transpose_lhs_hint = false} : vector<1000x100xf32>, vector<100x32xf32>, vector<1000x32xf32> -> vector<1000x32xf32>
    %get3A_6 = arith.constant 0 : index
    %get3A_7 = arith.constant 0 : index
    %get3A_8 = vector.load %arg3[%get3A_6, %get3A_7] : memref<1x32xf32, #tpu.memory_space<vmem>>, vector<1x32xf32>
    %add3A = vector.broadcast %get3A_8 : vector<1x32xf32> to vector<1000x32xf32>
    %add3A_9 = arith.addf %dot_general3A_5, %add3A : vector<1000x32xf32>
    %max3A = arith.constant 0.000000e+00 : f32
    %max3A_10 = vector.broadcast %max3A : f32 to vector<1000x32xf32>
    %max3A_11 = arith.maximumf %add3A_9, %max3A_10 : vector<1000x32xf32>
    %swap3A = arith.constant 0 : index
    %swap3A_12 = arith.constant 0 : index
    %swap3A_13 = vector.load %arg4[%swap3A, %swap3A_12] : memref<1000x32xf32, #tpu.memory_space<vmem>>, vector<1000x32xf32>
    tpu.vector_store %arg4[%swap3A, %swap3A_12], %max3A_11 {strides = array<i32>} : memref<1000x32xf32, #tpu.memory_space<vmem>>, vector<1000x32xf32>,
    return
  }
  func.func @transform_0(%arg0: i32) -> (i32, i32) {
    %c0_i32 = arith.constant 0 : i32
    %c0_i32_0 = arith.constant 0 : i32
    return %arg0, %c0_i32 : i32, i32
  }
  func.func @transform_1(%arg0: i32) -> (i32, i32) {
    %c0_i32 = arith.constant 0 : i32
    %c0_i32_0 = arith.constant 0 : i32
    %c0_i32_1 = arith.constant 0 : i32
    return %c0_i32, %c0_i32_0 : i32, i32
  }
  func.func @transform_2(%arg0: i32) -> (i32, i32) {
    %c0_i32 = arith.constant 0 : i32
    %c0_i32_0 = arith.constant 0 : i32
    %c0_i32_1 = arith.constant 0 : i32
    return %c0_i32, %c0_i32_0 : i32, i32
  }
  func.func @transform_3(%arg0: i32) -> (i32, i32) {
    %c0_i32 = arith.constant 0 : i32
    %c0_i32_0 = arith.constant 0 : i32
    return %arg0, %c0_i32 : i32, i32
  }
}

module attributes {stable_mosaic.version = 14 : i64} {
  func.func @body(%arg0: i32, %arg1: memref<1000x800xf32, #tpu.memory_space<vmem>>, %arg2: memref<800x64xf32, #tpu.memory_space<vmem>>, %arg3: memref<1x64xf32, #tpu.memory_space<vmem>>, %arg4: memref<1000x64xf32, #tpu.memory_space<vmem>>) attributes {dimension_semantics = [#tpu.dimension_semantics<arbitrary>], iteration_bounds = array<i64: 80>, scalar_prefetch = 0 : i64, scratch_operands = 0 : i64, tpu.core_type = #tpu.core_type<tc>, window_params = [{transform_indices = @transform_0, window_bounds = array<i64: 1000, 800>}, {pipeline_mode = #tpu.pipeline_mode<synchronous>, transform_indices = @transform_1, window_bounds = array<i64: 800, 64>}, {pipeline_mode = #tpu.pipeline_mode<synchronous>, transform_indices = @transform_2, window_bounds = array<i64: 1, 64>}, {transform_indices = @transform_3, window_bounds = array<i64: 1000, 64>}]} {
    %get3A = arith.constant 0 : index
    %get3A_0 = arith.constant 0 : index
    %get3A_1 = vector.load %arg1[%get3A, %get3A_0] : memref<1000x800xf32, #tpu.memory_space<vmem>>, vector<1000x800xf32>
    %get3A_2 = arith.constant 0 : index
    %get3A_3 = arith.constant 0 : index
    %get3A_4 = vector.load %arg2[%get3A_2, %get3A_3] : memref<800x64xf32, #tpu.memory_space<vmem>>, vector<800x64xf32>
    %dot_general3A = arith.constant dense<0.000000e+00> : vector<1000x64xf32>
    %dot_general3A_5 = tpu.matmul %get3A_1, %get3A_4, %dot_general3A {dimension_numbers = #tpu.dot_dimension_numbers<[1], [0], [0], [1], [0, 0, 1, 1], [], []>, transpose_lhs_hint = false} : vector<1000x800xf32>, vector<800x64xf32>, vector<1000x64xf32> -> vector<1000x64xf32>
    %get3A_6 = arith.constant 0 : index
    %get3A_7 = arith.constant 0 : index
    %get3A_8 = vector.load %arg3[%get3A_6, %get3A_7] : memref<1x64xf32, #tpu.memory_space<vmem>>, vector<1x64xf32>
    %add3A = vector.broadcast %get3A_8 : vector<1x64xf32> to vector<1000x64xf32>
    %add3A_9 = arith.addf %dot_general3A_5, %add3A : vector<1000x64xf32>
    %max3A = arith.constant 0.000000e+00 : f32
    %max3A_10 = vector.broadcast %max3A : f32 to vector<1000x64xf32>
    %max3A_11 = arith.maximumf %add3A_9, %max3A_10 : vector<1000x64xf32>
    %swap3A = arith.constant 0 : index
    %swap3A_12 = arith.constant 0 : index
    %swap3A_13 = vector.load %arg4[%swap3A, %swap3A_12] : memref<1000x64xf32, #tpu.memory_space<vmem>>, vector<1000x64xf32>
    tpu.vector_store %arg4[%swap3A, %swap3A_12], %max3A_11 {strides = array<i32>} : memref<1000x64xf32, #tpu.memory_space<vmem>>, vector<1000x64xf32>,
    return
  }
  func.func @transform_0(%arg0: i32) -> (i32, i32) {
    %c0_i32 = arith.constant 0 : i32
    %c0_i32_0 = arith.constant 0 : i32
    return %arg0, %c0_i32 : i32, i32
  }
  func.func @transform_1(%arg0: i32) -> (i32, i32) {
    %c0_i32 = arith.constant 0 : i32
    %c0_i32_0 = arith.constant 0 : i32
    %c0_i32_1 = arith.constant 0 : i32
    return %c0_i32, %c0_i32_0 : i32, i32
  }
  func.func @transform_2(%arg0: i32) -> (i32, i32) {
    %c0_i32 = arith.constant 0 : i32
    %c0_i32_0 = arith.constant 0 : i32
    %c0_i32_1 = arith.constant 0 : i32
    return %c0_i32, %c0_i32_0 : i32, i32
  }
  func.func @transform_3(%arg0: i32) -> (i32, i32) {
    %c0_i32 = arith.constant 0 : i32
    %c0_i32_0 = arith.constant 0 : i32
    return %arg0, %c0_i32 : i32, i32
  }
}

module attributes {stable_mosaic.version = 14 : i64} {
  func.func @body(%arg0: i32, %arg1: memref<16x1280xf32, #tpu.memory_space<vmem>>, %arg2: memref<1280x128xf32, #tpu.memory_space<vmem>>, %arg3: memref<1x128xf32, #tpu.memory_space<vmem>>, %arg4: memref<128x10xf32, #tpu.memory_space<vmem>>, %arg5: memref<1x10xf32, #tpu.memory_space<vmem>>, %arg6: memref<16x10xf32, #tpu.memory_space<vmem>>, %arg7: memref<16x128xf32, #tpu.memory_space<vmem>>) attributes {dimension_semantics = [#tpu.dimension_semantics<arbitrary>], iteration_bounds = array<i64: 125>, scalar_prefetch = 0 : i64, scratch_operands = 1 : i64, tpu.core_type = #tpu.core_type<tc>, window_params = [{transform_indices = @transform_0, window_bounds = array<i64: 16, 1280>}, {transform_indices = @transform_1, window_bounds = array<i64: 1280, 128>}, {pipeline_mode = #tpu.pipeline_mode<synchronous>, transform_indices = @transform_2, window_bounds = array<i64: 1, 128>}, {pipeline_mode = #tpu.pipeline_mode<synchronous>, transform_indices = @transform_3, window_bounds = array<i64: 128, 10>}, {pipeline_mode = #tpu.pipeline_mode<synchronous>, transform_indices = @transform_4, window_bounds = array<i64: 1, 10>}, {pipeline_mode = #tpu.pipeline_mode<synchronous>, transform_indices = @transform_5, window_bounds = array<i64: 16, 10>}]} {
    %eq3A = arith.constant 0 : i32
    %eq3A_0 = arith.cmpi eq, %arg0, %eq3A : i32
    %convert_element_type3A = arith.extui %eq3A_0 : i1 to i32
    %cond3A = arith.constant 0 : i32
    %cond3A_1 = arith.cmpi ne, %convert_element_type3A, %cond3A : i32
    scf.if %cond3A_1 {
      %broadcast_in_dim3A = arith.constant 0.000000e+00 : f32
      %broadcast_in_dim3A_18 = vector.broadcast %broadcast_in_dim3A : f32 to vector<16x128xf32>
      %swap3A_19 = arith.constant 0 : index
      %swap3A_20 = arith.constant 0 : index
      %swap3A_21 = vector.load %arg7[%swap3A_19, %swap3A_20] : memref<16x128xf32, #tpu.memory_space<vmem>>, vector<16x128xf32>
      tpu.vector_store %arg7[%swap3A_19, %swap3A_20], %broadcast_in_dim3A_18 {strides = array<i32>} : memref<16x128xf32, #tpu.memory_space<vmem>>, vector<16x128xf32>,
    } else {
    }
    %get3A = arith.constant 0 : index
    %get3A_2 = arith.constant 0 : index
    %get3A_3 = vector.load %arg7[%get3A, %get3A_2] : memref<16x128xf32, #tpu.memory_space<vmem>>, vector<16x128xf32>
    %get3A_4 = arith.constant 0 : index
    %get3A_5 = arith.constant 0 : index
    %get3A_6 = vector.load %arg1[%get3A_4, %get3A_5] : memref<16x1280xf32, #tpu.memory_space<vmem>>, vector<16x1280xf32>
    %get3A_7 = arith.constant 0 : index
    %get3A_8 = arith.constant 0 : index
    %get3A_9 = vector.load %arg2[%get3A_7, %get3A_8] : memref<1280x128xf32, #tpu.memory_space<vmem>>, vector<1280x128xf32>
    %dot_general3A = arith.constant dense<0.000000e+00> : vector<16x128xf32>
    %dot_general3A_10 = tpu.matmul %get3A_6, %get3A_9, %dot_general3A {dimension_numbers = #tpu.dot_dimension_numbers<[1], [0], [0], [1], [0, 0, 1, 1], [], []>, transpose_lhs_hint = false} : vector<16x1280xf32>, vector<1280x128xf32>, vector<16x128xf32> -> vector<16x128xf32>
    %add3A = arith.addf %get3A_3, %dot_general3A_10 : vector<16x128xf32>
    %swap3A = arith.constant 0 : index
    %swap3A_11 = arith.constant 0 : index
    %swap3A_12 = vector.load %arg7[%swap3A, %swap3A_11] : memref<16x128xf32, #tpu.memory_space<vmem>>, vector<16x128xf32>
    tpu.vector_store %arg7[%swap3A, %swap3A_11], %add3A {strides = array<i32>} : memref<16x128xf32, #tpu.memory_space<vmem>>, vector<16x128xf32>,
    %eq3A_13 = arith.constant 124 : i32
    %eq3A_14 = arith.cmpi eq, %arg0, %eq3A_13 : i32
    %convert_element_type3A_15 = arith.extui %eq3A_14 : i1 to i32
    %cond3A_16 = arith.constant 0 : i32
    %cond3A_17 = arith.cmpi ne, %convert_element_type3A_15, %cond3A_16 : i32
    scf.if %cond3A_17 {
      %get3A_18 = arith.constant 0 : index
      %get3A_19 = arith.constant 0 : index
      %get3A_20 = vector.load %arg7[%get3A_18, %get3A_19] : memref<16x128xf32, #tpu.memory_space<vmem>>, vector<16x128xf32>
      %get3A_21 = arith.constant 0 : index
      %get3A_22 = arith.constant 0 : index
      %get3A_23 = vector.load %arg3[%get3A_21, %get3A_22] : memref<1x128xf32, #tpu.memory_space<vmem>>, vector<1x128xf32>
      %add3A_24 = vector.broadcast %get3A_23 : vector<1x128xf32> to vector<16x128xf32>
      %add3A_25 = arith.addf %get3A_20, %add3A_24 : vector<16x128xf32>
      %max3A = arith.constant 0.000000e+00 : f32
      %max3A_26 = vector.broadcast %max3A : f32 to vector<16x128xf32>
      %max3A_27 = arith.maximumf %add3A_25, %max3A_26 : vector<16x128xf32>
      %get3A_28 = arith.constant 0 : index
      %get3A_29 = arith.constant 0 : index
      %get3A_30 = vector.load %arg4[%get3A_28, %get3A_29] : memref<128x10xf32, #tpu.memory_space<vmem>>, vector<128x10xf32>
      %dot_general3A_31 = arith.constant dense<0.000000e+00> : vector<16x10xf32>
      %dot_general3A_32 = tpu.matmul %max3A_27, %get3A_30, %dot_general3A_31 {dimension_numbers = #tpu.dot_dimension_numbers<[1], [0], [0], [1], [0, 0, 1, 1], [], []>, transpose_lhs_hint = false} : vector<16x128xf32>, vector<128x10xf32>, vector<16x10xf32> -> vector<16x10xf32>
      %get3A_33 = arith.constant 0 : index
      %get3A_34 = arith.constant 0 : index
      %get3A_35 = vector.load %arg5[%get3A_33, %get3A_34] : memref<1x10xf32, #tpu.memory_space<vmem>>, vector<1x10xf32>
      %add3A_36 = vector.broadcast %get3A_35 : vector<1x10xf32> to vector<16x10xf32>
      %add3A_37 = arith.addf %dot_general3A_32, %add3A_36 : vector<16x10xf32>
      %swap3A_38 = arith.constant 0 : index
      %swap3A_39 = arith.constant 0 : index
      %swap3A_40 = vector.load %arg6[%swap3A_38, %swap3A_39] : memref<16x10xf32, #tpu.memory_space<vmem>>, vector<16x10xf32>
      tpu.vector_store %arg6[%swap3A_38, %swap3A_39], %add3A_37 {strides = array<i32>} : memref<16x10xf32, #tpu.memory_space<vmem>>, vector<16x10xf32>,
    } else {
    }
    return
  }
  func.func @transform_0(%arg0: i32) -> (i32, i32) {
    %c0_i32 = arith.constant 0 : i32
    %c0_i32_0 = arith.constant 0 : i32
    return %c0_i32, %arg0 : i32, i32
  }
  func.func @transform_1(%arg0: i32) -> (i32, i32) {
    %c0_i32 = arith.constant 0 : i32
    %c0_i32_0 = arith.constant 0 : i32
    return %arg0, %c0_i32 : i32, i32
  }
  func.func @transform_2(%arg0: i32) -> (i32, i32) {
    %c0_i32 = arith.constant 0 : i32
    %c0_i32_0 = arith.constant 0 : i32
    %c0_i32_1 = arith.constant 0 : i32
    return %c0_i32, %c0_i32_0 : i32, i32
  }
  func.func @transform_3(%arg0: i32) -> (i32, i32) {
    %c0_i32 = arith.constant 0 : i32
    %c0_i32_0 = arith.constant 0 : i32
    %c0_i32_1 = arith.constant 0 : i32
    return %c0_i32, %c0_i32_0 : i32, i32
  }
  func.func @transform_4(%arg0: i32) -> (i32, i32) {
    %c0_i32 = arith.constant 0 : i32
    %c0_i32_0 = arith.constant 0 : i32
    %c0_i32_1 = arith.constant 0 : i32
    return %c0_i32, %c0_i32_0 : i32, i32
  }
  func.func @transform_5(%arg0: i32) -> (i32, i32) {
    %c0_i32 = arith.constant 0 : i32
    %c0_i32_0 = arith.constant 0 : i32
    %c0_i32_1 = arith.constant 0 : i32
    return %c0_i32, %c0_i32_0 : i32, i32
  }
}

</mosaic_0001>

<sc_bundles>
// kernel: kernel.10.cloned.1.call-start
scs
__scs_entry_jumppad:
0x0: {  	(pc) =	sbr.rel $0x88, $3  }
0x1: {  	(tag) =	ssettag $0x0;
	lr =	simm.s32 $0x1  }
0x2: {  	[smem:$0x3F92] =	sst lr;
	_ =	strace $0xD0000000  }
0x3: {  	_ = 	snop  }
0x4: {  	_ = 	snop  }
0x5: {  	_ = 	snop  }
0x6: {  	_ = 	snop  }
0x7: {  	_ = 	snop  }
__scs_overlays_trampoline_lowered:
0x8: {  	[smem:$0x3FA1] =	sst s0  }
0x9: {  	[smem:$0x3FA2] =	sst s1  }
0xa: {  	[smem:$0x3FA3] =	sst s2  }
0xb: {  	[smem:$0x3FA4] =	sst s3  }
0xc: {  	[smem:$0x3FA5] =	sst s4  }
0xd: {  	[smem:$0x3FA6] =	sst s5  }
0xe: {  	[smem:$0x3FA7] =	sst s6  }
0xf: {  	[smem:$0x3FA8] =	sst s7  }
0x10: {  	[smem:$0x3FA9] =	sst s8  }
0x11: {  	[smem:$0x3FAA] =	sst s9;
	s0 =	simm.s32 @!p0 $0x0  }
0x12: {  	s1 =	sld [smem:$0x3F90];
	s0 =	simm.s32 @p0 $0x1  }
0x13: {  	[smem:$0x3FAB] =	sst s0;
	s0 =	simm.s32 @!p1 $0x0  }
0x14: {  	s2 =	sld [smem:$0x3F8F];
	s0 =	simm.s32 @p1 $0x1  }
0x15: {  	[smem:$0x3FAC] =	sst s0;
	s0 =	simm.s32 @!p2 $0x0  }
0x16: {  	s3 =	sld [smem:$0x3FDB];
	s0 =	simm.s32 @p2 $0x1  }
0x17: {  	s4 =	simm.s32 $0x1BF5;
	[smem:$0x3FAE] =	sst s0  }
0x18: {  	s0 =	sld [smem:$0x3F91];
	_ =	swait.ge [sflag:s4], $0x0  }
0x19: {  	s7 =	sld [smem:$0x3F92]  }
0x1a: {  	s8 =	sadd.s32 $0xFFFFE003, lr  }
0x1b: {  	s9 =	sadd.s32 $0xFFFFFEF7, lr;
	s5 =	simm.s32 $0xFFFFFFFF;
	p2 =	slt.u32 s8, $0xFFFFF086  }
0x1c: {  	p1 =	slt.u32 s9, $0xF7A;
	s5 =	simm.s32 @!p2 $0x0  }
0x1d: {  	s5 =	simm.s32 @p1 $0x1;
	p0 =	seq.s32 s7, s2  }
0x1e: {  	s7 =	smul.u32 @!p0 $0xF7A, s2;
	p2 =	seq.s32 @!p0 s5, $0x0  }
0x1f: {  	s9 =	smul.u32 $0xF7A, s1;
	s8 =	simm.s32 @!p0 $0x1BF5;
	p2 =	por !p2, p0  }
0x20: {  	[sflag:s8] =	ssyncset.s32 @!p0 $0xFFFFF086;
	s6 =	sadd.s32 @!p0 s3, s7;
	s7 =	simm.s32 @!p0 $0x108  }
0x21: {  	s3 =	sadd.s32 s3, s9;
	s6 =	sadd.s32 @!p0 $0x88, s6;
	s7 =	simm.s32 @p2 $0x1082  }
0x22: {  	[simem:s7], [sflag:s8] =	dma.local @!p0 [hbm:s6], $0xF7A  }
0x23: {  	s9 =	sor.u32 $0xD0000000, s2;
	s6 =	simm.s32 $0x108;
	_ =	swait.ge @!p0 [sflag:s8], $0x0  }
0x24: {  	s3 =	sadd.s32 $0x88, s3;
	s6 =	simm.s32 @!p1 $0x1082;
	[sflag:s4] =	ssyncset.s32 $0xFFFFF086  }
0x25: {  	[simem:s6], [sflag:s4] =	dma.local [hbm:s3], $0xF7A  }
0x26: {  	[smem:$0x3F92] =	sst s1;
	(tag) =	ssettag s2;
	_ =	strace s9  }
0x27: {  	s1 =	sld [smem:$0x3FA2]  }
0x28: {  	s2 =	sld [smem:$0x3FA3]  }
0x29: {  	s4 =	sld [smem:$0x3FA5]  }
0x2a: {  	p0 =	seq.s32 s5, $0x0;
	s5 =	sld [smem:$0x3FA6]  }
0x2b: {  	s6 =	sld [smem:$0x3FA7]  }
0x2c: {  	s7 =	sld [smem:$0x3FA8]  }
0x2d: {  	s3 =	simm.s32 $0x108;
	s8 =	sld [smem:$0x3FA9]  }
0x2e: {  	s3 =	simm.s32 @!p0 $0x1082;
	s9 =	sld [smem:$0x3FAA]  }
0x2f: {  	lr =	sadd.s32 s0, s3;
	s0 =	sld [smem:$0x3FA1]  }
0x30: {  	s3 =	sld [smem:$0x3FA4]  }
0x31: {  	[smem:$0x3FAD] =	sst s10  }
0x32: {  	s10 =	sld [smem:$0x3FAB];
	_ =	sdelay $0x3  }
0x33: {  	p0 =	seq.s32 s10, $0x1;
	s10 =	sld [smem:$0x3FAD];
	_ =	sdelay $0x3  }
0x34: {  	[smem:$0x3FAD] =	sst s10  }
0x35: {  	s10 =	sld [smem:$0x3FAC];
	_ =	sdelay $0x3  }
0x36: {  	p1 =	seq.s32 s10, $0x1;
	s10 =	sld [smem:$0x3FAD];
	_ =	sdelay $0x3  }
0x37: {  	[smem:$0x3FAD] =	sst s10  }
0x38: {  	s10 =	sld [smem:$0x3FAE]  }
0x39: {  	_ = 	snop;
	(pc) =	sbr.ind lr, $3  }
0x3a: {  	_ = 	snop  }
0x3b: {  	_ = 	snop  }
0x3c: {  	p2 =	seq.s32 s10, $0x1;
	s10 =	sld [smem:$0x3FAD]  }
0x3d: {  	_ =	shalt  }
0x3e: {  	_ =	shalt  }
0x3f: {  	_ =	shalt  }
0x40: {  	_ =	shalt  }
0x41: {  	_ =	shalt  }
0x42: {  	_ =	shalt  }
0x43: {  	_ =	shalt  }
0x44: {  	_ =	shalt  }
0x45: {  	_ =	shalt  }
0x46: {  	_ =	shalt  }
0x47: {  	_ =	shalt  }
0x48: {  	_ =	shalt  }
0x49: {  	_ =	shalt  }
0x4a: {  	_ =	shalt  }
0x4b: {  	_ =	shalt  }
0x4c: {  	_ =	shalt  }
0x4d: {  	_ =	shalt  }
0x4e: {  	_ =	shalt  }
0x4f: {  	_ =	shalt  }
0x50: {  	_ =	shalt  }
0x51: {  	_ =	shalt  }
0x52: {  	_ =	shalt  }
0x53: {  	_ =	shalt  }
0x54: {  	_ =	shalt  }
0x55: {  	_ =	shalt  }
0x56: {  	_ =	shalt  }
0x57: {  	_ =	shalt  }
0x58: {  	_ =	shalt  }
0x59: {  	_ =	shalt  }
0x5a: {  	_ =	shalt  }
0x5b: {  	_ =	shalt  }
0x5c: {  	_ =	shalt  }
0x5d: {  	_ =	shalt  }
0x5e: {  	_ =	shalt  }
0x5f: {  	_ =	shalt  }
0x60: {  	_ =	shalt  }
0x61: {  	_ =	shalt  }
0x62: {  	_ =	shalt  }
0x63: {  	_ =	shalt  }
0x64: {  	_ =	shalt  }
0x65: {  	_ =	shalt  }
0x66: {  	_ =	shalt  }
0x67: {  	_ =	shalt  }
0x68: {  	_ =	shalt  }
0x69: {  	_ =	shalt  }
0x6a: {  	_ =	shalt  }
0x6b: {  	_ =	shalt  }
0x6c: {  	_ =	shalt  }
0x6d: {  	_ =	shalt  }
0x6e: {  	_ =	shalt  }
0x6f: {  	_ =	shalt  }
0x70: {  	_ =	shalt  }
0x71: {  	_ =	shalt  }
0x72: {  	_ =	shalt  }
0x73: {  	_ =	shalt  }
0x74: {  	_ =	shalt  }
0x75: {  	_ =	shalt  }
0x76: {  	_ =	shalt  }
0x77: {  	_ =	shalt  }
0x78: {  	_ =	shalt  }
0x79: {  	_ =	shalt  }
0x7a: {  	_ =	shalt  }
0x7b: {  	_ =	shalt  }
0x7c: {  	_ =	shalt  }
0x7d: {  	_ =	shalt  }
0x7e: {  	_ =	shalt  }
0x7f: {  	_ =	shalt  }
0x80: {  	_ =	shalt  }
0x81: {  	_ =	shalt  }
0x82: {  	_ =	shalt  }
0x83: {  	_ =	shalt  }
0x84: {  	_ =	shalt  }
0x85: {  	_ =	shalt  }
0x86: {  	_ =	shalt  }
0x87: {  	_ =	shalt  }
.Lfunc_end0:
.L_simem_size_0:
called_computation.5_lowered:
.L_overlay_start_0:
0x88: {  	s2 =	sld [smem:$0x3FD9]  }
0x89: {  	s3 =	sld [smem:$0x3FFE];
	_ =	sdelay $0x1  }
0x8a: {  	s1 =	srdreg.scid  }
0x8b: {  	s0 =	sand.u32 $0x1, s1  }
0x8c: {  	s16 =	sshll.u32 s0, $0xA;
	s2 =	sadd.s32 s3, s2  }
0x8d: {  	s2 =	sadd.s32 s2, s16  }
0x8e: {  	[smem:$0x3FB9] =	sst s2  }
0x8f: {  	_ = 	snop  }
0x90: {  	(tm) =	ssettm $0x1  }
0x91: {  	s17 =	sld [smem:$0x3FFB];
	_ =	sdelay $0x3  }
0x92: {  	_ =	strace s17  }
0x93: {  	s2 =	sld [smem:$0x3FFC];
	_ =	sdelay $0x3  }
0x94: {  	_ =	strace s2  }
0x95: {  	s2 =	sld [smem:$0x3FFD];
	_ =	sdelay $0x3  }
0x96: {  	_ =	strace s2  }
0x97: {  	_ =	strace $0x8FFFFFFF  }
0x98: {  	s18 =	sld [smem:$0x3FDB];
	_ =	sdelay $0x1  }
0x99: {  	s19 =	simm.s32 $_scs_section_size  }
0x9a: {  	s4 =	simm.s32 $_size__tile_overlayer_lowered;
	s5 =	simm.s32 $_tile_overlayer_lowered  }
0x9b: {  	s22 =	simm.s32 $0x1BFF;
	s21 =	sshll.u32 s5, $0x1;
	s2 =	sadd.s32 s19, s18  }
0x9c: {  	s6 =	simm.s32 $0x0;
	s20 =	sshll.u32 s4, $0x1;
	s4 =	sadd.s32 s21, s2  }
0x9d: {  	[timem:s6], [sflag:s22] =	dma.local [hbm:s4], s20  }
0x9e: {  	_ =	swait.ge [sflag:s22], s20  }
0x9f: {  	s3 =	ssub.s32 $0x0, s20;
	[sflag:s22] =	ssyncset.done $0x0  }
0xa0: {  	[sflag:s22] =	ssyncadd.s32 s3;
	_ =	sdelay $0x1  }
0xa1: {  	s23 =	simm.s32 $0x1B8B  }
0xa2: {  	_ =	swait.ge [sflag:s23], $0x1  }
0xa3: {  	[sflag:s23] =	ssyncset.done $0x0  }
0xa4: {  	s25 =	simm.s32 $0x1B8E;
	s24 =	sld [smem:$0x3FFE];
	[sflag:s23] =	ssyncadd.s32 $0xFFFFFFFF  }
0xa5: {  	s26 =	simm.s32 $execute0_lowered;
	[smem:$0x3FD2] =	sst s25  }
0xa6: {  	s4 =	sshll.u32 s26, $0x1;
	_ =	strace $0x8000004F;
	[dreg:$0x1] =	wrdreg $0xFFFFFFFF  }
0xa7: {  	s28 =	simm.s32 $_size_execute0_lowered;
	s2 =	sadd.s32 s2, s4;
	[dreg:$0x0] =	wrdreg $0x0  }
0xa8: {  	s4 =	sshll.u32 s28, $0x1;
	[dreg:$0x2] =	wrdreg s2  }
0xa9: {  	[dreg:$0x3] =	wrdreg s4  }
0xaa: {  	[dreg:$0x4] =	wrdreg $0xC0  }
0xab: {  	_ =	task [dreg:s6], $0x5FFFF  }
0xac: {  	[dreg:$0x1] =	wrdreg $0xFFFFFFFF  }
0xad: {  	[dreg:$0x0] =	wrdreg $0x60  }
0xae: {  	[dreg:$0x2] =	wrdreg s24  }
0xaf: {  	[dreg:$0x3] =	wrdreg $0xA3A00  }
0xb0: {  	[dreg:$0x4] =	wrdreg $0x9  }
0xb1: {  	_ =	task.clear_ibuf [dreg:s6], $0x5FFFF;
	_ =	strace $0x9000004F  }
0xb2: {  	s29 =	simm.s32 $0x9;
	_ =	strace $0x80000051  }
0xb3: {  	_ =	swait.ge [sflag:s29], $0x1  }
0xb4: {  	[sflag:s29] =	ssyncadd.s32 $0xFFFFFFFF  }
0xb5: {  	_ =	strace $0x90000051  }
0xb6: {  	_ =	sfence  }
0xb7: {  	s30 =	sld [smem:$0x0];
	_ =	sdelay $0x2  }
0xb8: {  	s31 =	sshll.u32 s1, $0xD;
	s1 =	sshrl.u32 s1, $0x2  }
0xb9: {  	s3 =	sand.u32 $0x4000, s31;
	s1 =	sadd.s32 s1, s30  }
0xba: {  	s0 =	sor.u32 s3, s0;
	s1 =	sshll.u32 s1, $0x11  }
0xbb: {  	s0 =	sor.u32 s1, s0  }
0xbc: {  	s0 =	sadd.s32 $0x8F2B, s0  }
0xbd: {  	[sflag:s0] =	ssyncadd.remote.s32 $0x1  }
0xbe: {  	_ =	sfence.sel $0xFFFF  }
0xbf: {  	[dreg:$0x0] =	wrdreg $0xFFFFFFFF;
	(pc) =	sbr.abs _section_cstart, $3  }
0xc0: {  	[dreg:$0x1] =	wrdreg $0xFFFFFFFF  }
0xc1: {  	_ =	task.clear_ibuf [dreg:s6], $0x2FFFF;
	_ =	strace $0x9FFFFFFF  }
0xc2: {  	(tm) =	ssettm $0x7FFFFFFF  }
0xc3: {  	_ =	shalt  }
tec
execute0_lowered:
.L_overlay_start_1:
0x0: {  	(tag) =	ssettag $0x1  }
0x1: {  	s0 =	srdreg.scid;
	s11 =	stileid.u32  }
0x2: {  	s1 =	rddreg [dreg:$0x0];
	s3 =	smul.u32 $0x14000, s11  }
0x3: {  	s4 =	rddreg [dreg:$0x1];
	s23 =	smul.u32 $0x2BC, s11  }
0x4: {  	s5 =	simm.s32 $0x0;
	s0 =	sand.u32 $0x1, s0;
	s11 =	smul.u32 $0x50000, s11  }
0x5: {  	[smem:$0x7FF] =	sst s5;
	s2 =	smul.u32 $0x140000, s0;
	s9 =	sadd.s32 s23, s1  }
0x6: {  	_ =	strace $0x80000050;
	s0 =	ssub.s32 $0x2, s0;
	s24 =	sadd.s32 $0x1F1800, s9  }
0x7: {  	s10 =	sshrl.u32 s0, $0x1;
	s25 =	sadd.s32 $0x1EEC00, s9;
	[dreg:$0x3] =	wrdreg s24  }
0x8: {  	s0 =	ssub.s32 s0, s10;
	s26 =	sadd.s32 $0x3E2C00, s9;
	[dreg:$0x4] =	wrdreg s25  }
0x9: {  	s9 =	sshrl.u32 s11, $0x2;
	s11 =	sadd.s32 $0xFFD80000, s2;
	[dreg:$0x5] =	wrdreg s26  }
0xa: {  	s10 =	sadd.s32 s9, s4;
	[dreg:$0x6] =	wrdreg s11;
	s0 =	smax.u32 s0, $0x1  }
0xb: {  	s6 =	sadd.s32 s3, s2;
	[dreg:$0x7] =	wrdreg s0;
	s12 =	sadd.s32 $0x1000, s10  }
0xc: {  	s7 =	sshrl.u32 s6, $0x3;
	s13 =	sadd.s32 $0x2000, s10;
	[dreg:$0x8] =	wrdreg s12  }
0xd: {  	s6 =	sadd.s32 $0x3E5800, s1;
	s14 =	sadd.s32 $0x3000, s10;
	[dreg:$0x9] =	wrdreg s13  }
0xe: {  	s9 =	simm.s32 $0x2BC0;
	s15 =	sadd.s32 $0x4000, s10;
	[dreg:$0xa] =	wrdreg s14  }
0xf: {  	s11 =	simm.s32 $0x32;
	s16 =	sadd.s32 $0x5000, s10;
	[dreg:$0xb] =	wrdreg s15  }
0x10: {  	s8 =	sadd.s32 s7, s1;
	s17 =	sadd.s32 $0x6000, s10;
	[dreg:$0xc] =	wrdreg s16  }
0x11: {  	s18 =	sadd.s32 $0x7000, s10;
	s19 =	sadd.s32 $0x8000, s10;
	[dreg:$0xd] =	wrdreg s17  }
0x12: {  	s20 =	sadd.s32 $0x9000, s10;
	s21 =	sadd.s32 $0xA000, s10;
	[dreg:$0xe] =	wrdreg s18  }
0x13: {  	s22 =	sadd.s32 $0xB000, s10;
	s24 =	sadd.s32 s7, s6;
	[dreg:$0xf] =	wrdreg s19  }
0x14: {  	s23 =	sadd.s32 $0xC000, s10;
	s26 =	sadd.s32 $0xD000, s10;
	[dreg:$0x10] =	wrdreg s20  }
0x15: {  	s29 =	sadd.s32 $0xE000, s10;
	s30 =	sadd.s32 $0xF000, s10;
	[dreg:$0x11] =	wrdreg s21  }
0x16: {  	s31 =	sadd.s32 $0x10000, s10;
	s1 =	sadd.s32 $0x11000, s10;
	[dreg:$0x12] =	wrdreg s22  }
0x17: {  	s0 =	sadd.s32 $0x12000, s10;
	s28 =	smov.u32 s10;
	[dreg:$0x13] =	wrdreg s23  }
0x18: {  	s7 =	sadd.s32 $0x13000, s10;
	s25 =	sadd.s32 $0x1000, s8;
	[dreg:$0x14] =	wrdreg s26  }
0x19: {  	s8 =	simm.s32 $0x1;
	s12 =	simm.s32 $0x73A0;
	s13 =	simm.s32 $0x41A0  }
0x1a: {  	v0 =	vimm.f32 $0.0e+00;
	s14 =	simm.s32 $0x83A0;
	s15 =	simm.s32 $0x93A0;
	s16 =	simm.s32 $0x0  }
.LBB2_1:
0x1b: {  	[dreg:$0x15] =	wrdreg s16  }
0x1c: {  	s10 =	rddreg [dreg:$0x3]  }
0x1d: {  	[tilespmem:s5], [sflag:$0x1] =	stream.linear.gather [hbm4b:s10+s5], $0x15E0, $0x38;
	[tilespmem:$0x1E3A0] =	vst v63  }
0x1e: {  	_ =	swait.ge [sflag:s8], $0x15E0  }
0x1f: {  	[sflag:s8] =	ssyncset.done $0x0  }
0x20: {  	s21 =	simm.s32 $0x15E0;
	s20 =	rddreg [dreg:$0x4];
	[sflag:s8] =	ssyncadd.s32 $0xFFFFEA20  }
0x21: {  	[tilespmem:s21], [sflag:$0x1] =	stream.linear.gather [hbm4b:s20+s5], $0x15E0, $0x38;
	[tilespmem:$0x1E3A0] =	vst v63  }
0x22: {  	_ =	swait.ge [sflag:s8], $0x15E0  }
0x23: {  	[sflag:s8] =	ssyncset.done $0x0  }
0x24: {  	s22 =	rddreg [dreg:$0x5];
	[sflag:s8] =	ssyncadd.s32 $0xFFFFEA20  }
0x25: {  	[tilespmem:s9], [sflag:$0x1] =	stream.linear.gather [hbm4b:s22+s5], $0x15E0, $0x38;
	[tilespmem:$0x1E3A0] =	vst v63  }
0x26: {  	_ =	swait.ge [sflag:s8], $0x15E0  }
0x27: {  	[sflag:s8] =	ssyncset.done $0x0  }
0x28: {  	s23 =	sadd.s32 $0x0, s25;
	[sflag:s8] =	ssyncadd.s32 $0xFFFFEA20  }
0x29: {  	[tilespmem:s12], [sflag:$0x1] =	stream.linear.gather [hbm4b:s23+s5], $0x1000, $0x38;
	[tilespmem:$0x1E3A0] =	vst v63  }
0x2a: {  	_ =	swait.ge [sflag:s8], $0x1000  }
0x2b: {  	[sflag:s8] =	ssyncset.done $0x0  }
0x2c: {  	s26 =	sadd.s32 $0x0, s24;
	[sflag:s8] =	ssyncadd.s32 $0xFFFFF000  }
0x2d: {  	[hbm4b:s26+s5] =	stream.linear.scatter [tilespmem:s12], [sflag:$0x1], $0x1000, $0x38;
	[tilespmem:$0x1E3A0] =	vst v63  }
0x2e: {  	_ =	swait.ge [sflag:s8], $0x1000  }
0x2f: {  	s16 =	simm.s32 $0x400;
	s10 =	simm.s32 $0x200;
	[sflag:s8] =	ssyncset.done $0x0  }
.LBB2_2:
0x30: {  	s17 =	sadd.s32 s10, s25  }
0x31: {  	[sflag:s8] =	ssyncadd.s32 $0xFFFFF000;
	s18 =	smov.u32 s16;
	s19 =	sadd.s32 $0x200, s16  }
0x32: {  	[tilespmem:s12], [sflag:$0x1] =	stream.linear.gather [hbm4b:s17+s5], $0x1000, $0x38;
	[tilespmem:$0x1E3A0] =	vst v63  }
0x33: {  	p0 =	sne.s32 s16, $0x2600;
	_ =	swait.ge [sflag:s8], $0x1000  }
.Ltmp0:
0x34: {  	[sflag:s8] =	ssyncset.done $0x0;
	(pc) =	sbr.rel @p0 .LBB2_2-.Ltmp0, $4  }
0x35: {  	s16 =	sadd.s32 s10, s24;
	s10 =	smov.u32 s18;
	[sflag:s8] =	ssyncadd.s32 $0xFFFFF000  }
0x36: {  	[hbm4b:s16+s5] =	stream.linear.scatter [tilespmem:s12], [sflag:$0x1], $0x1000, $0x38;
	[tilespmem:$0x1E3A0] =	vst v63  }
0x37: {  	_ =	swait.ge [sflag:s8], $0x1000  }
0x38: {  	s16 =	smov.u32 s19;
	[sflag:s8] =	ssyncset.done $0x0  }
0x39: {  	s16 =	sadd.s32 s10, s25;
	[sflag:s8] =	ssyncadd.s32 $0xFFFFF000  }
0x3a: {  	[tilespmem:s12], [sflag:$0x1] =	stream.linear.gather [hbm4b:s16+s5], $0x1000, $0x38;
	[tilespmem:$0x1E3A0] =	vst v63  }
0x3b: {  	_ =	swait.ge [sflag:s8], $0x1000  }
0x3c: {  	[sflag:s8] =	ssyncset.done $0x0  }
0x3d: {  	s26 =	sadd.s32 s10, s24;
	[sflag:s8] =	ssyncadd.s32 $0xFFFFF000  }
0x3e: {  	[hbm4b:s26+s5] =	stream.linear.scatter [tilespmem:s12], [sflag:$0x1], $0x1000, $0x38;
	[tilespmem:$0x1E3A0] =	vst v63  }
0x3f: {  	_ =	swait.ge [sflag:s8], $0x1000  }
0x40: {  	[sflag:s8] =	ssyncset.done $0x0  }
0x41: {  	[sflag:s8] =	ssyncadd.s32 $0xFFFFF000  }
0x42: {  	s18 =	simm.s32 $0x0;
	[bflag:$0x0] =	sbarrier.arrive $0xFFFF  }
.LBB2_4:
0x43: {  	s10 =	simm.s32 $0x0;
	s16 =	simm.s32 $0x400  }
.LBB2_5:
0x44: {  	p0 =	sne.s32 s16, $0x3C00;
	[tilespmem:s10+$0x7490] =	vst v0  }
0x45: {  	[tilespmem:s10+$0x73A0] =	vst v0  }
0x46: {  	[tilespmem:s10+$0x73B0] =	vst v0  }
0x47: {  	[tilespmem:s10+$0x73C0] =	vst v0  }
0x48: {  	[tilespmem:s10+$0x73D0] =	vst v0  }
0x49: {  	[tilespmem:s10+$0x73E0] =	vst v0  }
0x4a: {  	[tilespmem:s10+$0x73F0] =	vst v0  }
0x4b: {  	[tilespmem:s10+$0x7400] =	vst v0  }
0x4c: {  	[tilespmem:s10+$0x7410] =	vst v0  }
0x4d: {  	[tilespmem:s10+$0x7420] =	vst v0  }
0x4e: {  	[tilespmem:s10+$0x7430] =	vst v0  }
.Ltmp1:
0x4f: {  	[tilespmem:s10+$0x7440] =	vst v0;
	(pc) =	sbr.rel @p0 .LBB2_5-.Ltmp1, $4  }
0x50: {  	[tilespmem:s10+$0x7450] =	vst v0  }
0x51: {  	[tilespmem:s10+$0x7460] =	vst v0  }
0x52: {  	[tilespmem:s10+$0x7470] =	vst v0  }
0x53: {  	[tilespmem:s10+$0x7480] =	vst v0;
	s10 =	sshra.s32 s16, $0x2;
	s16 =	sadd.s32 $0x400, s16  }
0x54: {  	[tilespmem:s10+$0x7490] =	vst v0  }
0x55: {  	[tilespmem:s10+$0x73A0] =	vst v0  }
0x56: {  	[tilespmem:s10+$0x73B0] =	vst v0  }
0x57: {  	[tilespmem:s10+$0x73C0] =	vst v0  }
0x58: {  	[tilespmem:s10+$0x73D0] =	vst v0  }
0x59: {  	[tilespmem:s10+$0x73E0] =	vst v0  }
0x5a: {  	[tilespmem:s10+$0x73F0] =	vst v0  }
0x5b: {  	[tilespmem:s10+$0x7400] =	vst v0  }
0x5c: {  	[tilespmem:s10+$0x7410] =	vst v0  }
0x5d: {  	[tilespmem:s10+$0x7420] =	vst v0  }
0x5e: {  	[tilespmem:s10+$0x7430] =	vst v0  }
0x5f: {  	[tilespmem:s10+$0x7440] =	vst v0  }
0x60: {  	[tilespmem:s10+$0x7450] =	vst v0  }
0x61: {  	[tilespmem:s10+$0x7460] =	vst v0  }
0x62: {  	[tilespmem:s10+$0x7470] =	vst v0  }
0x63: {  	[tilespmem:s10+$0x7480] =	vst v0  }
0x64: {  	[spmem:s28] =	stream.linear.scatter [tilespmem:s12], [sflag:$0x1], $0x1000, $0x38;
	[tilespmem:$0x1E3A0] =	vst v63  }
0x65: {  	_ =	swait.ge [sflag:s8], $0x1000  }
0x66: {  	[sflag:s8] =	ssyncset.done $0x0  }
0x67: {  	s19 =	rddreg [dreg:$0x8];
	[sflag:s8] =	ssyncadd.s32 $0xFFFFF000  }
0x68: {  	[spmem:s19] =	stream.linear.scatter [tilespmem:s12], [sflag:$0x1], $0x1000, $0x38;
	[tilespmem:$0x1E3A0] =	vst v63  }
0x69: {  	_ =	swait.ge [sflag:s8], $0x1000  }
0x6a: {  	[sflag:s8] =	ssyncset.done $0x0  }
0x6b: {  	s20 =	rddreg [dreg:$0x9];
	[sflag:s8] =	ssyncadd.s32 $0xFFFFF000  }
0x6c: {  	[spmem:s20] =	stream.linear.scatter [tilespmem:s12], [sflag:$0x1], $0x1000, $0x38;
	[tilespmem:$0x1E3A0] =	vst v63  }
0x6d: {  	_ =	swait.ge [sflag:s8], $0x1000  }
0x6e: {  	[sflag:s8] =	ssyncset.done $0x0  }
0x6f: {  	s21 =	rddreg [dreg:$0xa];
	[sflag:s8] =	ssyncadd.s32 $0xFFFFF000  }
0x70: {  	[spmem:s21] =	stream.linear.scatter [tilespmem:s12], [sflag:$0x1], $0x1000, $0x38;
	[tilespmem:$0x1E3A0] =	vst v63  }
0x71: {  	_ =	swait.ge [sflag:s8], $0x1000  }
0x72: {  	[sflag:s8] =	ssyncset.done $0x0  }
0x73: {  	s22 =	rddreg [dreg:$0xb];
	[sflag:s8] =	ssyncadd.s32 $0xFFFFF000  }
0x74: {  	[spmem:s22] =	stream.linear.scatter [tilespmem:s12], [sflag:$0x1], $0x1000, $0x38;
	[tilespmem:$0x1E3A0] =	vst v63  }
0x75: {  	_ =	swait.ge [sflag:s8], $0x1000  }
0x76: {  	[sflag:s8] =	ssyncset.done $0x0  }
0x77: {  	s23 =	rddreg [dreg:$0xc];
	[sflag:s8] =	ssyncadd.s32 $0xFFFFF000  }
0x78: {  	[spmem:s23] =	stream.linear.scatter [tilespmem:s12], [sflag:$0x1], $0x1000, $0x38;
	[tilespmem:$0x1E3A0] =	vst v63  }
0x79: {  	_ =	swait.ge [sflag:s8], $0x1000  }
0x7a: {  	[sflag:s8] =	ssyncset.done $0x0  }
0x7b: {  	s26 =	rddreg [dreg:$0xd];
	[sflag:s8] =	ssyncadd.s32 $0xFFFFF000  }
0x7c: {  	[spmem:s26] =	stream.linear.scatter [tilespmem:s12], [sflag:$0x1], $0x1000, $0x38;
	[tilespmem:$0x1E3A0] =	vst v63  }
0x7d: {  	_ =	swait.ge [sflag:s8], $0x1000  }
0x7e: {  	[sflag:s8] =	ssyncset.done $0x0  }
0x7f: {  	s16 =	rddreg [dreg:$0xe];
	[sflag:s8] =	ssyncadd.s32 $0xFFFFF000  }
0x80: {  	[spmem:s16] =	stream.linear.scatter [tilespmem:s12], [sflag:$0x1], $0x1000, $0x38;
	[tilespmem:$0x1E3A0] =	vst v63  }
0x81: {  	_ =	swait.ge [sflag:s8], $0x1000  }
0x82: {  	[sflag:s8] =	ssyncset.done $0x0  }
0x83: {  	s17 =	rddreg [dreg:$0xf];
	[sflag:s8] =	ssyncadd.s32 $0xFFFFF000  }
0x84: {  	[spmem:s17] =	stream.linear.scatter [tilespmem:s12], [sflag:$0x1], $0x1000, $0x38;
	[tilespmem:$0x1E3A0] =	vst v63  }
0x85: {  	_ =	swait.ge [sflag:s8], $0x1000  }
0x86: {  	[sflag:s8] =	ssyncset.done $0x0  }
0x87: {  	s19 =	rddreg [dreg:$0x10];
	[sflag:s8] =	ssyncadd.s32 $0xFFFFF000  }
0x88: {  	[spmem:s19] =	stream.linear.scatter [tilespmem:s12], [sflag:$0x1], $0x1000, $0x38;
	[tilespmem:$0x1E3A0] =	vst v63  }
0x89: {  	_ =	swait.ge [sflag:s8], $0x1000  }
0x8a: {  	[sflag:s8] =	ssyncset.done $0x0  }
0x8b: {  	s20 =	rddreg [dreg:$0x11];
	[sflag:s8] =	ssyncadd.s32 $0xFFFFF000  }
0x8c: {  	[spmem:s20] =	stream.linear.scatter [tilespmem:s12], [sflag:$0x1], $0x1000, $0x38;
	[tilespmem:$0x1E3A0] =	vst v63  }
0x8d: {  	_ =	swait.ge [sflag:s8], $0x1000  }
0x8e: {  	[sflag:s8] =	ssyncset.done $0x0  }
0x8f: {  	s21 =	rddreg [dreg:$0x12];
	[sflag:s8] =	ssyncadd.s32 $0xFFFFF000  }
0x90: {  	[spmem:s21] =	stream.linear.scatter [tilespmem:s12], [sflag:$0x1], $0x1000, $0x38;
	[tilespmem:$0x1E3A0] =	vst v63  }
0x91: {  	_ =	swait.ge [sflag:s8], $0x1000  }
0x92: {  	[sflag:s8] =	ssyncset.done $0x0  }
0x93: {  	s22 =	rddreg [dreg:$0x13];
	[sflag:s8] =	ssyncadd.s32 $0xFFFFF000  }
0x94: {  	[spmem:s22] =	stream.linear.scatter [tilespmem:s12], [sflag:$0x1], $0x1000, $0x38;
	[tilespmem:$0x1E3A0] =	vst v63  }
0x95: {  	_ =	swait.ge [sflag:s8], $0x1000  }
0x96: {  	[sflag:s8] =	ssyncset.done $0x0  }
0x97: {  	s23 =	rddreg [dreg:$0x14];
	[sflag:s8] =	ssyncadd.s32 $0xFFFFF000  }
0x98: {  	[spmem:s23] =	stream.linear.scatter [tilespmem:s12], [sflag:$0x1], $0x1000, $0x38;
	[tilespmem:$0x1E3A0] =	vst v63  }
0x99: {  	_ =	swait.ge [sflag:s8], $0x1000  }
0x9a: {  	[sflag:s8] =	ssyncset.done $0x0  }
0x9b: {  	[sflag:s8] =	ssyncadd.s32 $0xFFFFF000  }
0x9c: {  	[spmem:s29] =	stream.linear.scatter [tilespmem:s12], [sflag:$0x1], $0x1000, $0x38;
	[tilespmem:$0x1E3A0] =	vst v63  }
0x9d: {  	_ =	swait.ge [sflag:s8], $0x1000  }
0x9e: {  	[sflag:s8] =	ssyncset.done $0x0  }
0x9f: {  	[sflag:s8] =	ssyncadd.s32 $0xFFFFF000  }
0xa0: {  	[spmem:s30] =	stream.linear.scatter [tilespmem:s12], [sflag:$0x1], $0x1000, $0x38;
	[tilespmem:$0x1E3A0] =	vst v63  }
0xa1: {  	_ =	swait.ge [sflag:s8], $0x1000  }
0xa2: {  	[sflag:s8] =	ssyncset.done $0x0  }
0xa3: {  	[sflag:s8] =	ssyncadd.s32 $0xFFFFF000  }
0xa4: {  	[spmem:s31] =	stream.linear.scatter [tilespmem:s12], [sflag:$0x1], $0x1000, $0x38;
	[tilespmem:$0x1E3A0] =	vst v63  }
0xa5: {  	_ =	swait.ge [sflag:s8], $0x1000  }
0xa6: {  	[sflag:s8] =	ssyncset.done $0x0  }
0xa7: {  	[sflag:s8] =	ssyncadd.s32 $0xFFFFF000  }
0xa8: {  	[spmem:s1] =	stream.linear.scatter [tilespmem:s12], [sflag:$0x1], $0x1000, $0x38;
	[tilespmem:$0x1E3A0] =	vst v63  }
0xa9: {  	_ =	swait.ge [sflag:s8], $0x1000  }
0xaa: {  	[sflag:s8] =	ssyncset.done $0x0  }
0xab: {  	[sflag:s8] =	ssyncadd.s32 $0xFFFFF000  }
0xac: {  	[spmem:s0] =	stream.linear.scatter [tilespmem:s12], [sflag:$0x1], $0x1000, $0x38;
	[tilespmem:$0x1E3A0] =	vst v63  }
0xad: {  	_ =	swait.ge [sflag:s8], $0x1000  }
0xae: {  	[sflag:s8] =	ssyncset.done $0x0  }
0xaf: {  	s26 =	smul.u32 $0x280000, s18;
	[sflag:s8] =	ssyncadd.s32 $0xFFFFF000  }
0xb0: {  	[spmem:s7] =	stream.linear.scatter [tilespmem:s12], [sflag:$0x1], $0x1000, $0x38;
	[tilespmem:$0x1E3A0] =	vst v63  }
0xb1: {  	s16 =	sadd.s32 s2, s26;
	_ =	swait.ge [sflag:s8], $0x1000  }
0xb2: {  	s10 =	sshrl.u32 s16, $0x3;
	[sflag:s8] =	ssyncset.done $0x0  }
0xb3: {  	s10 =	sadd.s32 s6, s10;
	[sflag:s8] =	ssyncadd.s32 $0xFFFFF000  }
0xb4: {  	s17 =	simm.s32 $0x0;
	s19 =	simm.s32 $0x0;
	[bflag:$0x0] =	sbarrier.arrive $0xFFFF  }
.LBB2_7:
0xb5: {  	s20 =	smul.u32 $0x38, s19;
	_ =	sdelay $0x1  }
0xb6: {  	[tilespmem:s13], [sflag:$0x1] =	stream.indirect.gather [hbm4b:s10+s11], $0x100, s20, s11, $0xb8;
	[tilespmem:$0x1E3A0] =	vst v63  }
0xb7: {  	_ =	swait.ge [sflag:s8], $0x3200  }
0xb8: {  	v1 =	vmov s19;
	[sflag:s8] =	ssyncset.done $0x0  }
0xb9: {  	s21 =	simm.s32 $0x4220;
	v2 =	vmul.u32 $0x38, v1;
	[sflag:s8] =	ssyncadd.s32 $0xFFFFCE00  }
0xba: {  	v1 =	vld [tilespmem:s21+$0xFFFFFFF0]  }
0xbb: {  	v4 =	vmov s17;
	v2 =	vbroadcast v2, $0x0;
	v14 =	vld [tilespmem:s21+$0x70]  }
0xbc: {  	v5 =	vand.u32 $0x38, v4;
	v3 =	vld [tilespmem:s21+$0x60]  }
0xbd: {  	v6 =	vand.u32 $0x7, v4;
	v5 =	vadd.s32 v2, v5;
	v4 =	vld [tilespmem:s21+$0x20]  }
0xbe: {  	v5 =	vor.u32 v6, v5;
	v6 =	vld [tilespmem:s21+$0x10]  }
0xbf: {  	v9 =	vld [tilespmem:s21+$0x30]  }
0xc0: {  	v17 =	vld [tilespmem:s21+$0x50]  }
0xc1: {  	v10 =	vld [tilespmem:s21+$0xFFFFFF80]  }
0xc2: {  	v8 =	vld [tilespmem:s21+$0x0]  }
0xc3: {  	v15 =	vld [tilespmem:s21+$0xFFFFFFA0]  }
0xc4: {  	v5 =	vld.idx.msk [tilespmem:v5+s9+$0x0], $0xffff  }
0xc5: {  	v7 =	vld [tilespmem:s21+$0xFFFFFFD0]  }
0xc6: {  	v13 =	vld [tilespmem:s21+$0xFFFFFF90]  }
0xc7: {  	v11 =	vld [tilespmem:s21+$0xFFFFFFB0]  }
0xc8: {  	v12 =	vld [tilespmem:s21+$0x40]  }
0xc9: {  	v16 =	vmul.f32 v10, v5;
	v10 =	vld [tilespmem:s21+$0xFFFFFFC0];
	v18 =	vmul.f32 v14, v5  }
0xca: {  	s22 =	simm.s32 $0x1;
	s23 =	simm.s32 $0x4220;
	v14 =	vmul.f32 v15, v5;
	v15 =	vld [tilespmem:s21+$0xFFFFFFE0];
	v17 =	vmul.f32 v17, v5  }
.LBB2_8:
0xcb: {  	p0 =	sne.s32 s22, $0x31  }
0xcc: {  	v13 =	vmul.f32 v13, v5;
	v9 =	vmul.f32 v9, v5;
	[tilespmem:s21+$0x70] =	vst v18;
	s23 =	sadd.s32 $0x100, s23;
	s26 =	smov.u32 s22;
	s22 =	sadd.s32 $0x1, s22  }
0xcd: {  	v6 =	vmul.f32 v6, v5;
	[tilespmem:s21+$0xFFFFFF80] =	vst v16;
	v11 =	vmul.f32 v11, v5  }
0xce: {  	v8 =	vmul.f32 v8, v5;
	v12 =	vmul.f32 v12, v5;
	[tilespmem:s21+$0x50] =	vst v17  }
0xcf: {  	v7 =	vmul.f32 v7, v5;
	v10 =	vmul.f32 v10, v5;
	[tilespmem:s21+$0x30] =	vst v9  }
0xd0: {  	v9 =	vmul.f32 v15, v5;
	v15 =	vmul.f32 v1, v5;
	[tilespmem:s21+$0x10] =	vst v6  }
0xd1: {  	v4 =	vmul.f32 v4, v5;
	v3 =	vmul.f32 v3, v5;
	[tilespmem:s21+$0xFFFFFFA0] =	vst v14  }
0xd2: {  	[tilespmem:s21+$0x0] =	vst v8  }
0xd3: {  	v1 =	vld [tilespmem:s23+$0xFFFFFFF0];
	[tilespmem:s21+$0xFFFFFFE0] =	vst v9  }
0xd4: {  	v5 =	vmov s26;
	v14 =	vld [tilespmem:s23+$0x70];
	[tilespmem:s21+$0x60] =	vst v3  }
0xd5: {  	v6 =	vand.u32 $0x38, v5;
	v3 =	vld [tilespmem:s23+$0x60];
	[tilespmem:s21+$0x20] =	vst v4  }
0xd6: {  	v5 =	vand.u32 $0x7, v5;
	v6 =	vadd.s32 v2, v6;
	v4 =	vld [tilespmem:s23+$0x20];
	[tilespmem:s21+$0xFFFFFFD0] =	vst v7  }
0xd7: {  	v5 =	vor.u32 v5, v6;
	v6 =	vld [tilespmem:s23+$0x10];
	[tilespmem:s21+$0xFFFFFF90] =	vst v13  }
0xd8: {  	v9 =	vld [tilespmem:s23+$0x30];
	[tilespmem:s21+$0xFFFFFFF0] =	vst v15  }
0xd9: {  	v17 =	vld [tilespmem:s23+$0x50];
	[tilespmem:s21+$0x40] =	vst v12  }
0xda: {  	v15 =	vld [tilespmem:s23+$0xFFFFFF80];
	[tilespmem:s21+$0xFFFFFFB0] =	vst v11  }
0xdb: {  	v8 =	vld [tilespmem:s23+$0x0];
	[tilespmem:s21+$0xFFFFFFC0] =	vst v10;
	s21 =	smov.u32 s23  }
0xdc: {  	v5 =	vld.idx.msk [tilespmem:v5+s9+$0x0], $0xffff  }
0xdd: {  	v19 =	vld [tilespmem:s23+$0xFFFFFFA0]  }
0xde: {  	v7 =	vld [tilespmem:s23+$0xFFFFFFD0]  }
.Ltmp2:
0xdf: {  	v13 =	vld [tilespmem:s23+$0xFFFFFF90];
	(pc) =	sbr.rel @p0 .LBB2_8-.Ltmp2, $4  }
0xe0: {  	v11 =	vld [tilespmem:s23+$0xFFFFFFB0]  }
0xe1: {  	v12 =	vld [tilespmem:s23+$0x40]  }
0xe2: {  	v16 =	vmul.f32 v15, v5;
	v18 =	vmul.f32 v14, v5;
	v10 =	vld [tilespmem:s23+$0xFFFFFFC0]  }
0xe3: {  	v17 =	vmul.f32 v17, v5;
	v14 =	vmul.f32 v19, v5;
	v15 =	vld [tilespmem:s23+$0xFFFFFFE0]  }
0xe4: {  	[tilespmem:s21+$0x70] =	vst v18  }
0xe5: {  	[tilespmem:s21+$0xFFFFFF80] =	vst v16  }
0xe6: {  	v2 =	vmul.f32 v9, v5;
	[tilespmem:s21+$0x50] =	vst v17  }
0xe7: {  	v6 =	vmul.f32 v6, v5;
	[tilespmem:s21+$0xFFFFFFA0] =	vst v14  }
0xe8: {  	v3 =	vmul.f32 v3, v5;
	[tilespmem:s21+$0x30] =	vst v2  }
0xe9: {  	v63 =	vmul.f32 v7, v5;
	[tilespmem:s21+$0x10] =	vst v6  }
0xea: {  	v1 =	vmul.f32 v1, v5;
	[tilespmem:s21+$0x60] =	vst v3  }
0xeb: {  	v2 =	vmul.f32 v8, v5;
	[tilespmem:s21+$0xFFFFFFD0] =	vst v63  }
0xec: {  	v3 =	vmul.f32 v13, v5;
	[tilespmem:s21+$0xFFFFFFF0] =	vst v1  }
0xed: {  	v1 =	vmul.f32 v10, v5;
	[tilespmem:s21+$0x0] =	vst v2  }
0xee: {  	v62 =	vmul.f32 v15, v5;
	[tilespmem:s21+$0xFFFFFF90] =	vst v3  }
0xef: {  	v2 =	vmul.f32 v4, v5;
	[tilespmem:s21+$0xFFFFFFC0] =	vst v1  }
0xf0: {  	v3 =	vmul.f32 v11, v5;
	[tilespmem:s21+$0xFFFFFFE0] =	vst v62  }
0xf1: {  	s19 =	sadd.s32 $0x1, s19;
	[tilespmem:s21+$0x20] =	vst v2;
	v2 =	vmul.f32 v12, v5  }
0xf2: {  	p0 =	sne.s32 s19, $0x64;
	[tilespmem:s21+$0xFFFFFFB0] =	vst v3  }
.Ltmp3:
0xf3: {  	s20 =	sadd.s32 $0x15E0, s20;
	[tilespmem:s21+$0x40] =	vst v2;
	(pc) =	sbr.rel @p0 .LBB2_7-.Ltmp3, $4  }
0xf4: {  	[spmem:s4] =	stream.indirect.scatter.add.f32 [tilespmem:s13], [sflag:$0x1], $0x100, s20, s11, $0xb8;
	[tilespmem:$0x1E3A0] =	vst v63  }
0xf5: {  	_ =	swait.ge [sflag:s8], $0x3200  }
0xf6: {  	[sflag:s8] =	ssyncset.done $0x0  }
0xf7: {  	[sflag:s8] =	ssyncadd.s32 $0xFFFFCE00  }
0xf8: {  	s17 =	sadd.s32 $0x1, s18  }
0xf9: {  	p0 =	seq.s32 s18, $0x0;
	p1 =	sgt.s32 s18, $0x1;
	[bflag:$0x0] =	sbarrier.arrive $0xFFFF  }
0xfa: {  	s20 =	simm.f32 $0.0e+00;
	s18 =	simm.s32 @!p1 $0x1;
	s21 =	smul.u32 $0x280000, s17  }
0xfb: {  	s19 =	simm.f32 $1.000000000e+00;
	s20 =	simm.s32 @!p0 $0x3F800000;
	s10 =	smul.u32 $0x280000, s18  }
0xfc: {  	s19 =	simm.s32 @!p0 $0x40000000;
	s26 =	rddreg [dreg:$0x6];
	v2 =	vmov s20;
	s20 =	simm.s32 $0x0  }
0xfd: {  	v1 =	vmov s19;
	s19 =	sadd.s32 s2, s21;
	s21 =	simm.s32 $0x0;
	s18 =	sadd.s32 s10, s26  }
.LBB2_11:
0xfe: {  	s10 =	sshll.u32 s21, $0xC  }
0xff: {  	s22 =	sadd.s32 s3, s10  }
0x100: {  	s10 =	sadd.s32 s22, s4  }
0x101: {  	[tilespmem:s12], [sflag:$0x1] =	stream.linear.gather [spmem:s10], $0x1000, $0x38;
	[tilespmem:$0x1E3A0] =	vst v63  }
0x102: {  	s23 =	sadd.s32 s16, s22;
	_ =	swait.ge [sflag:s8], $0x1000  }
0x103: {  	s10 =	sshrl.u32 s23, $0x3;
	[sflag:s8] =	ssyncset.done $0x0  }
0x104: {  	s10 =	sadd.s32 s6, s10;
	[sflag:s8] =	ssyncadd.s32 $0xFFFFF000  }
0x105: {  	[tilespmem:s14], [sflag:$0x1] =	stream.linear.gather [hbm4b:s10+s20], $0x1000, $0x38;
	[tilespmem:$0x1E3A0] =	vst v63  }
0x106: {  	s26 =	sadd.s32 s18, s22;
	_ =	swait.ge [sflag:s8], $0x1000  }
0x107: {  	s10 =	sshrl.u32 s26, $0x3;
	[sflag:s8] =	ssyncset.done $0x0  }
0x108: {  	s10 =	sadd.s32 s6, s10;
	[sflag:s8] =	ssyncadd.s32 $0xFFFFF000  }
0x109: {  	[tilespmem:s15], [sflag:$0x1] =	stream.linear.gather [hbm4b:s10+s20], $0x1000, $0x38;
	[tilespmem:$0x1E3A0] =	vst v63  }
0x10a: {  	_ =	swait.ge [sflag:s8], $0x1000  }
0x10b: {  	[sflag:s8] =	ssyncset.done $0x0  }
0x10c: {  	s23 =	simm.s32 $0x0;
	[sflag:s8] =	ssyncadd.s32 $0xFFFFF000  }
0x10d: {  	v3 =	vld [tilespmem:s23+$0x93A0]  }
0x10e: {  	v4 =	vld [tilespmem:s23+$0x93B0]  }
0x10f: {  	v5 =	vld [tilespmem:s23+$0x93C0]  }
0x110: {  	v6 =	vld [tilespmem:s23+$0x93D0]  }
0x111: {  	v7 =	vld [tilespmem:s23+$0x93E0]  }
0x112: {  	v8 =	vld [tilespmem:s23+$0x93F0]  }
0x113: {  	v9 =	vld [tilespmem:s23+$0x9400]  }
0x114: {  	v11 =	vld [tilespmem:s23+$0x9410]  }
0x115: {  	v12 =	vld [tilespmem:s23+$0x9420]  }
0x116: {  	v13 =	vld [tilespmem:s23+$0x9430]  }
0x117: {  	v14 =	vld [tilespmem:s23+$0x9440]  }
0x118: {  	v15 =	vld [tilespmem:s23+$0x9450]  }
0x119: {  	v16 =	vld [tilespmem:s23+$0x9460]  }
0x11a: {  	v17 =	vld [tilespmem:s23+$0x9470]  }
0x11b: {  	v18 =	vld [tilespmem:s23+$0x83A0]  }
0x11c: {  	v19 =	vld [tilespmem:s23+$0x83B0]  }
0x11d: {  	v20 =	vld [tilespmem:s23+$0x83C0]  }
0x11e: {  	v21 =	vld [tilespmem:s23+$0x83D0]  }
0x11f: {  	v22 =	vld [tilespmem:s23+$0x83E0]  }
0x120: {  	v23 =	vld [tilespmem:s23+$0x83F0]  }
0x121: {  	v24 =	vld [tilespmem:s23+$0x8400]  }
0x122: {  	v25 =	vld [tilespmem:s23+$0x8410]  }
0x123: {  	v26 =	vld [tilespmem:s23+$0x8420];
	v31 =	vmul.f32 v3, v2;
	v32 =	vmul.f32 v4, v2  }
0x124: {  	v27 =	vld [tilespmem:s23+$0x8430];
	v34 =	vmul.f32 v5, v2;
	v35 =	vmul.f32 v6, v2  }
0x125: {  	v28 =	vld [tilespmem:s23+$0x8440];
	v37 =	vmul.f32 v7, v2;
	v38 =	vmul.f32 v8, v2  }
0x126: {  	v29 =	vld [tilespmem:s23+$0x8450];
	v10 =	vmul.f32 v9, v2;
	v9 =	vmul.f32 v11, v2  }
0x127: {  	v30 =	vld [tilespmem:s23+$0x8460];
	v8 =	vmul.f32 v12, v2;
	v7 =	vmul.f32 v13, v2  }
0x128: {  	v43 =	vld [tilespmem:s23+$0x7410];
	v6 =	vmul.f32 v14, v2;
	v5 =	vmul.f32 v15, v2  }
0x129: {  	v11 =	vld [tilespmem:s23+$0x73A0];
	v4 =	vmul.f32 v16, v2;
	v3 =	vmul.f32 v17, v2  }
0x12a: {  	v12 =	vld [tilespmem:s23+$0x73B0];
	v15 =	vmul.f32 v18, v1;
	v16 =	vmul.f32 v19, v1  }
0x12b: {  	v13 =	vld [tilespmem:s23+$0x73C0];
	v19 =	vmul.f32 v20, v1;
	v21 =	vmul.f32 v21, v1  }
0x12c: {  	v14 =	vld [tilespmem:s23+$0x73D0];
	v22 =	vmul.f32 v22, v1;
	v23 =	vmul.f32 v23, v1  }
0x12d: {  	v42 =	vld [tilespmem:s23+$0x7400];
	v24 =	vmul.f32 v24, v1;
	v25 =	vmul.f32 v25, v1  }
0x12e: {  	v33 =	vld [tilespmem:s23+$0x8470];
	v18 =	vmul.f32 v26, v1;
	v17 =	vmul.f32 v27, v1  }
0x12f: {  	v40 =	vld [tilespmem:s23+$0x73E0];
	v63 =	vmul.f32 v43, v1;
	v11 =	vmul.f32 v11, v1  }
0x130: {  	v41 =	vld [tilespmem:s23+$0x73F0];
	v12 =	vmul.f32 v12, v1;
	v13 =	vmul.f32 v13, v1  }
0x131: {  	v36 =	vld [tilespmem:s23+$0x8480];
	v25 =	vsub.f32 v63, v25;
	v27 =	vmul.f32 v14, v1;
	v14 =	vmul.f32 v30, v1  }
0x132: {  	v26 =	vld [tilespmem:s23+$0x7430];
	v30 =	vmul.f32 v42, v1;
	v11 =	vsub.f32 v11, v15;
	v12 =	vsub.f32 v12, v16  }
0x133: {  	v44 =	vld [tilespmem:s23+$0x7420];
	v16 =	vmul.f32 v28, v1;
	v13 =	vsub.f32 v13, v19;
	v15 =	vmul.f32 v29, v1  }
0x134: {  	v39 =	vld [tilespmem:s23+$0x8490];
	v28 =	vmul.f32 v40, v1;
	v27 =	vsub.f32 v27, v21;
	v11 =	vsub.f32 v11, v31  }
0x135: {  	v19 =	vld [tilespmem:s23+$0x7440];
	v29 =	vmul.f32 v41, v1;
	v12 =	vsub.f32 v12, v32;
	v13 =	vsub.f32 v13, v34  }
0x136: {  	v20 =	vld [tilespmem:s23+$0x7450];
	v28 =	vsub.f32 v28, v22;
	v31 =	vsub.f32 v27, v35;
	[tilespmem:s23+$0x73A0] =	vst v11  }
0x137: {  	v26 =	vmul.f32 v26, v1;
	v21 =	vld [tilespmem:s23+$0x7460];
	v23 =	vsub.f32 v29, v23;
	v27 =	vsub.f32 v30, v24;
	[tilespmem:s23+$0x73B0] =	vst v12  }
0x138: {  	v22 =	vld [tilespmem:s23+$0x7470];
	v24 =	vmul.f32 v44, v1;
	v11 =	vmul.f32 v33, v1;
	[tilespmem:s23+$0x73C0] =	vst v13;
	v28 =	vsub.f32 v28, v37  }
0x139: {  	s10 =	simm.s32 $0x400;
	v12 =	vmul.f32 v36, v1;
	v13 =	vmul.f32 v39, v1;
	[tilespmem:s23+$0x73D0] =	vst v31;
	v29 =	vsub.f32 v23, v38;
	v23 =	vld [tilespmem:s23+$0x7480]  }
.LBB2_12:
0x13a: {  	p0 =	sne.s32 s10, $0x3C00;
	[tilespmem:s23+$0x73E0] =	vst v28;
	v10 =	vsub.f32 v27, v10;
	v18 =	vsub.f32 v24, v18;
	v19 =	vmul.f32 v19, v1;
	v24 =	vld [tilespmem:s23+$0x7490]  }
0x13b: {  	[tilespmem:s23+$0x73F0] =	vst v29;
	v9 =	vsub.f32 v25, v9;
	v17 =	vsub.f32 v26, v17;
	v20 =	vmul.f32 v20, v1;
	v25 =	vld [tilespmem:s23+$0x9480]  }
0x13c: {  	s26 =	sshra.s32 s10, $0x2;
	[tilespmem:s23+$0x7400] =	vst v10;
	v8 =	vsub.f32 v18, v8;
	v10 =	vsub.f32 v19, v16;
	v16 =	vmul.f32 v21, v1;
	v18 =	vld [tilespmem:s23+$0x9490]  }
0x13d: {  	v19 =	vld [tilespmem:s26+$0x93A0];
	[tilespmem:s23+$0x7410] =	vst v9;
	v7 =	vsub.f32 v17, v7;
	v9 =	vsub.f32 v20, v15;
	v15 =	vmul.f32 v22, v1  }
0x13e: {  	v17 =	vld [tilespmem:s26+$0x93B0];
	[tilespmem:s23+$0x7420] =	vst v8;
	v6 =	vsub.f32 v10, v6;
	v8 =	vsub.f32 v16, v14;
	v10 =	vmul.f32 v23, v1  }
0x13f: {  	v14 =	vld [tilespmem:s26+$0x93C0];
	[tilespmem:s23+$0x7430] =	vst v7;
	v5 =	vsub.f32 v9, v5;
	v7 =	vsub.f32 v15, v11;
	v9 =	vmul.f32 v24, v1  }
0x140: {  	v11 =	vld [tilespmem:s26+$0x93D0];
	[tilespmem:s23+$0x7440] =	vst v6;
	v4 =	vsub.f32 v8, v4;
	v6 =	vsub.f32 v10, v12;
	v8 =	vmul.f32 v25, v2  }
0x141: {  	v10 =	vld [tilespmem:s26+$0x93E0];
	[tilespmem:s23+$0x7450] =	vst v5;
	v3 =	vsub.f32 v7, v3;
	v5 =	vsub.f32 v9, v13;
	v7 =	vmul.f32 v18, v2  }
0x142: {  	v9 =	vld [tilespmem:s26+$0x93F0];
	[tilespmem:s23+$0x7460] =	vst v4;
	v4 =	vsub.f32 v6, v8  }
0x143: {  	v6 =	vld [tilespmem:s26+$0x9400];
	[tilespmem:s23+$0x7470] =	vst v3;
	v3 =	vsub.f32 v5, v7  }
0x144: {  	v5 =	vld [tilespmem:s26+$0x9410];
	[tilespmem:s23+$0x7480] =	vst v4  }
0x145: {  	v4 =	vld [tilespmem:s26+$0x9420];
	[tilespmem:s23+$0x7490] =	vst v3;
	s23 =	smov.u32 s26  }
0x146: {  	v3 =	vld [tilespmem:s23+$0x9430]  }
0x147: {  	v12 =	vld [tilespmem:s23+$0x9440]  }
0x148: {  	v13 =	vld [tilespmem:s23+$0x9450]  }
0x149: {  	v15 =	vld [tilespmem:s23+$0x9460]  }
0x14a: {  	v16 =	vld [tilespmem:s23+$0x9470]  }
0x14b: {  	v18 =	vld [tilespmem:s23+$0x83A0]  }
0x14c: {  	v20 =	vld [tilespmem:s23+$0x83B0]  }
0x14d: {  	v21 =	vld [tilespmem:s23+$0x83C0]  }
0x14e: {  	v22 =	vld [tilespmem:s23+$0x83D0]  }
0x14f: {  	v23 =	vld [tilespmem:s23+$0x83E0]  }
0x150: {  	v24 =	vld [tilespmem:s23+$0x83F0]  }
0x151: {  	v25 =	vld [tilespmem:s23+$0x8400]  }
0x152: {  	v26 =	vld [tilespmem:s23+$0x8410]  }
0x153: {  	v19 =	vmul.f32 v19, v2;
	v27 =	vmul.f32 v17, v2;
	v17 =	vld [tilespmem:s23+$0x8420]  }
0x154: {  	v28 =	vmul.f32 v14, v2;
	v29 =	vmul.f32 v11, v2;
	v11 =	vld [tilespmem:s23+$0x8430]  }
0x155: {  	v30 =	vmul.f32 v10, v2;
	v31 =	vmul.f32 v9, v2;
	v14 =	vld [tilespmem:s23+$0x8440]  }
0x156: {  	v10 =	vmul.f32 v6, v2;
	v9 =	vmul.f32 v5, v2;
	v32 =	vld [tilespmem:s23+$0x8450]  }
0x157: {  	v8 =	vmul.f32 v4, v2;
	v7 =	vmul.f32 v3, v2;
	v33 =	vld [tilespmem:s23+$0x8460]  }
0x158: {  	v6 =	vmul.f32 v12, v2;
	v5 =	vmul.f32 v13, v2;
	v12 =	vld [tilespmem:s23+$0x8470]  }
0x159: {  	v4 =	vmul.f32 v15, v2;
	v3 =	vmul.f32 v16, v2;
	v13 =	vld [tilespmem:s23+$0x8480]  }
0x15a: {  	v34 =	vmul.f32 v18, v1;
	v20 =	vmul.f32 v20, v1;
	v35 =	vld [tilespmem:s23+$0x8490]  }
0x15b: {  	v21 =	vmul.f32 v21, v1;
	v22 =	vmul.f32 v22, v1;
	v36 =	vld [tilespmem:s23+$0x73A0]  }
0x15c: {  	v23 =	vmul.f32 v23, v1;
	v24 =	vmul.f32 v24, v1;
	v37 =	vld [tilespmem:s23+$0x73B0]  }
0x15d: {  	v25 =	vmul.f32 v25, v1;
	v26 =	vmul.f32 v26, v1;
	v38 =	vld [tilespmem:s23+$0x73C0]  }
0x15e: {  	v18 =	vmul.f32 v17, v1;
	v17 =	vmul.f32 v11, v1;
	v39 =	vld [tilespmem:s23+$0x73D0]  }
0x15f: {  	v16 =	vmul.f32 v14, v1;
	v15 =	vmul.f32 v32, v1;
	v40 =	vld [tilespmem:s23+$0x73E0]  }
0x160: {  	v14 =	vmul.f32 v33, v1;
	v32 =	vmul.f32 v36, v1;
	v36 =	vld [tilespmem:s23+$0x73F0]  }
0x161: {  	v11 =	vmul.f32 v12, v1;
	v33 =	vmul.f32 v37, v1;
	v37 =	vld [tilespmem:s23+$0x7400]  }
0x162: {  	v12 =	vmul.f32 v13, v1;
	v32 =	vsub.f32 v32, v34;
	v34 =	vmul.f32 v38, v1;
	v38 =	vld [tilespmem:s23+$0x7410]  }
0x163: {  	v13 =	vmul.f32 v35, v1;
	v20 =	vsub.f32 v33, v20;
	v33 =	vmul.f32 v39, v1;
	v39 =	vld [tilespmem:s23+$0x7420]  }
0x164: {  	v32 =	vsub.f32 v32, v19;
	v21 =	vsub.f32 v34, v21;
	v34 =	vmul.f32 v40, v1;
	v35 =	vld [tilespmem:s23+$0x7430]  }
.Ltmp4:
0x165: {  	v27 =	vsub.f32 v20, v27;
	v22 =	vsub.f32 v33, v22;
	v33 =	vmul.f32 v36, v1;
	v19 =	vld [tilespmem:s23+$0x7440];
	(pc) =	sbr.rel @p0 .LBB2_12-.Ltmp4, $4  }
0x166: {  	[tilespmem:s23+$0x73A0] =	vst v32;
	v28 =	vsub.f32 v21, v28;
	v23 =	vsub.f32 v34, v23;
	v32 =	vmul.f32 v37, v1;
	v20 =	vld [tilespmem:s23+$0x7450]  }
0x167: {  	[tilespmem:s23+$0x73B0] =	vst v27;
	v29 =	vsub.f32 v22, v29;
	v33 =	vsub.f32 v33, v24;
	v34 =	vmul.f32 v38, v1;
	v21 =	vld [tilespmem:s23+$0x7460]  }
0x168: {  	[tilespmem:s23+$0x73C0] =	vst v28;
	v28 =	vsub.f32 v23, v30;
	v27 =	vsub.f32 v32, v25;
	v24 =	vmul.f32 v39, v1;
	v22 =	vld [tilespmem:s23+$0x7470]  }
0x169: {  	s10 =	sadd.s32 $0x400, s10;
	[tilespmem:s23+$0x73D0] =	vst v29;
	v29 =	vsub.f32 v33, v31;
	v25 =	vsub.f32 v34, v26;
	v26 =	vmul.f32 v35, v1;
	v23 =	vld [tilespmem:s23+$0x7480]  }
0x16a: {  	[tilespmem:s23+$0x73E0] =	vst v28;
	v48 =	vld [tilespmem:s23+$0x7490];
	v10 =	vsub.f32 v27, v10;
	v18 =	vsub.f32 v24, v18;
	v19 =	vmul.f32 v19, v1  }
0x16b: {  	v49 =	vld [tilespmem:s23+$0x9480];
	[tilespmem:s23+$0x73F0] =	vst v29;
	v9 =	vsub.f32 v25, v9;
	v17 =	vsub.f32 v26, v17;
	v20 =	vmul.f32 v20, v1  }
0x16c: {  	v52 =	vld [tilespmem:s23+$0x9490];
	[tilespmem:s23+$0x7400] =	vst v10;
	v8 =	vsub.f32 v18, v8;
	v50 =	vsub.f32 v19, v16;
	v51 =	vmul.f32 v21, v1  }
0x16d: {  	[tilespmem:s23+$0x7410] =	vst v9;
	v7 =	vsub.f32 v17, v7;
	v53 =	vsub.f32 v20, v15;
	v54 =	vmul.f32 v22, v1  }
0x16e: {  	[tilespmem:s23+$0x7420] =	vst v8;
	v6 =	vsub.f32 v50, v6;
	v55 =	vsub.f32 v51, v14;
	v56 =	vmul.f32 v23, v1  }
0x16f: {  	[tilespmem:s23+$0x7430] =	vst v7;
	v5 =	vsub.f32 v53, v5;
	v57 =	vsub.f32 v54, v11;
	v58 =	vmul.f32 v48, v1  }
0x170: {  	v60 =	vmul.f32 v49, v2;
	[tilespmem:s23+$0x7440] =	vst v6;
	v4 =	vsub.f32 v55, v4;
	v59 =	vsub.f32 v56, v12  }
0x171: {  	v62 =	vmul.f32 v52, v2;
	[tilespmem:s23+$0x7450] =	vst v5;
	v3 =	vsub.f32 v57, v3;
	v61 =	vsub.f32 v58, v13  }
0x172: {  	[tilespmem:s23+$0x7460] =	vst v4;
	v63 =	vsub.f32 v59, v60  }
0x173: {  	s10 =	sadd.s32 s22, s19;
	s21 =	sadd.s32 $0x1, s21;
	[tilespmem:s23+$0x7470] =	vst v3;
	v3 =	vsub.f32 v61, v62  }
0x174: {  	s10 =	sshrl.u32 s10, $0x3;
	p0 =	sne.s32 s21, $0x14;
	[tilespmem:s23+$0x7480] =	vst v63  }
.Ltmp5:
0x175: {  	s10 =	sadd.s32 s6, s10;
	[tilespmem:s23+$0x7490] =	vst v3;
	(pc) =	sbr.rel @p0 .LBB2_11-.Ltmp5, $4  }
0x176: {  	[hbm4b:s10+s5] =	stream.linear.scatter [tilespmem:s12], [sflag:$0x1], $0x1000, $0x38;
	[tilespmem:$0x1E3A0] =	vst v63  }
0x177: {  	_ =	swait.ge [sflag:s8], $0x1000  }
0x178: {  	[sflag:s8] =	ssyncset.done $0x0  }
0x179: {  	[sflag:s8] =	ssyncadd.s32 $0xFFFFF000  }
0x17a: {  	p0 =	sne.s32 s17, $0x18  }
.Ltmp6:
0x17b: {  	_ = 	snop;
	(pc) =	sbr.rel @p0 .LBB2_4-.Ltmp6, $3  }
0x17c: {  	_ =	sdelay $0x1  }
0x17d: {  	[bflag:$0x0] =	sbarrier.arrive $0xFFFF  }
0x17e: {  	s18 =	smov.u32 s17  }
0x17f: {  	s16 =	rddreg [dreg:$0x15]  }
0x180: {  	s10 =	rddreg [dreg:$0x7];
	s16 =	sadd.s32 $0x1, s16  }
0x181: {  	p0 =	sne.s32 s16, s10  }
.Ltmp7:
0x182: {  	_ = 	snop;
	(pc) =	sbr.rel @p0 .LBB2_1-.Ltmp7, $1  }
0x183: {  	_ =	sdelay $0x3  }
0x184: {  	_ =	sfence.sel $0x180000  }
0x185: {  	[bflag:$0x0] =	sbarrier.arrive $0xFFFF  }
0x186: {  	_ =	strace $0x90000050  }
0x187: {  	s0 =	stileid.u32;
	[bflag:$0x2] =	sbarrier.arrive $0xFFFF  }
0x188: {  	p0 =	sne.s32 s0, $0x0;
	s0 =	rddreg [dreg:$0x2]  }
0x189: {  	s0 =	sadd.s32 @!p0 $0x100000, s0  }
0x18a: {  	[sflag:s0] =	ssyncadd.tile.s32 @!p0 $0x1;
	_ =	shalt  }
.Lfunc_end2:
_tile_overlayer_lowered:
.L_overlay_start_2:
0x18b: {  	(tag) =	ssettag $0x2  }
0x18c: {  	s0 =	rddreg [dreg:$0x0];
	s2 =	stileid.u32  }
0x18d: {  	s1 =	rddreg [dreg:$0x1];
	p0 =	sne.s32 s2, $0x0  }
0x18e: {  	s3 =	rddreg [dreg:$0x2];
	[bflag:$0x3] =	sbarrier.arrive $0xFFFF;
	s2 =	simm.s32 @!p0 $0x1C01  }
0x18f: {  	[timem:s3], [sflag:s2] =	dma.local @!p0 [hbm:s0], s1  }
0x190: {  	s0 =	simm.s32 @!p0 $0x1  }
0x191: {  	_ =	swait.ge @!p0 [sflag:s0], s1  }
0x192: {  	s1 =	ssub.s32 @!p0 $0x0, s1;
	[sflag:s0] =	ssyncset.done @!p0 $0x0  }
0x193: {  	[sflag:s0] =	ssyncadd.s32 @!p0 s1  }
0x194: {  	[bflag:$0x3] =	sbarrier.arrive $0xFFFF  }
0x195: {  	_ =	shalt  }

// kernel: kernel.7.cloned.1.call-start
scs
__scs_entry_jumppad:
0x0: {  	(pc) =	sbr.rel $0x88, $3  }
0x1: {  	(tag) =	ssettag $0x0;
	lr =	simm.s32 $0x1  }
0x2: {  	[smem:$0x3F92] =	sst lr;
	_ =	strace $0xD0000000  }
0x3: {  	_ = 	snop  }
0x4: {  	_ = 	snop  }
0x5: {  	_ = 	snop  }
0x6: {  	_ = 	snop  }
0x7: {  	_ = 	snop  }
__scs_overlays_trampoline_lowered:
0x8: {  	[smem:$0x3FA1] =	sst s0  }
0x9: {  	[smem:$0x3FA2] =	sst s1  }
0xa: {  	[smem:$0x3FA3] =	sst s2  }
0xb: {  	[smem:$0x3FA4] =	sst s3  }
0xc: {  	[smem:$0x3FA5] =	sst s4  }
0xd: {  	[smem:$0x3FA6] =	sst s5  }
0xe: {  	[smem:$0x3FA7] =	sst s6  }
0xf: {  	[smem:$0x3FA8] =	sst s7  }
0x10: {  	[smem:$0x3FA9] =	sst s8  }
0x11: {  	[smem:$0x3FAA] =	sst s9;
	s0 =	simm.s32 @!p0 $0x0  }
0x12: {  	s1 =	sld [smem:$0x3F90];
	s0 =	simm.s32 @p0 $0x1  }
0x13: {  	[smem:$0x3FAB] =	sst s0;
	s0 =	simm.s32 @!p1 $0x0  }
0x14: {  	s2 =	sld [smem:$0x3F8F];
	s0 =	simm.s32 @p1 $0x1  }
0x15: {  	[smem:$0x3FAC] =	sst s0;
	s0 =	simm.s32 @!p2 $0x0  }
0x16: {  	s3 =	sld [smem:$0x3FDB];
	s0 =	simm.s32 @p2 $0x1  }
0x17: {  	s4 =	simm.s32 $0x1BF5;
	[smem:$0x3FAE] =	sst s0  }
0x18: {  	s0 =	sld [smem:$0x3F91];
	_ =	swait.ge [sflag:s4], $0x0  }
0x19: {  	s7 =	sld [smem:$0x3F92]  }
0x1a: {  	s8 =	sadd.s32 $0xFFFFE003, lr  }
0x1b: {  	s9 =	sadd.s32 $0xFFFFFEF7, lr;
	s5 =	simm.s32 $0xFFFFFFFF;
	p2 =	slt.u32 s8, $0xFFFFF086  }
0x1c: {  	p1 =	slt.u32 s9, $0xF7A;
	s5 =	simm.s32 @!p2 $0x0  }
0x1d: {  	s5 =	simm.s32 @p1 $0x1;
	p0 =	seq.s32 s7, s2  }
0x1e: {  	s7 =	smul.u32 @!p0 $0xF7A, s2;
	p2 =	seq.s32 @!p0 s5, $0x0  }
0x1f: {  	s9 =	smul.u32 $0xF7A, s1;
	s8 =	simm.s32 @!p0 $0x1BF5;
	p2 =	por !p2, p0  }
0x20: {  	[sflag:s8] =	ssyncset.s32 @!p0 $0xFFFFF086;
	s6 =	sadd.s32 @!p0 s3, s7;
	s7 =	simm.s32 @!p0 $0x108  }
0x21: {  	s3 =	sadd.s32 s3, s9;
	s6 =	sadd.s32 @!p0 $0x88, s6;
	s7 =	simm.s32 @p2 $0x1082  }
0x22: {  	[simem:s7], [sflag:s8] =	dma.local @!p0 [hbm:s6], $0xF7A  }
0x23: {  	s9 =	sor.u32 $0xD0000000, s2;
	s6 =	simm.s32 $0x108;
	_ =	swait.ge @!p0 [sflag:s8], $0x0  }
0x24: {  	s3 =	sadd.s32 $0x88, s3;
	s6 =	simm.s32 @!p1 $0x1082;
	[sflag:s4] =	ssyncset.s32 $0xFFFFF086  }
0x25: {  	[simem:s6], [sflag:s4] =	dma.local [hbm:s3], $0xF7A  }
0x26: {  	[smem:$0x3F92] =	sst s1;
	(tag) =	ssettag s2;
	_ =	strace s9  }
0x27: {  	s1 =	sld [smem:$0x3FA2]  }
0x28: {  	s2 =	sld [smem:$0x3FA3]  }
0x29: {  	s4 =	sld [smem:$0x3FA5]  }
0x2a: {  	p0 =	seq.s32 s5, $0x0;
	s5 =	sld [smem:$0x3FA6]  }
0x2b: {  	s6 =	sld [smem:$0x3FA7]  }
0x2c: {  	s7 =	sld [smem:$0x3FA8]  }
0x2d: {  	s3 =	simm.s32 $0x108;
	s8 =	sld [smem:$0x3FA9]  }
0x2e: {  	s3 =	simm.s32 @!p0 $0x1082;
	s9 =	sld [smem:$0x3FAA]  }
0x2f: {  	lr =	sadd.s32 s0, s3;
	s0 =	sld [smem:$0x3FA1]  }
0x30: {  	s3 =	sld [smem:$0x3FA4]  }
0x31: {  	[smem:$0x3FAD] =	sst s10  }
0x32: {  	s10 =	sld [smem:$0x3FAB];
	_ =	sdelay $0x3  }
0x33: {  	p0 =	seq.s32 s10, $0x1;
	s10 =	sld [smem:$0x3FAD];
	_ =	sdelay $0x3  }
0x34: {  	[smem:$0x3FAD] =	sst s10  }
0x35: {  	s10 =	sld [smem:$0x3FAC];
	_ =	sdelay $0x3  }
0x36: {  	p1 =	seq.s32 s10, $0x1;
	s10 =	sld [smem:$0x3FAD];
	_ =	sdelay $0x3  }
0x37: {  	[smem:$0x3FAD] =	sst s10  }
0x38: {  	s10 =	sld [smem:$0x3FAE]  }
0x39: {  	_ = 	snop;
	(pc) =	sbr.ind lr, $3  }
0x3a: {  	_ = 	snop  }
0x3b: {  	_ = 	snop  }
0x3c: {  	p2 =	seq.s32 s10, $0x1;
	s10 =	sld [smem:$0x3FAD]  }
0x3d: {  	_ =	shalt  }
0x3e: {  	_ =	shalt  }
0x3f: {  	_ =	shalt  }
0x40: {  	_ =	shalt  }
0x41: {  	_ =	shalt  }
0x42: {  	_ =	shalt  }
0x43: {  	_ =	shalt  }
0x44: {  	_ =	shalt  }
0x45: {  	_ =	shalt  }
0x46: {  	_ =	shalt  }
0x47: {  	_ =	shalt  }
0x48: {  	_ =	shalt  }
0x49: {  	_ =	shalt  }
0x4a: {  	_ =	shalt  }
0x4b: {  	_ =	shalt  }
0x4c: {  	_ =	shalt  }
0x4d: {  	_ =	shalt  }
0x4e: {  	_ =	shalt  }
0x4f: {  	_ =	shalt  }
0x50: {  	_ =	shalt  }
0x51: {  	_ =	shalt  }
0x52: {  	_ =	shalt  }
0x53: {  	_ =	shalt  }
0x54: {  	_ =	shalt  }
0x55: {  	_ =	shalt  }
0x56: {  	_ =	shalt  }
0x57: {  	_ =	shalt  }
0x58: {  	_ =	shalt  }
0x59: {  	_ =	shalt  }
0x5a: {  	_ =	shalt  }
0x5b: {  	_ =	shalt  }
0x5c: {  	_ =	shalt  }
0x5d: {  	_ =	shalt  }
0x5e: {  	_ =	shalt  }
0x5f: {  	_ =	shalt  }
0x60: {  	_ =	shalt  }
0x61: {  	_ =	shalt  }
0x62: {  	_ =	shalt  }
0x63: {  	_ =	shalt  }
0x64: {  	_ =	shalt  }
0x65: {  	_ =	shalt  }
0x66: {  	_ =	shalt  }
0x67: {  	_ =	shalt  }
0x68: {  	_ =	shalt  }
0x69: {  	_ =	shalt  }
0x6a: {  	_ =	shalt  }
0x6b: {  	_ =	shalt  }
0x6c: {  	_ =	shalt  }
0x6d: {  	_ =	shalt  }
0x6e: {  	_ =	shalt  }
0x6f: {  	_ =	shalt  }
0x70: {  	_ =	shalt  }
0x71: {  	_ =	shalt  }
0x72: {  	_ =	shalt  }
0x73: {  	_ =	shalt  }
0x74: {  	_ =	shalt  }
0x75: {  	_ =	shalt  }
0x76: {  	_ =	shalt  }
0x77: {  	_ =	shalt  }
0x78: {  	_ =	shalt  }
0x79: {  	_ =	shalt  }
0x7a: {  	_ =	shalt  }
0x7b: {  	_ =	shalt  }
0x7c: {  	_ =	shalt  }
0x7d: {  	_ =	shalt  }
0x7e: {  	_ =	shalt  }
0x7f: {  	_ =	shalt  }
0x80: {  	_ =	shalt  }
0x81: {  	_ =	shalt  }
0x82: {  	_ =	shalt  }
0x83: {  	_ =	shalt  }
0x84: {  	_ =	shalt  }
0x85: {  	_ =	shalt  }
0x86: {  	_ =	shalt  }
0x87: {  	_ =	shalt  }
.Lfunc_end0:
.L_simem_size_0:
called_computation.4_lowered:
.L_overlay_start_0:
0x88: {  	s2 =	sld [smem:$0x3FD9]  }
0x89: {  	s3 =	sld [smem:$0x3FFE];
	_ =	sdelay $0x1  }
0x8a: {  	s1 =	srdreg.scid  }
0x8b: {  	s0 =	sand.u32 $0x1, s1  }
0x8c: {  	s16 =	sshll.u32 s0, $0xA;
	s2 =	sadd.s32 s3, s2  }
0x8d: {  	s2 =	sadd.s32 s2, s16  }
0x8e: {  	[smem:$0x3FB9] =	sst s2  }
0x8f: {  	_ = 	snop  }
0x90: {  	(tm) =	ssettm $0x1  }
0x91: {  	s17 =	sld [smem:$0x3FFB];
	_ =	sdelay $0x3  }
0x92: {  	_ =	strace s17  }
0x93: {  	s2 =	sld [smem:$0x3FFC];
	_ =	sdelay $0x3  }
0x94: {  	_ =	strace s2  }
0x95: {  	s2 =	sld [smem:$0x3FFD];
	_ =	sdelay $0x3  }
0x96: {  	_ =	strace s2  }
0x97: {  	_ =	strace $0x8FFFFFFF  }
0x98: {  	s18 =	sld [smem:$0x3FDB];
	_ =	sdelay $0x1  }
0x99: {  	s19 =	simm.s32 $_scs_section_size  }
0x9a: {  	s4 =	simm.s32 $_size__tile_overlayer_lowered;
	s5 =	simm.s32 $_tile_overlayer_lowered  }
0x9b: {  	s22 =	simm.s32 $0x1BFF;
	s21 =	sshll.u32 s5, $0x1;
	s2 =	sadd.s32 s19, s18  }
0x9c: {  	s6 =	simm.s32 $0x0;
	s20 =	sshll.u32 s4, $0x1;
	s4 =	sadd.s32 s21, s2  }
0x9d: {  	[timem:s6], [sflag:s22] =	dma.local [hbm:s4], s20  }
0x9e: {  	_ =	swait.ge [sflag:s22], s20  }
0x9f: {  	s3 =	ssub.s32 $0x0, s20;
	[sflag:s22] =	ssyncset.done $0x0  }
0xa0: {  	[sflag:s22] =	ssyncadd.s32 s3;
	_ =	sdelay $0x1  }
0xa1: {  	s23 =	simm.s32 $0x1B8B  }
0xa2: {  	_ =	swait.ge [sflag:s23], $0x1  }
0xa3: {  	[sflag:s23] =	ssyncset.done $0x0  }
0xa4: {  	s25 =	simm.s32 $0x1B8E;
	s24 =	sld [smem:$0x3FFE];
	[sflag:s23] =	ssyncadd.s32 $0xFFFFFFFF  }
0xa5: {  	s26 =	simm.s32 $execute0_lowered;
	[smem:$0x3FD2] =	sst s25  }
0xa6: {  	s4 =	sshll.u32 s26, $0x1;
	_ =	strace $0x80000046;
	[dreg:$0x1] =	wrdreg $0xFFFFFFFF  }
0xa7: {  	s28 =	simm.s32 $_size_execute0_lowered;
	s2 =	sadd.s32 s2, s4;
	[dreg:$0x0] =	wrdreg $0x0  }
0xa8: {  	s4 =	sshll.u32 s28, $0x1;
	[dreg:$0x2] =	wrdreg s2  }
0xa9: {  	[dreg:$0x3] =	wrdreg s4  }
0xaa: {  	[dreg:$0x4] =	wrdreg $0xC0  }
0xab: {  	_ =	task [dreg:s6], $0x5FFFF  }
0xac: {  	[dreg:$0x1] =	wrdreg $0xFFFFFFFF  }
0xad: {  	[dreg:$0x0] =	wrdreg $0x60  }
0xae: {  	[dreg:$0x2] =	wrdreg s24  }
0xaf: {  	[dreg:$0x3] =	wrdreg $0xD7300  }
0xb0: {  	[dreg:$0x4] =	wrdreg $0x9  }
0xb1: {  	_ =	task.clear_ibuf [dreg:s6], $0x5FFFF;
	_ =	strace $0x90000046  }
0xb2: {  	s29 =	simm.s32 $0x9;
	_ =	strace $0x80000048  }
0xb3: {  	_ =	swait.ge [sflag:s29], $0x1  }
0xb4: {  	[sflag:s29] =	ssyncadd.s32 $0xFFFFFFFF  }
0xb5: {  	_ =	strace $0x90000048  }
0xb6: {  	_ =	sfence  }
0xb7: {  	s30 =	sld [smem:$0x0];
	_ =	sdelay $0x2  }
0xb8: {  	s31 =	sshll.u32 s1, $0xD;
	s1 =	sshrl.u32 s1, $0x2  }
0xb9: {  	s3 =	sand.u32 $0x4000, s31;
	s1 =	sadd.s32 s1, s30  }
0xba: {  	s0 =	sor.u32 s3, s0;
	s1 =	sshll.u32 s1, $0x11  }
0xbb: {  	s0 =	sor.u32 s1, s0  }
0xbc: {  	s0 =	sadd.s32 $0x8F2B, s0  }
0xbd: {  	[sflag:s0] =	ssyncadd.remote.s32 $0x1  }
0xbe: {  	_ =	sfence.sel $0xFFFF  }
0xbf: {  	[dreg:$0x0] =	wrdreg $0xFFFFFFFF;
	(pc) =	sbr.abs _section_cstart, $3  }
0xc0: {  	[dreg:$0x1] =	wrdreg $0xFFFFFFFF  }
0xc1: {  	_ =	task.clear_ibuf [dreg:s6], $0x2FFFF;
	_ =	strace $0x9FFFFFFF  }
0xc2: {  	(tm) =	ssettm $0x7FFFFFFF  }
0xc3: {  	_ =	shalt  }
tec
execute0_lowered:
.L_overlay_start_1:
0x0: {  	(tag) =	ssettag $0x1  }
0x1: {  	s0 =	rddreg [dreg:$0x0]  }
0x2: {  	s2 =	rddreg [dreg:$0x1]  }
0x3: {  	s3 =	simm.s32 $0x0;
	s10 =	stileid.u32;
	s1 =	srdreg.scid  }
0x4: {  	s28 =	simm.s32 $0x1;
	s30 =	simm.s32 $0x4E20;
	s31 =	simm.s32 $0xA730  }
0x5: {  	s29 =	simm.s32 $0xB730;
	[smem:$0x7FF] =	sst s3;
	s5 =	smul.u32 $0x4E2, s10  }
0x6: {  	s1 =	sand.u32 $0x1, s1;
	s7 =	sadd.s32 $0xB000, s0;
	s9 =	smul.u32 $0x14000, s10  }
0x7: {  	_ =	strace $0x80000047;
	s6 =	ssub.s32 $0x2, s1;
	s4 =	smul.u32 $0x50000, s1  }
0x8: {  	s13 =	sadd.s32 s5, s0;
	s8 =	sshrl.u32 s6, $0x1;
	s5 =	sadd.s32 $0x24000, s0  }
0x9: {  	s17 =	sshrl.u32 s9, $0x2;
	s14 =	ssub.s32 s6, s8;
	s6 =	smul.u32 $0x5000, s10  }
0xa: {  	s15 =	sadd.s32 $0x6000, s13;
	s16 =	sadd.s32 $0x1000, s13;
	s1 =	sadd.s32 $0x1F000, s13  }
0xb: {  	s10 =	sadd.s32 s17, s2;
	s11 =	sadd.s32 $0xFFF60000, s4;
	[dreg:$0x3] =	wrdreg s15  }
0xc: {  	s8 =	simm.s32 $0x0;
	[dreg:$0x4] =	wrdreg s16;
	s18 =	sadd.s32 s6, s4  }
0xd: {  	[dreg:$0x5] =	wrdreg s1;
	s0 =	smax.u32 s14, $0x1;
	s19 =	sshrl.u32 s18, $0x3  }
0xe: {  	[dreg:$0x6] =	wrdreg s0;
	s1 =	sadd.s32 s7, s19;
	s20 =	sadd.s32 s5, s19  }
0xf: {  	s21 =	sadd.s32 $0x200, s19;
	s23 =	sadd.s32 $0x400, s19;
	[dreg:$0x7] =	wrdreg s1  }
0x10: {  	s25 =	sadd.s32 $0x600, s19;
	[dreg:$0x8] =	wrdreg s20;
	s22 =	sadd.s32 s7, s21  }
0x11: {  	s0 =	sadd.s32 $0x800, s19;
	s1 =	sadd.s32 s5, s21;
	[dreg:$0x9] =	wrdreg s22  }
0x12: {  	s24 =	sadd.s32 s7, s23;
	s26 =	sadd.s32 s7, s25;
	[dreg:$0xa] =	wrdreg s1  }
0x13: {  	s21 =	sadd.s32 s7, s0;
	s7 =	simm.s32 $0xC730;
	[dreg:$0xb] =	wrdreg s24  }
0x14: {  	s1 =	sadd.s32 s5, s23;
	[dreg:$0xd] =	wrdreg s26;
	s22 =	sadd.s32 s5, s0  }
0x15: {  	s23 =	sadd.s32 $0x1000, s10;
	s24 =	sadd.s32 $0x2000, s10;
	s26 =	sadd.s32 $0x4000, s10  }
0x16: {  	s0 =	simm.s32 $0x190;
	[dreg:$0xc] =	wrdreg s1;
	s1 =	sadd.s32 s5, s25  }
0x17: {  	v0 =	vimm.f32 $0.0e+00;
	s25 =	sadd.s32 $0x3000, s10;
	[dreg:$0xe] =	wrdreg s1;
	s1 =	simm.s32 $0x7530  }
.LBB2_1:
0x18: {  	s9 =	rddreg [dreg:$0x3]  }
0x19: {  	[tilespmem:s3], [sflag:$0x1] =	stream.linear.gather [hbm4b:s9+s3], $0x2710, $0x38;
	[tilespmem:$0x12730] =	vst v63  }
0x1a: {  	_ =	swait.ge [sflag:s28], $0x2710  }
0x1b: {  	[sflag:s28] =	ssyncset.done $0x0  }
0x1c: {  	s12 =	simm.s32 $0x2710;
	s20 =	rddreg [dreg:$0x4];
	[sflag:s28] =	ssyncadd.s32 $0xFFFFD8F0  }
0x1d: {  	[tilespmem:s12], [sflag:$0x1] =	stream.linear.gather [hbm4b:s20+s3], $0x2710, $0x38;
	[tilespmem:$0x12730] =	vst v63  }
0x1e: {  	_ =	swait.ge [sflag:s28], $0x2710  }
0x1f: {  	[sflag:s28] =	ssyncset.done $0x0  }
0x20: {  	s12 =	rddreg [dreg:$0x5];
	[sflag:s28] =	ssyncadd.s32 $0xFFFFD8F0  }
0x21: {  	[tilespmem:s30], [sflag:$0x1] =	stream.linear.gather [hbm4b:s12+s3], $0x2710, $0x38;
	[tilespmem:$0x12730] =	vst v63  }
0x22: {  	_ =	swait.ge [sflag:s28], $0x2710  }
0x23: {  	[sflag:s28] =	ssyncset.done $0x0  }
0x24: {  	s13 =	rddreg [dreg:$0x7];
	[sflag:s28] =	ssyncadd.s32 $0xFFFFD8F0  }
0x25: {  	[tilespmem:s31], [sflag:$0x1] =	stream.linear.gather [hbm4b:s13+s3], $0x1000, $0x38;
	[tilespmem:$0x12730] =	vst v63  }
0x26: {  	_ =	swait.ge [sflag:s28], $0x1000  }
0x27: {  	[sflag:s28] =	ssyncset.done $0x0  }
0x28: {  	s14 =	rddreg [dreg:$0x8];
	[sflag:s28] =	ssyncadd.s32 $0xFFFFF000  }
0x29: {  	[hbm4b:s14+s3] =	stream.linear.scatter [tilespmem:s31], [sflag:$0x1], $0x1000, $0x38;
	[tilespmem:$0x12730] =	vst v63  }
0x2a: {  	_ =	swait.ge [sflag:s28], $0x1000  }
0x2b: {  	[sflag:s28] =	ssyncset.done $0x0  }
0x2c: {  	s15 =	rddreg [dreg:$0x9];
	[sflag:s28] =	ssyncadd.s32 $0xFFFFF000  }
0x2d: {  	[tilespmem:s31], [sflag:$0x1] =	stream.linear.gather [hbm4b:s15+s3], $0x1000, $0x38;
	[tilespmem:$0x12730] =	vst v63  }
0x2e: {  	_ =	swait.ge [sflag:s28], $0x1000  }
0x2f: {  	[sflag:s28] =	ssyncset.done $0x0  }
0x30: {  	s16 =	rddreg [dreg:$0xa];
	[sflag:s28] =	ssyncadd.s32 $0xFFFFF000  }
0x31: {  	[hbm4b:s16+s3] =	stream.linear.scatter [tilespmem:s31], [sflag:$0x1], $0x1000, $0x38;
	[tilespmem:$0x12730] =	vst v63  }
0x32: {  	_ =	swait.ge [sflag:s28], $0x1000  }
0x33: {  	[sflag:s28] =	ssyncset.done $0x0  }
0x34: {  	s17 =	rddreg [dreg:$0xb];
	[sflag:s28] =	ssyncadd.s32 $0xFFFFF000  }
0x35: {  	[tilespmem:s31], [sflag:$0x1] =	stream.linear.gather [hbm4b:s17+s3], $0x1000, $0x38;
	[tilespmem:$0x12730] =	vst v63  }
0x36: {  	_ =	swait.ge [sflag:s28], $0x1000  }
0x37: {  	[sflag:s28] =	ssyncset.done $0x0  }
0x38: {  	s18 =	rddreg [dreg:$0xc];
	[sflag:s28] =	ssyncadd.s32 $0xFFFFF000  }
0x39: {  	[hbm4b:s18+s3] =	stream.linear.scatter [tilespmem:s31], [sflag:$0x1], $0x1000, $0x38;
	[tilespmem:$0x12730] =	vst v63  }
0x3a: {  	_ =	swait.ge [sflag:s28], $0x1000  }
0x3b: {  	[sflag:s28] =	ssyncset.done $0x0  }
0x3c: {  	s19 =	rddreg [dreg:$0xd];
	[sflag:s28] =	ssyncadd.s32 $0xFFFFF000  }
0x3d: {  	[tilespmem:s31], [sflag:$0x1] =	stream.linear.gather [hbm4b:s19+s3], $0x1000, $0x38;
	[tilespmem:$0x12730] =	vst v63  }
0x3e: {  	_ =	swait.ge [sflag:s28], $0x1000  }
0x3f: {  	[sflag:s28] =	ssyncset.done $0x0  }
0x40: {  	s20 =	rddreg [dreg:$0xe];
	[sflag:s28] =	ssyncadd.s32 $0xFFFFF000  }
0x41: {  	[hbm4b:s20+s3] =	stream.linear.scatter [tilespmem:s31], [sflag:$0x1], $0x1000, $0x38;
	[tilespmem:$0x12730] =	vst v63  }
0x42: {  	_ =	swait.ge [sflag:s28], $0x1000  }
0x43: {  	[sflag:s28] =	ssyncset.done $0x0  }
0x44: {  	[sflag:s28] =	ssyncadd.s32 $0xFFFFF000  }
0x45: {  	[tilespmem:s31], [sflag:$0x1] =	stream.linear.gather [hbm4b:s21+s3], $0x1000, $0x38;
	[tilespmem:$0x12730] =	vst v63  }
0x46: {  	_ =	swait.ge [sflag:s28], $0x1000  }
0x47: {  	[sflag:s28] =	ssyncset.done $0x0  }
0x48: {  	[sflag:s28] =	ssyncadd.s32 $0xFFFFF000  }
0x49: {  	[hbm4b:s22+s3] =	stream.linear.scatter [tilespmem:s31], [sflag:$0x1], $0x1000, $0x38;
	[tilespmem:$0x12730] =	vst v63  }
0x4a: {  	_ =	swait.ge [sflag:s28], $0x1000  }
0x4b: {  	[sflag:s28] =	ssyncset.done $0x0  }
0x4c: {  	[sflag:s28] =	ssyncadd.s32 $0xFFFFF000  }
0x4d: {  	s12 =	simm.s32 $0x0;
	[bflag:$0x0] =	sbarrier.arrive $0xFFFF  }
.LBB2_2:
0x4e: {  	s9 =	simm.s32 $0x80;
	s13 =	simm.s32 $0x0  }
.LBB2_3:
0x4f: {  	p0 =	sne.s32 s9, $0x3F80;
	[tilespmem:s13+$0xA730] =	vst v0;
	s14 =	smov.u32 s9;
	s9 =	sadd.s32 $0x80, s9  }
.Ltmp0:
0x50: {  	[tilespmem:s13+$0xA740] =	vst v0;
	(pc) =	sbr.rel @p0 .LBB2_3-.Ltmp0, $2  }
0x51: {  	_ =	sdelay $0x2  }
0x52: {  	s13 =	sshra.s32 s14, $0x2  }
0x53: {  	[tilespmem:s13+$0xA730] =	vst v0  }
0x54: {  	[tilespmem:s13+$0xA740] =	vst v0  }
0x55: {  	[spmem:s10] =	stream.linear.scatter [tilespmem:s31], [sflag:$0x1], $0x1000, $0x38;
	[tilespmem:$0x12730] =	vst v63  }
0x56: {  	_ =	swait.ge [sflag:s28], $0x1000  }
0x57: {  	[sflag:s28] =	ssyncset.done $0x0  }
0x58: {  	[sflag:s28] =	ssyncadd.s32 $0xFFFFF000  }
0x59: {  	[spmem:s23] =	stream.linear.scatter [tilespmem:s31], [sflag:$0x1], $0x1000, $0x38;
	[tilespmem:$0x12730] =	vst v63  }
0x5a: {  	_ =	swait.ge [sflag:s28], $0x1000  }
0x5b: {  	[sflag:s28] =	ssyncset.done $0x0  }
0x5c: {  	[sflag:s28] =	ssyncadd.s32 $0xFFFFF000  }
0x5d: {  	[spmem:s24] =	stream.linear.scatter [tilespmem:s31], [sflag:$0x1], $0x1000, $0x38;
	[tilespmem:$0x12730] =	vst v63  }
0x5e: {  	_ =	swait.ge [sflag:s28], $0x1000  }
0x5f: {  	[sflag:s28] =	ssyncset.done $0x0  }
0x60: {  	[sflag:s28] =	ssyncadd.s32 $0xFFFFF000  }
0x61: {  	[spmem:s25] =	stream.linear.scatter [tilespmem:s31], [sflag:$0x1], $0x1000, $0x38;
	[tilespmem:$0x12730] =	vst v63  }
0x62: {  	_ =	swait.ge [sflag:s28], $0x1000  }
0x63: {  	[sflag:s28] =	ssyncset.done $0x0  }
0x64: {  	s9 =	smul.u32 $0xA0000, s12;
	[sflag:s28] =	ssyncadd.s32 $0xFFFFF000  }
0x65: {  	[spmem:s26] =	stream.linear.scatter [tilespmem:s31], [sflag:$0x1], $0x1000, $0x38;
	[tilespmem:$0x12730] =	vst v63  }
0x66: {  	_ =	swait.ge [sflag:s28], $0x1000  }
0x67: {  	s9 =	sadd.s32 s4, s9;
	[sflag:s28] =	ssyncset.done $0x0  }
0x68: {  	s14 =	simm.s32 $0x0;
	s20 =	sshrl.u32 s9, $0x3;
	[sflag:s28] =	ssyncadd.s32 $0xFFFFF000  }
0x69: {  	s15 =	simm.s32 $0x0;
	s13 =	sadd.s32 s5, s20;
	[bflag:$0x0] =	sbarrier.arrive $0xFFFF  }
.LBB2_5:
0x6a: {  	v1 =	vmov s15  }
0x6b: {  	v1 =	vmul.u32 $0x190, v1;
	_ =	sdelay $0x1  }
0x6c: {  	v2 =	vmov s14;
	s16 =	smul.u32 $0x190, s15;
	v1 =	vbroadcast v1, $0x0  }
0x6d: {  	v3 =	vand.u32 $0x1F8, v2  }
0x6e: {  	v2 =	vand.u32 $0x7, v2;
	[tilespmem:s1], [sflag:$0x1] =	stream.indirect.gather [hbm4b:s13+s0], $0x20, s16, s0, $0xb8;
	v3 =	vadd.s32 v1, v3;
	[tilespmem:$0x12730] =	vst v63  }
0x6f: {  	_ =	swait.ge [sflag:s28], $0x3200;
	v3 =	vor.u32 v2, v3  }
0x70: {  	[sflag:s28] =	ssyncset.done $0x0  }
0x71: {  	s17 =	simm.s32 $0x7540;
	[sflag:s28] =	ssyncadd.s32 $0xFFFFCE00  }
0x72: {  	v2 =	vld [tilespmem:s17+$0xFFFFFFF0]  }
0x73: {  	v4 =	vld [tilespmem:s17+$0x0]  }
0x74: {  	s18 =	simm.s32 $0x1;
	v3 =	vld.idx.msk [tilespmem:v3+s30+$0x0], $0xffff  }
0x75: {  	s19 =	simm.s32 $0x2;
	v5 =	vmov s18;
	s18 =	simm.s32 $0x7540  }
.LBB2_6:
0x76: {  	p0 =	sne.s32 s19, $0x18F;
	v6 =	vand.u32 $0x1F8, v5  }
0x77: {  	v5 =	vand.u32 $0x7, v5;
	v6 =	vadd.s32 v1, v6  }
0x78: {  	v5 =	vor.u32 v5, v6  }
0x79: {  	v2 =	vmul.f32 v2, v3;
	v3 =	vmul.f32 v4, v3;
	_ =	sdelay $0x1  }
.Ltmp1:
0x7a: {  	s18 =	sadd.s32 $0x20, s18;
	[tilespmem:s17+$0xFFFFFFF0] =	vst v2;
	(pc) =	sbr.rel @p0 .LBB2_6-.Ltmp1, $4  }
0x7b: {  	v2 =	vld [tilespmem:s18+$0xFFFFFFF0];
	[tilespmem:s17+$0x0] =	vst v3;
	s17 =	smov.u32 s18  }
0x7c: {  	v3 =	vld.idx.msk [tilespmem:v5+s30+$0x0], $0xffff  }
0x7d: {  	v4 =	vld [tilespmem:s18+$0x0]  }
0x7e: {  	v5 =	vmov s19;
	s19 =	sadd.s32 $0x1, s19  }
0x7f: {  	v6 =	vand.u32 $0x1F8, v5  }
0x80: {  	v63 =	vand.u32 $0x7, v5;
	v1 =	vadd.s32 v1, v6  }
0x81: {  	v1 =	vor.u32 v63, v1  }
0x82: {  	v2 =	vmul.f32 v2, v3  }
0x83: {  	v3 =	vmul.f32 v4, v3  }
0x84: {  	s18 =	sadd.s32 $0x20, s18;
	[tilespmem:s17+$0xFFFFFFF0] =	vst v2  }
0x85: {  	v2 =	vld [tilespmem:s18+$0xFFFFFFF0];
	[tilespmem:s17+$0x0] =	vst v3  }
0x86: {  	v1 =	vld.idx.msk [tilespmem:v1+s30+$0x0], $0xffff  }
0x87: {  	v3 =	vld [tilespmem:s18+$0x0];
	_ =	sdelay $0x3  }
0x88: {  	v2 =	vmul.f32 v2, v1  }
0x89: {  	s15 =	sadd.s32 $0x1, s15;
	v1 =	vmul.f32 v3, v1  }
0x8a: {  	p0 =	sne.s32 s15, $0x19;
	[tilespmem:s18+$0xFFFFFFF0] =	vst v2  }
.Ltmp2:
0x8b: {  	s16 =	sadd.s32 $0x2710, s16;
	[tilespmem:s18+$0x0] =	vst v1;
	(pc) =	sbr.rel @p0 .LBB2_5-.Ltmp2, $4  }
0x8c: {  	[spmem:s2] =	stream.indirect.scatter.add.f32 [tilespmem:s1], [sflag:$0x1], $0x20, s16, s0, $0xb8;
	[tilespmem:$0x12730] =	vst v63  }
0x8d: {  	_ =	swait.ge [sflag:s28], $0x3200  }
0x8e: {  	[sflag:s28] =	ssyncset.done $0x0  }
0x8f: {  	[sflag:s28] =	ssyncadd.s32 $0xFFFFCE00  }
0x90: {  	s13 =	sadd.s32 $0x1, s12;
	p0 =	seq.s32 s12, $0x0;
	p1 =	sgt.s32 s12, $0x1  }
0x91: {  	s15 =	simm.f32 $0.0e+00;
	s12 =	simm.s32 @!p1 $0x1;
	s16 =	smul.u32 $0xA0000, s13  }
0x92: {  	s14 =	simm.f32 $1.000000000e+00;
	s15 =	simm.s32 @!p0 $0x3F800000;
	s12 =	smul.u32 $0xA0000, s12  }
0x93: {  	[bflag:$0x0] =	sbarrier.arrive $0xFFFF;
	s14 =	simm.s32 @!p0 $0x40000000;
	v2 =	vmov s15;
	s15 =	simm.s32 $0x0  }
0x94: {  	v1 =	vmov s14;
	s14 =	sadd.s32 s4, s16;
	s16 =	simm.s32 $0x0;
	s12 =	sadd.s32 s12, s11  }
.LBB2_9:
0x95: {  	s17 =	sshll.u32 s16, $0xC  }
0x96: {  	s17 =	sadd.s32 s6, s17  }
0x97: {  	s18 =	sadd.s32 s17, s2  }
0x98: {  	[tilespmem:s31], [sflag:$0x1] =	stream.linear.gather [spmem:s18], $0x1000, $0x38;
	[tilespmem:$0x12730] =	vst v63  }
0x99: {  	s19 =	sadd.s32 s9, s17;
	_ =	swait.ge [sflag:s28], $0x1000  }
0x9a: {  	s18 =	sshrl.u32 s19, $0x3;
	[sflag:s28] =	ssyncset.done $0x0  }
0x9b: {  	s18 =	sadd.s32 s5, s18;
	[sflag:s28] =	ssyncadd.s32 $0xFFFFF000  }
0x9c: {  	[tilespmem:s29], [sflag:$0x1] =	stream.linear.gather [hbm4b:s18+s15], $0x1000, $0x38;
	[tilespmem:$0x12730] =	vst v63  }
0x9d: {  	s20 =	sadd.s32 s12, s17;
	_ =	swait.ge [sflag:s28], $0x1000  }
0x9e: {  	s18 =	sshrl.u32 s20, $0x3;
	[sflag:s28] =	ssyncset.done $0x0  }
0x9f: {  	s18 =	sadd.s32 s5, s18;
	[sflag:s28] =	ssyncadd.s32 $0xFFFFF000  }
0xa0: {  	[tilespmem:s7], [sflag:$0x1] =	stream.linear.gather [hbm4b:s18+s15], $0x1000, $0x38;
	[tilespmem:$0x12730] =	vst v63  }
0xa1: {  	_ =	swait.ge [sflag:s28], $0x1000  }
0xa2: {  	[sflag:s28] =	ssyncset.done $0x0  }
0xa3: {  	s18 =	simm.s32 $0x0;
	[sflag:s28] =	ssyncadd.s32 $0xFFFFF000  }
0xa4: {  	v4 =	vld [tilespmem:s18+$0xB730]  }
0xa5: {  	v3 =	vld [tilespmem:s18+$0xB740]  }
0xa6: {  	s19 =	simm.s32 $0x80;
	v5 =	vld [tilespmem:s18+$0xA730]  }
.LBB2_10:
0xa7: {  	p0 =	sne.s32 s19, $0x3F80;
	v6 =	vld [tilespmem:s18+$0xA740]  }
0xa8: {  	v7 =	vld [tilespmem:s18+$0xC730]  }
0xa9: {  	v8 =	vld [tilespmem:s18+$0xC740];
	_ =	sdelay $0x1  }
0xaa: {  	v4 =	vmul.f32 v4, v1;
	v5 =	vmul.f32 v5, v1  }
0xab: {  	v3 =	vmul.f32 v3, v1;
	v6 =	vmul.f32 v6, v1  }
0xac: {  	v4 =	vsub.f32 v5, v4;
	v5 =	vmul.f32 v7, v2  }
.Ltmp3:
0xad: {  	v3 =	vsub.f32 v6, v3;
	v6 =	vmul.f32 v8, v2;
	(pc) =	sbr.rel @p0 .LBB2_10-.Ltmp3, $4  }
0xae: {  	s20 =	sshra.s32 s19, $0x2;
	v5 =	vsub.f32 v4, v5  }
0xaf: {  	v4 =	vld [tilespmem:s20+$0xB730];
	v6 =	vsub.f32 v3, v6  }
0xb0: {  	v3 =	vld [tilespmem:s20+$0xB740];
	[tilespmem:s18+$0xA730] =	vst v5  }
0xb1: {  	s19 =	sadd.s32 $0x80, s19;
	v5 =	vld [tilespmem:s20+$0xA730];
	[tilespmem:s18+$0xA740] =	vst v6;
	s18 =	smov.u32 s20  }
0xb2: {  	v6 =	vld [tilespmem:s18+$0xA740]  }
0xb3: {  	v7 =	vld [tilespmem:s18+$0xC730]  }
0xb4: {  	v8 =	vld [tilespmem:s18+$0xC740];
	_ =	sdelay $0x1  }
0xb5: {  	v4 =	vmul.f32 v4, v1;
	v5 =	vmul.f32 v5, v1  }
0xb6: {  	v3 =	vmul.f32 v3, v1;
	v6 =	vmul.f32 v6, v1  }
0xb7: {  	v62 =	vmul.f32 v7, v2;
	v4 =	vsub.f32 v5, v4  }
0xb8: {  	v63 =	vmul.f32 v8, v2;
	v3 =	vsub.f32 v6, v3  }
0xb9: {  	v4 =	vsub.f32 v4, v62  }
0xba: {  	s17 =	sadd.s32 s17, s14;
	s16 =	sadd.s32 $0x1, s16;
	v3 =	vsub.f32 v3, v63  }
0xbb: {  	s17 =	sshrl.u32 s17, $0x3;
	p0 =	sne.s32 s16, $0x5;
	[tilespmem:s18+$0xA730] =	vst v4  }
.Ltmp4:
0xbc: {  	s17 =	sadd.s32 s5, s17;
	[tilespmem:s18+$0xA740] =	vst v3;
	(pc) =	sbr.rel @p0 .LBB2_9-.Ltmp4, $4  }
0xbd: {  	[hbm4b:s17+s3] =	stream.linear.scatter [tilespmem:s31], [sflag:$0x1], $0x1000, $0x38;
	[tilespmem:$0x12730] =	vst v63  }
0xbe: {  	_ =	swait.ge [sflag:s28], $0x1000  }
0xbf: {  	[sflag:s28] =	ssyncset.done $0x0  }
0xc0: {  	[sflag:s28] =	ssyncadd.s32 $0xFFFFF000  }
0xc1: {  	p0 =	sne.s32 s13, $0x18  }
.Ltmp5:
0xc2: {  	_ = 	snop;
	(pc) =	sbr.rel @p0 .LBB2_2-.Ltmp5, $3  }
0xc3: {  	_ =	sdelay $0x1  }
0xc4: {  	[bflag:$0x0] =	sbarrier.arrive $0xFFFF  }
0xc5: {  	s12 =	smov.u32 s13  }
0xc6: {  	s8 =	sadd.s32 $0x1, s8;
	s9 =	rddreg [dreg:$0x6]  }
0xc7: {  	p0 =	sne.s32 s8, s9  }
.Ltmp6:
0xc8: {  	_ = 	snop;
	(pc) =	sbr.rel @p0 .LBB2_1-.Ltmp6, $1  }
0xc9: {  	_ =	sdelay $0x3  }
0xca: {  	_ =	sfence.sel $0x180000  }
0xcb: {  	[bflag:$0x0] =	sbarrier.arrive $0xFFFF  }
0xcc: {  	_ =	strace $0x90000047  }
0xcd: {  	s0 =	stileid.u32;
	[bflag:$0x2] =	sbarrier.arrive $0xFFFF  }
0xce: {  	p0 =	sne.s32 s0, $0x0;
	s0 =	rddreg [dreg:$0x2]  }
0xcf: {  	s0 =	sadd.s32 @!p0 $0x100000, s0  }
0xd0: {  	[sflag:s0] =	ssyncadd.tile.s32 @!p0 $0x1;
	_ =	shalt  }
.Lfunc_end2:
_tile_overlayer_lowered:
.L_overlay_start_2:
0xd1: {  	(tag) =	ssettag $0x2  }
0xd2: {  	s0 =	rddreg [dreg:$0x0];
	s2 =	stileid.u32  }
0xd3: {  	s1 =	rddreg [dreg:$0x1];
	p0 =	sne.s32 s2, $0x0  }
0xd4: {  	s3 =	rddreg [dreg:$0x2];
	[bflag:$0x3] =	sbarrier.arrive $0xFFFF;
	s2 =	simm.s32 @!p0 $0x1C01  }
0xd5: {  	[timem:s3], [sflag:s2] =	dma.local @!p0 [hbm:s0], s1  }
0xd6: {  	s0 =	simm.s32 @!p0 $0x1  }
0xd7: {  	_ =	swait.ge @!p0 [sflag:s0], s1  }
0xd8: {  	s1 =	ssub.s32 @!p0 $0x0, s1;
	[sflag:s0] =	ssyncset.done @!p0 $0x0  }
0xd9: {  	[sflag:s0] =	ssyncadd.s32 @!p0 s1  }
0xda: {  	[bflag:$0x3] =	sbarrier.arrive $0xFFFF  }
0xdb: {  	_ =	shalt  }

// kernel: sparse-core-data-format-call.1.cloned.1.call-start
scs
called_computation.1_lowered:
.L_overlay_start_0:
0x0: {  	s1 =	sld [smem:$0x3FD9]  }
0x1: {  	s2 =	sld [smem:$0x3FFE];
	_ =	sdelay $0x1  }
0x2: {  	s3 =	srdreg.scid  }
0x3: {  	s0 =	sand.u32 $0x1, s3  }
0x4: {  	s17 =	sshll.u32 s0, $0xA;
	s1 =	sadd.s32 s2, s1  }
0x5: {  	s1 =	sadd.s32 s1, s17  }
0x6: {  	[smem:$0x3FB9] =	sst s1  }
0x7: {  	_ = 	snop  }
0x8: {  	(tm) =	ssettm $0x1  }
0x9: {  	s18 =	sld [smem:$0x3FFB];
	_ =	sdelay $0x3  }
0xa: {  	_ =	strace s18  }
0xb: {  	s1 =	sld [smem:$0x3FFC];
	_ =	sdelay $0x3  }
0xc: {  	_ =	strace s1  }
0xd: {  	s1 =	sld [smem:$0x3FFD];
	_ =	sdelay $0x3  }
0xe: {  	_ =	strace s1  }
0xf: {  	_ =	strace $0x8FFFFFFF  }
0x10: {  	s19 =	sld [smem:$0x3FDB];
	_ =	sdelay $0x1  }
0x11: {  	s20 =	simm.s32 $_scs_section_size  }
0x12: {  	s4 =	simm.s32 $_size__tile_overlayer_lowered;
	s5 =	simm.s32 $_tile_overlayer_lowered  }
0x13: {  	s23 =	simm.s32 $0x1BFF;
	s22 =	sshll.u32 s5, $0x1;
	s1 =	sadd.s32 s20, s19  }
0x14: {  	s6 =	simm.s32 $0x0;
	s21 =	sshll.u32 s4, $0x1;
	s4 =	sadd.s32 s22, s1  }
0x15: {  	[timem:s6], [sflag:s23] =	dma.local [hbm:s4], s21  }
0x16: {  	_ =	swait.ge [sflag:s23], s21  }
0x17: {  	s2 =	ssub.s32 $0x0, s21;
	[sflag:s23] =	ssyncset.done $0x0  }
0x18: {  	[sflag:s23] =	ssyncadd.s32 s2;
	_ =	sdelay $0x1  }
0x19: {  	s24 =	simm.s32 $0x1B8B  }
0x1a: {  	_ =	swait.ge [sflag:s24], $0x1  }
0x1b: {  	[sflag:s24] =	ssyncset.done $0x0  }
0x1c: {  	s26 =	simm.s32 $0x1B8E;
	s25 =	sld [smem:$0x3FFE];
	[sflag:s24] =	ssyncadd.s32 $0xFFFFFFFF  }
0x1d: {  	s27 =	simm.s32 $execute0_lowered;
	[smem:$0x3FD2] =	sst s26  }
0x1e: {  	s4 =	sshll.u32 s27, $0x1;
	_ =	strace $0x80000052;
	[dreg:$0x1] =	wrdreg $0xFFFFFFFF  }
0x1f: {  	s28 =	simm.s32 $_size_execute0_lowered;
	s1 =	sadd.s32 s1, s4;
	[dreg:$0x0] =	wrdreg $0x0  }
0x20: {  	s4 =	sshll.u32 s28, $0x1;
	[dreg:$0x2] =	wrdreg s1  }
0x21: {  	[dreg:$0x3] =	wrdreg s4  }
0x22: {  	[dreg:$0x4] =	wrdreg $0xC0  }
0x23: {  	_ =	task [dreg:s6], $0x5FFFF  }
0x24: {  	[dreg:$0x1] =	wrdreg $0xFFFFFFFF  }
0x25: {  	[dreg:$0x0] =	wrdreg $0x60  }
0x26: {  	[dreg:$0x2] =	wrdreg s25  }
0x27: {  	[dreg:$0x3] =	wrdreg $0x9  }
0x28: {  	_ =	task.clear_ibuf [dreg:s6], $0x4FFFF;
	_ =	strace $0x90000052  }
0x29: {  	s29 =	simm.s32 $0x9;
	_ =	strace $0x80000054  }
0x2a: {  	_ =	swait.ge [sflag:s29], $0x1  }
0x2b: {  	[sflag:s29] =	ssyncadd.s32 $0xFFFFFFFF  }
0x2c: {  	_ =	strace $0x90000054  }
0x2d: {  	_ =	sfence  }
0x2e: {  	s30 =	sld [smem:$0x0];
	_ =	sdelay $0x2  }
0x2f: {  	s31 =	sshll.u32 s3, $0xD;
	s3 =	sshrl.u32 s3, $0x2  }
0x30: {  	s2 =	sand.u32 $0x4000, s31;
	s1 =	sadd.s32 s3, s30  }
0x31: {  	s0 =	sor.u32 s2, s0;
	s1 =	sshll.u32 s1, $0x11  }
0x32: {  	s0 =	sor.u32 s1, s0  }
0x33: {  	s0 =	sadd.s32 $0x8F2B, s0  }
0x34: {  	[sflag:s0] =	ssyncadd.remote.s32 $0x1  }
0x35: {  	_ =	sfence.sel $0xFFFF  }
0x36: {  	[dreg:$0x0] =	wrdreg $0xFFFFFFFF;
	(pc) =	sbr.abs _section_cstart, $3  }
0x37: {  	[dreg:$0x1] =	wrdreg $0xFFFFFFFF  }
0x38: {  	_ =	task.clear_ibuf [dreg:s6], $0x2FFFF;
	_ =	strace $0x9FFFFFFF  }
0x39: {  	(tm) =	ssettm $0x7FFFFFFF  }
tec
execute0_lowered:
.L_overlay_start_1:
0x0: {  	(tag) =	ssettag $0x1  }
0x1: {  	s0 =	stileid.u32  }
0x2: {  	s3 =	srdreg.scid;
	s8 =	rddreg [dreg:$0x0]  }
0x3: {  	s9 =	simm.s32 $0x2;
	s19 =	simm.s32 $0x0;
	p0 =	por $0x0, $0x0  }
0x4: {  	s1 =	sand.u32 $0x7, s0;
	s2 =	sshrl.u32 s0, $0x3;
	s3 =	sshll.u32 s3, $0x7  }
0x5: {  	s3 =	sand.u32 $0x80, s3;
	s4 =	ssub.s32 $0x20, s1;
	s5 =	ssub.s32 $0x2, s2  }
0x6: {  	s6 =	sshrl.u32 s5, $0x1;
	s5 =	sand.u32 $0x1, s5;
	s7 =	ssub.s32 $0x100, s3  }
0x7: {  	s4 =	sshrl.u32 s4, $0x3;
	s5 =	sadd.s32 s5, s6;
	s31 =	sshrl.u32 s7, $0x7  }
0x8: {  	s7 =	sshrl.u32 s7, $0x8;
	s6 =	sand.u32 $0x1, s31;
	s5 =	smul.u32 s5, s4  }
0x9: {  	s11 =	simm.s32 $0xA000;
	s18 =	simm.s32 $0x0;
	s6 =	sadd.s32 s7, s6  }
0xa: {  	s16 =	simm.s32 $0x0;
	s17 =	simm.s32 $0x0;
	s7 =	smul.u32 s6, s5  }
.Ltmp0:
0xb: {  	s12 =	simm.s32 $0x0;
	s15 =	simm.s32 $0x0;
	(pc) =	sbr.rel .LBB1_1-.Ltmp0, $4  }
0xc: {  	s13 =	smov.u32 s2;
	s14 =	smov.u32 s1;
	s4 =	rddreg [dreg:$0x1]  }
0xd: {  	_ =	strace $0x80000053;
	s6 =	simm.s32 $0x1;
	s7 =	smul.u32 $0x28, s7  }
0xe: {  	s5 =	sadd.s32 $0xBB5800, s8;
	s8 =	sadd.s32 $0x1000, s8;
	[sflag:s6] =	ssyncpa.u1 $0x0  }
0xf: {  	[sflag:s9] =	ssyncpa.u1 $0x0;
	s9 =	sshll.u32 s3, $0x3;
	s10 =	sor.u32 $0x1, s7  }
.LBB1_4:
0x10: {  	s19 =	sshrl.u32 s19, $0x3  }
0x11: {  	s25 =	sshll.u32 s18, $0x3;
	s19 =	smul.u32 $0xA000, s19  }
0x12: {  	v5 =	vld [tilespmem:s23+$0xFFFFFFD0];
	[tilespmem:s22+$0x2040 ss:$0x81] =	vst.msk $0xffff, v4;
	s25 =	sand.u32 $0xFFFFFC00, s25  }
0x13: {  	s28 =	sand.u32 $0x7F, s18;
	v58 =	vld [tilespmem:s23+$0xFFFFFFE0];
	[tilespmem:s22+$0x2850 ss:$0x81] =	vst.msk $0xffff, v3;
	s19 =	sadd.s32 s25, s19  }
0x14: {  	s24 =	sshra.s32 s24, $0x2;
	v59 =	vld [tilespmem:s23+$0xFFFFFFF0];
	[tilespmem:s22+$0x3060 ss:$0x81] =	vst.msk $0xffff, v2;
	s18 =	sor.u32 s28, s19  }
0x15: {  	v60 =	vld [tilespmem:s23+$0x0];
	[tilespmem:s22+$0x0 ss:$0x81] =	vst.msk $0xffff, v0;
	s21 =	sadd.s32 s24, s21;
	s29 =	smulhi.u32 $0xCCCCCCCD, s18  }
0x16: {  	v61 =	vld [tilespmem:s23+$0x10];
	[tilespmem:s21+$0x3870 ss:$0x81] =	vst.msk $0xffff, v1;
	s19 =	smulhi.u32 $0xCCCCCCCD, s19  }
0x17: {  	v62 =	vld [tilespmem:s23+$0x20];
	s17 =	smul.u32 $0x50000, s17;
	[tilespmem:s21+$0x810 ss:$0x81] =	vst.msk $0xffff, v5;
	s30 =	sshrl.u32 s29, $0xC  }
0x18: {  	v63 =	vld [tilespmem:s23+$0xFFFFFFC0];
	[tilespmem:s21+$0x1020 ss:$0x81] =	vst.msk $0xffff, v58;
	s19 =	sshrl.u32 s19, $0xC;
	s22 =	smul.u32 $0x1400, s30  }
0x19: {  	s16 =	smul.u32 $0x28000, s16;
	[tilespmem:s21+$0x1830 ss:$0x81] =	vst.msk $0xffff, v59;
	s19 =	sand.u32 $0xFF, s19  }
0x1a: {  	s17 =	sadd.s32 s8, s17;
	[tilespmem:s21+$0x2040 ss:$0x81] =	vst.msk $0xffff, v60;
	s19 =	smul.u32 $0x280, s19;
	s18 =	ssub.s32 s18, s22  }
0x1b: {  	s16 =	sadd.s32 s16, s17;
	[tilespmem:s21+$0x2850 ss:$0x81] =	vst.msk $0xffff, v61;
	s31 =	sand.u32 $0x7, s18  }
0x1c: {  	[tilespmem:s21+$0x3060 ss:$0x81] =	vst.msk $0xffff, v62;
	s16 =	sadd.s32 s19, s16;
	s18 =	sshrl.u32 s18, $0x3;
	s17 =	sshll.u32 s31, $0x12  }
0x1d: {  	[tilespmem:s21+$0x0 ss:$0x81] =	vst.msk $0xffff, v63;
	s16 =	sadd.s32 s18, s16;
	s17 =	sor.u32 $0x400, s17  }
0x1e: {  	[hbm4b:s16+s17] =	stream.strided.scatter [tilespmem:s20], [sflag:$0x2], $0x4000, s11, s17, $0x20;
	[tilespmem:$0x10100] =	vst v63  }
.LBB1_5:
0x1f: {  	s20 =	sadd.s32 $0x80, s12  }
0x20: {  	s16 =	sadd.s32 $0x2, s13;
	s21 =	smov.u32 s13;
	p2 =	sgt.s32 s20, $0x13FF  }
0x21: {  	s21 =	smov.u32 @p2 s16  }
0x22: {  	s22 =	smov.u32 s14;
	s16 =	sadd.s32 $0x8, s14;
	p3 =	sgt.s32 s21, $0x1  }
0x23: {  	s22 =	smov.u32 @p3 s16  }
0x24: {  	s20 =	simm.s32 @p2 $0x0;
	p2 =	sgt.s32 s22, $0x18  }
0x25: {  	p1 =	slt.u32 s15, $0x2;
	s22 =	smov.u32 @p2 s1;
	p2 =	sne.s32 s15, s10  }
.Ltmp1:
0x26: {  	s18 =	smov.u32 s12;
	s19 =	simm.s32 @!p1 $0x2;
	(pc) =	sbr.rel @!p2 .LBB1_6-.Ltmp1, $4  }
0x27: {  	s17 =	smov.u32 s14;
	p0 =	por !p0, !p0;
	_ =	swait.ge @!p1 [sflag:s19], $0x4000  }
0x28: {  	[sflag:s19] =	ssyncset.done @!p1 $0x0;
	s12 =	smov.u32 s20;
	s21 =	smov.u32 @p3 s2  }
0x29: {  	s16 =	smov.u32 s13;
	[sflag:s19] =	ssyncadd.s32 @!p1 $0xFFFFC000;
	s19 =	smov.u32 s3  }
0x2a: {  	s13 =	smov.u32 s21;
	s15 =	sadd.s32 $0x1, s15;
	s14 =	smov.u32 s22  }
.LBB1_1:
0x2b: {  	p1 =	sge.u32 s15, s7  }
0x2c: {  	s20 =	sshll.u32 @!p1 s12, $0x8  }
0x2d: {  	s21 =	sshll.u32 @!p1 s12, $0x7;
	s20 =	sand.u32 @!p1 $0xFFFFF800, s20  }
0x2e: {  	s21 =	sand.u32 @!p1 $0x300, s21;
	s20 =	sor.u32 @!p1 s9, s20  }
0x2f: {  	s20 =	sor.u32 @!p1 s21, s20  }
0x30: {  	s20 =	sshrl.u32 @!p1 s20, $0x8  }
0x31: {  	s21 =	smulhi.u32 @!p1 $0xCCCCCD, s20;
	_ =	sdelay $0x1  }
0x32: {  	s22 =	smul.u32 @!p1 $0x50000, s14;
	s21 =	sshrl.u32 @!p1 s21, $0x4  }
0x33: {  	s21 =	smul.u32 @!p1 $0x1400, s21  }
0x34: {  	s31 =	sadd.s32 $0xFFFFFFFF, s15;
	s23 =	sxor.u32 @!p1 $0xFFFFFFFF, s15;
	s24 =	smul.u32 @!p1 $0x28000, s13  }
0x35: {  	s22 =	sadd.s32 @!p1 s5, s22;
	s20 =	ssub.s32 @!p1 s20, s21;
	s21 =	sshll.u32 @!p1 s12, $0x4  }
0x36: {  	s23 =	sshll.u32 @!p1 s23, $0xE;
	s22 =	sadd.s32 @!p1 s24, s22;
	s21 =	sand.u32 @!p1 $0x10, s21  }
0x37: {  	s23 =	sand.u32 @!p1 $0x4000, s23;
	s20 =	sshll.u32 @!p1 s20, $0x5;
	s21 =	sadd.s32 @!p1 s21, s22  }
0x38: {  	s22 =	simm.s32 @!p1 $0x800;
	s20 =	sadd.s32 @!p1 s20, s21;
	s21 =	simm.s32 @!p1 $0x400  }
0x39: {  	[tilespmem:s23], [sflag:$0x1] =	stream.strided.gather @!p1 [hbm4b:s20+s21], $0x4000, s22, s21, $0x38;
	[tilespmem:$0x10100] =	vst v63  }
0x3a: {  	p1 =	sge.u32 s31, s7  }
.Ltmp2:
0x3b: {  	_ = 	snop;
	(pc) =	sbr.rel @p1 .LBB1_5-.Ltmp2, $1  }
0x3c: {  	_ =	sdelay $0x3  }
0x3d: {  	s20 =	simm.s32 $0x1  }
0x3e: {  	_ =	swait.ge [sflag:s6], $0x4000;
	s20 =	simm.s32 @!p0 $0x0  }
0x3f: {  	[sflag:s6] =	ssyncset.done $0x0;
	s21 =	sshll.u32 s20, $0xE  }
0x40: {  	[sflag:s6] =	ssyncadd.s32 $0xFFFFC000;
	s23 =	sor.u32 $0x40, s21  }
0x41: {  	s20 =	smul.u32 $0x10200, s20;
	v0 =	vld [tilespmem:s23+$0x30]  }
0x42: {  	v1 =	vld [tilespmem:s23+$0xFFFFFFD0]  }
0x43: {  	s20 =	sshrl.u32 s20, $0x2;
	v5 =	vld [tilespmem:s23+$0xFFFFFFE0]  }
0x44: {  	v6 =	vld [tilespmem:s23+$0xFFFFFFF0];
	s21 =	sor.u32 $0x8000, s20  }
0x45: {  	s31 =	sand.u32 $0x1, s15;
	v4 =	vld [tilespmem:s23+$0x0];
	s22 =	sadd.s32 $0x0, s21  }
0x46: {  	v3 =	vld [tilespmem:s23+$0x10];
	s20 =	smul.u32 $0x10200, s31;
	[tilespmem:s22+$0x3870 ss:$0x81] =	vst.msk $0xffff, v0  }
0x47: {  	v2 =	vld [tilespmem:s23+$0x20];
	[tilespmem:s22+$0x810 ss:$0x81] =	vst.msk $0xffff, v1  }
0x48: {  	s20 =	sshrl.u32 s20, $0x2;
	v0 =	vld [tilespmem:s23+$0xFFFFFFC0];
	[tilespmem:s22+$0x1020 ss:$0x81] =	vst.msk $0xffff, v5;
	s23 =	sadd.s32 $0x80, s23  }
0x49: {  	s24 =	simm.s32 $0x4;
	s25 =	simm.s32 $0x8;
	s20 =	sor.u32 $0x8000, s20;
	[tilespmem:s22+$0x1830 ss:$0x81] =	vst.msk $0xffff, v6;
	v1 =	vld [tilespmem:s23+$0x30]  }
.LBB1_3:
0x4a: {  	p1 =	sne.s32 s25, $0x1FC;
	v5 =	vld [tilespmem:s23+$0xFFFFFFD0];
	[tilespmem:s22+$0x2040 ss:$0x81] =	vst.msk $0xffff, v4  }
0x4b: {  	v6 =	vld [tilespmem:s23+$0xFFFFFFE0];
	[tilespmem:s22+$0x2850 ss:$0x81] =	vst.msk $0xffff, v3  }
0x4c: {  	s26 =	sshra.s32 s24, $0x2;
	s24 =	smov.u32 s25;
	v7 =	vld [tilespmem:s23+$0xFFFFFFF0];
	[tilespmem:s22+$0x3060 ss:$0x81] =	vst.msk $0xffff, v2  }
.Ltmp3:
0x4d: {  	v4 =	vld [tilespmem:s23+$0x0];
	[tilespmem:s22+$0x0 ss:$0x81] =	vst.msk $0xffff, v0;
	s22 =	sadd.s32 s26, s21;
	(pc) =	sbr.rel @p1 .LBB1_3-.Ltmp3, $4  }
0x4e: {  	v3 =	vld [tilespmem:s23+$0x10];
	[tilespmem:s22+$0x3870 ss:$0x81] =	vst.msk $0xffff, v1  }
0x4f: {  	[tilespmem:s22+$0x810 ss:$0x81] =	vst.msk $0xffff, v5;
	v2 =	vld [tilespmem:s23+$0x20]  }
0x50: {  	v0 =	vld [tilespmem:s23+$0xFFFFFFC0];
	[tilespmem:s22+$0x1020 ss:$0x81] =	vst.msk $0xffff, v6;
	s23 =	sadd.s32 $0x80, s23  }
0x51: {  	s25 =	sadd.s32 $0x4, s25;
	v1 =	vld [tilespmem:s23+$0x30];
	[tilespmem:s22+$0x1830 ss:$0x81] =	vst.msk $0xffff, v7  }
.Ltmp4:
0x52: {  	_ = 	snop;
	(pc) =	sbr.rel .LBB1_4-.Ltmp4, $1  }
0x53: {  	_ =	sdelay $0x3  }
.LBB1_6:
0x54: {  	_ =	sfence.sel $0x180000  }
0x55: {  	s1 =	simm.s32 $0x1;
	[bflag:$0x0] =	sbarrier.arrive $0xFFFF  }
0x56: {  	s31 =	simm.s32 $0x2;
	[sflag:s1] =	ssyncpa.u1 $0x1  }
0x57: {  	[sflag:s31] =	ssyncpa.u1 $0x1  }
0x58: {  	p0 =	sne.s32 s0, $0x0;
	_ =	strace $0x90000053  }
0x59: {  	s0 =	sadd.s32 @!p0 $0x100000, s4;
	[bflag:$0x2] =	sbarrier.arrive $0xFFFF  }
0x5a: {  	[sflag:s0] =	ssyncadd.tile.s32 @!p0 $0x1;
	_ =	shalt  }
.Lfunc_end1:
_tile_overlayer_lowered:
.L_overlay_start_2:
0x5b: {  	(tag) =	ssettag $0x2  }
0x5c: {  	s0 =	rddreg [dreg:$0x0];
	s2 =	stileid.u32  }
0x5d: {  	s1 =	rddreg [dreg:$0x1];
	p0 =	sne.s32 s2, $0x0  }
0x5e: {  	s3 =	rddreg [dreg:$0x2];
	[bflag:$0x3] =	sbarrier.arrive $0xFFFF;
	s2 =	simm.s32 @!p0 $0x1C01  }
0x5f: {  	[timem:s3], [sflag:s2] =	dma.local @!p0 [hbm:s0], s1  }
0x60: {  	s0 =	simm.s32 @!p0 $0x1  }
0x61: {  	_ =	swait.ge @!p0 [sflag:s0], s1  }
0x62: {  	s1 =	ssub.s32 @!p0 $0x0, s1;
	[sflag:s0] =	ssyncset.done @!p0 $0x0  }
0x63: {  	[sflag:s0] =	ssyncadd.s32 @!p0 s1  }
0x64: {  	[bflag:$0x3] =	sbarrier.arrive $0xFFFF  }
0x65: {  	_ =	shalt  }

// kernel: sparse-core-data-format-call.2.cloned.1.call-start
scs
called_computation.2_lowered:
.L_overlay_start_0:
0x0: {  	s1 =	sld [smem:$0x3FD9]  }
0x1: {  	s2 =	sld [smem:$0x3FFE];
	_ =	sdelay $0x1  }
0x2: {  	s3 =	srdreg.scid  }
0x3: {  	s0 =	sand.u32 $0x1, s3  }
0x4: {  	s17 =	sshll.u32 s0, $0xA;
	s1 =	sadd.s32 s2, s1  }
0x5: {  	s1 =	sadd.s32 s1, s17  }
0x6: {  	[smem:$0x3FB9] =	sst s1  }
0x7: {  	_ = 	snop  }
0x8: {  	(tm) =	ssettm $0x1  }
0x9: {  	s18 =	sld [smem:$0x3FFB];
	_ =	sdelay $0x3  }
0xa: {  	_ =	strace s18  }
0xb: {  	s1 =	sld [smem:$0x3FFC];
	_ =	sdelay $0x3  }
0xc: {  	_ =	strace s1  }
0xd: {  	s1 =	sld [smem:$0x3FFD];
	_ =	sdelay $0x3  }
0xe: {  	_ =	strace s1  }
0xf: {  	_ =	strace $0x8FFFFFFF  }
0x10: {  	s19 =	sld [smem:$0x3FDB];
	_ =	sdelay $0x1  }
0x11: {  	s20 =	simm.s32 $_scs_section_size  }
0x12: {  	s4 =	simm.s32 $_size__tile_overlayer_lowered;
	s5 =	simm.s32 $_tile_overlayer_lowered  }
0x13: {  	s23 =	simm.s32 $0x1BFF;
	s22 =	sshll.u32 s5, $0x1;
	s1 =	sadd.s32 s20, s19  }
0x14: {  	s6 =	simm.s32 $0x0;
	s21 =	sshll.u32 s4, $0x1;
	s4 =	sadd.s32 s22, s1  }
0x15: {  	[timem:s6], [sflag:s23] =	dma.local [hbm:s4], s21  }
0x16: {  	_ =	swait.ge [sflag:s23], s21  }
0x17: {  	s2 =	ssub.s32 $0x0, s21;
	[sflag:s23] =	ssyncset.done $0x0  }
0x18: {  	[sflag:s23] =	ssyncadd.s32 s2;
	_ =	sdelay $0x1  }
0x19: {  	s24 =	simm.s32 $0x1B8B  }
0x1a: {  	_ =	swait.ge [sflag:s24], $0x1  }
0x1b: {  	[sflag:s24] =	ssyncset.done $0x0  }
0x1c: {  	s26 =	simm.s32 $0x1B8E;
	s25 =	sld [smem:$0x3FFE];
	[sflag:s24] =	ssyncadd.s32 $0xFFFFFFFF  }
0x1d: {  	s27 =	simm.s32 $execute0_lowered;
	[smem:$0x3FD2] =	sst s26  }
0x1e: {  	s4 =	sshll.u32 s27, $0x1;
	_ =	strace $0x8000004C;
	[dreg:$0x1] =	wrdreg $0xFFFFFFFF  }
0x1f: {  	s28 =	simm.s32 $_size_execute0_lowered;
	s1 =	sadd.s32 s1, s4;
	[dreg:$0x0] =	wrdreg $0x0  }
0x20: {  	s4 =	sshll.u32 s28, $0x1;
	[dreg:$0x2] =	wrdreg s1  }
0x21: {  	[dreg:$0x3] =	wrdreg s4  }
0x22: {  	[dreg:$0x4] =	wrdreg $0xC0  }
0x23: {  	_ =	task [dreg:s6], $0x5FFFF  }
0x24: {  	[dreg:$0x1] =	wrdreg $0xFFFFFFFF  }
0x25: {  	[dreg:$0x0] =	wrdreg $0x60  }
0x26: {  	[dreg:$0x2] =	wrdreg s25  }
0x27: {  	[dreg:$0x3] =	wrdreg $0x9  }
0x28: {  	_ =	task.clear_ibuf [dreg:s6], $0x4FFFF;
	_ =	strace $0x9000004C  }
0x29: {  	s29 =	simm.s32 $0x9;
	_ =	strace $0x8000004E  }
0x2a: {  	_ =	swait.ge [sflag:s29], $0x1  }
0x2b: {  	[sflag:s29] =	ssyncadd.s32 $0xFFFFFFFF  }
0x2c: {  	_ =	strace $0x9000004E  }
0x2d: {  	_ =	sfence  }
0x2e: {  	s30 =	sld [smem:$0x0];
	_ =	sdelay $0x2  }
0x2f: {  	s31 =	sshll.u32 s3, $0xD;
	s3 =	sshrl.u32 s3, $0x2  }
0x30: {  	s2 =	sand.u32 $0x4000, s31;
	s1 =	sadd.s32 s3, s30  }
0x31: {  	s0 =	sor.u32 s2, s0;
	s1 =	sshll.u32 s1, $0x11  }
0x32: {  	s0 =	sor.u32 s1, s0  }
0x33: {  	s0 =	sadd.s32 $0x8F2B, s0  }
0x34: {  	[sflag:s0] =	ssyncadd.remote.s32 $0x1  }
0x35: {  	_ =	sfence.sel $0xFFFF  }
0x36: {  	[dreg:$0x0] =	wrdreg $0xFFFFFFFF;
	(pc) =	sbr.abs _section_cstart, $3  }
0x37: {  	[dreg:$0x1] =	wrdreg $0xFFFFFFFF  }
0x38: {  	_ =	task.clear_ibuf [dreg:s6], $0x2FFFF;
	_ =	strace $0x9FFFFFFF  }
0x39: {  	(tm) =	ssettm $0x7FFFFFFF  }
tec
execute0_lowered:
.L_overlay_start_1:
0x0: {  	(tag) =	ssettag $0x1  }
0x1: {  	s0 =	srdreg.scid;
	s10 =	rddreg [dreg:$0x0]  }
0x2: {  	s3 =	simm.s32 $0x1;
	s6 =	simm.s32 $0x2;
	s19 =	simm.s32 $0x0  }
0x3: {  	s11 =	simm.s32 $0x13C00;
	s12 =	simm.s32 $0x0;
	s21 =	simm.s32 $0x0  }
0x4: {  	s18 =	simm.s32 $0x0;
	s20 =	simm.s32 $0x0;
	s1 =	sshll.u32 s0, $0x4  }
0x5: {  	s13 =	simm.s32 $0x0;
	s0 =	stileid.u32;
	s1 =	sand.u32 $0x10, s1  }
0x6: {  	s15 =	simm.s32 $0x0;
	s16 =	simm.s32 $0x0;
	s1 =	sor.u32 s0, s1  }
0x7: {  	s17 =	simm.s32 $0x0;
	s5 =	sadd.s32 $0x1000, s10;
	s2 =	sshll.u32 s1, $0x7  }
.Ltmp0:
0x8: {  	s8 =	sadd.s32 $0x7C700, s10;
	s4 =	ssub.s32 $0x2700, s2;
	(pc) =	sbr.rel .LBB1_1-.Ltmp0, $4  }
0x9: {  	s1 =	rddreg [dreg:$0x1];
	_ =	strace $0x8000004D;
	s4 =	sshrl.u32 s4, $0xC  }
0xa: {  	s9 =	sadd.s32 $0xF7E00, s10;
	[sflag:s3] =	ssyncpa.u1 $0x0;
	s7 =	smul.u32 $0x19, s4  }
0xb: {  	s14 =	smov.u32 s2;
	[sflag:s6] =	ssyncpa.u1 $0x0;
	s4 =	sadd.s32 $0x1F5000, s10  }
0xc: {  	s10 =	sadd.s32 $0x173500, s10;
	s6 =	sadd.s32 $0x19, s7;
	s7 =	sadd.s32 $0x1A, s7  }
.LBB1_7:
0xd: {  	s22 =	sadd.s32 $0x1000, s14  }
0xe: {  	s18 =	sadd.s32 $0x10, s13;
	s23 =	smov.u32 s13;
	p1 =	sgt.s32 s22, $0x270F  }
0xf: {  	s23 =	smov.u32 @p1 s18  }
0x10: {  	s24 =	smov.u32 s15;
	s18 =	sadd.s32 $0x4, s15;
	p2 =	sgt.s32 s23, $0xF  }
0x11: {  	s24 =	smov.u32 @p2 s18  }
0x12: {  	s18 =	simm.s32 $0x1;
	p3 =	sgt.s32 s24, $0x3  }
0x13: {  	s18 =	simm.s32 @!p3 $0x0  }
0x14: {  	p0 =	slt.u32 s17, $0x2;
	s26 =	sadd.s32 s18, s16  }
0x15: {  	s19 =	smov.u32 s14;
	s22 =	smov.u32 @p1 s2;
	p1 =	sgt.s32 s26, $0x18  }
0x16: {  	s25 =	simm.s32 @!p0 $0x2;
	s26 =	simm.s32 @p1 $0x0;
	p1 =	sne.s32 s17, s7  }
.Ltmp1:
0x17: {  	s21 =	smov.u32 s13;
	_ =	swait.ge @!p0 [sflag:s25], $0x2000;
	(pc) =	sbr.rel @!p1 .LBB1_8-.Ltmp1, $4  }
0x18: {  	s20 =	smov.u32 s16;
	s12 =	sadd.s32 $0x2000, s12;
	[sflag:s25] =	ssyncset.done @!p0 $0x0  }
0x19: {  	s14 =	smov.u32 s22;
	s23 =	simm.s32 @p2 $0x0;
	[sflag:s25] =	ssyncadd.s32 @!p0 $0xFFFFE000  }
0x1a: {  	s13 =	smov.u32 s23;
	s24 =	simm.s32 @p3 $0x0;
	s18 =	smov.u32 s15  }
0x1b: {  	s15 =	smov.u32 s24;
	s17 =	sadd.s32 $0x1, s17;
	s16 =	smov.u32 s26  }
.LBB1_1:
0x1c: {  	p0 =	sge.u32 s17, s6  }
0x1d: {  	s22 =	sshrl.u32 @!p0 s13, $0x3  }
0x1e: {  	s23 =	sshll.u32 @!p0 s14, $0x3;
	s22 =	smul.u32 @!p0 $0x13C00, s22  }
0x1f: {  	s24 =	sshll.u32 @!p0 s13, $0x7;
	s23 =	sand.u32 @!p0 $0xFFFFFC00, s23  }
0x20: {  	s22 =	sadd.s32 @!p0 s22, s23;
	s23 =	sand.u32 @!p0 $0x380, s24  }
0x21: {  	s24 =	sand.u32 @!p0 $0x7F, s14;
	s22 =	sor.u32 @!p0 s23, s22  }
0x22: {  	s23 =	sor.u32 @!p0 s24, s22  }
0x23: {  	s24 =	smulhi.u32 @!p0 $0xCF6474A9, s23  }
0x24: {  	s22 =	smulhi.u32 @!p0 $0xCF6474A9, s22  }
0x25: {  	s26 =	smul.u32 @!p0 $0x13C00, s16;
	s24 =	sshrl.u32 @!p0 s24, $0xD  }
0x26: {  	s25 =	sxor.u32 @!p0 $0xFFFFFFFF, s17;
	s22 =	sshrl.u32 @!p0 s22, $0xD;
	s24 =	smul.u32 @!p0 $0x2780, s24  }
0x27: {  	s27 =	smul.u32 @!p0 $0x4F00, s15;
	s25 =	sshll.u32 @!p0 s25, $0xD;
	s22 =	sand.u32 @!p0 $0xF, s22  }
0x28: {  	s22 =	smul.u32 @!p0 $0x4F0, s22;
	s23 =	ssub.s32 @!p0 s23, s24;
	s24 =	sadd.s32 @!p0 s4, s26  }
0x29: {  	s25 =	sand.u32 @!p0 $0x2000, s25;
	s24 =	sadd.s32 @!p0 s27, s24;
	s26 =	sand.u32 @!p0 $0x7, s23  }
0x2a: {  	s23 =	sshrl.u32 @!p0 s23, $0x3;
	s22 =	sadd.s32 @!p0 s22, s24;
	s24 =	sshll.u32 @!p0 s26, $0x12  }
0x2b: {  	s22 =	sadd.s32 @!p0 s23, s22;
	s23 =	sor.u32 @!p0 $0x400, s24;
	s24 =	simm.s32 @!p0 $0x13C00  }
0x2c: {  	[tilespmem:s25], [sflag:$0x1] =	stream.strided.gather @!p0 [hbm4b:s22+s23], $0x2000, s24, s23, $0x38;
	[tilespmem:$0x8000] =	vst v63  }
0x2d: {  	p0 =	seq.s32 s17, $0x0  }
0x2e: {  	p1 =	sge.u32 @!p0 s17, s7  }
0x2f: {  	p0 =	por p0, p1  }
.Ltmp2:
0x30: {  	_ = 	snop;
	(pc) =	sbr.rel @p0 .LBB1_7-.Ltmp2, $1  }
0x31: {  	_ =	sdelay $0x3  }
0x32: {  	s22 =	sand.u32 $0x2000, s12  }
0x33: {  	_ =	swait.ge [sflag:s3], $0x2000;
	s23 =	sshll.u32 s17, $0xD;
	s24 =	sor.u32 $0x4040, s22  }
0x34: {  	s25 =	sor.u32 $0x40, s22;
	[sflag:s3] =	ssyncset.done $0x0;
	s22 =	sand.u32 $0x2000, s23  }
0x35: {  	s26 =	simm.s32 $0x0;
	[sflag:s3] =	ssyncadd.s32 $0xFFFFE000;
	s23 =	sor.u32 $0x4000, s22  }
.LBB1_3:
0x36: {  	v1 =	vmov s25;
	_ =	sdelay $0x3  }
0x37: {  	s27 =	simm.s32 $0x0  }
0x38: {  	v7 =	vld.idx.msk [tilespmem:v1+s27+$0x30 ss:$0x1], $0xffff  }
0x39: {  	v0 =	vmov s24;
	v8 =	vld.idx.msk [tilespmem:v1+s27+$0xFFFFFFC0 ss:$0x1], $0xffff  }
0x3a: {  	v6 =	vld.idx.msk [tilespmem:v1+s27+$0xFFFFFFD0 ss:$0x1], $0xffff  }
0x3b: {  	v5 =	vld.idx.msk [tilespmem:v1+s27+$0xFFFFFFE0 ss:$0x1], $0xffff  }
0x3c: {  	v4 =	vld.idx.msk [tilespmem:v1+s27+$0xFFFFFFF0 ss:$0x1], $0xffff  }
0x3d: {  	v2 =	vld.idx.msk [tilespmem:v1+s27+$0x0 ss:$0x1], $0xffff  }
0x3e: {  	v3 =	vld.idx.msk [tilespmem:v1+s27+$0x10 ss:$0x1], $0xffff;
	[tilespmem:v0+s27+$0x30 ss:$0x1] =	vst.idx.msk $0xffff, v7  }
0x3f: {  	s28 =	simm.s32 $0x80;
	s29 =	simm.s32 $0x400;
	[tilespmem:v0+s27+$0xFFFFFFC0 ss:$0x1] =	vst.idx.msk $0xffff, v8;
	v7 =	vld.idx.msk [tilespmem:v1+s27+$0x20 ss:$0x1], $0xffff  }
.LBB1_4:
0x40: {  	p0 =	sne.s32 s29, $0x1E00;
	v8 =	vld.idx.msk [tilespmem:v1+s28+$0x30 ss:$0x1], $0xffff;
	[tilespmem:v0+s27+$0xFFFFFFD0 ss:$0x1] =	vst.idx.msk $0xffff, v6  }
0x41: {  	v9 =	vld.idx.msk [tilespmem:v1+s28+$0xFFFFFFC0 ss:$0x1], $0xffff;
	[tilespmem:v0+s27+$0xFFFFFFE0 ss:$0x1] =	vst.idx.msk $0xffff, v5  }
0x42: {  	v6 =	vld.idx.msk [tilespmem:v1+s28+$0xFFFFFFD0 ss:$0x1], $0xffff;
	[tilespmem:v0+s27+$0xFFFFFFF0 ss:$0x1] =	vst.idx.msk $0xffff, v4  }
.Ltmp3:
0x43: {  	v5 =	vld.idx.msk [tilespmem:v1+s28+$0xFFFFFFE0 ss:$0x1], $0xffff;
	[tilespmem:v0+s27+$0x0 ss:$0x1] =	vst.idx.msk $0xffff, v2;
	(pc) =	sbr.rel @p0 .LBB1_4-.Ltmp3, $4  }
0x44: {  	v4 =	vld.idx.msk [tilespmem:v1+s28+$0xFFFFFFF0 ss:$0x1], $0xffff;
	[tilespmem:v0+s27+$0x10 ss:$0x1] =	vst.idx.msk $0xffff, v3  }
0x45: {  	v2 =	vld.idx.msk [tilespmem:v1+s28+$0x0 ss:$0x1], $0xffff;
	[tilespmem:v0+s27+$0x20 ss:$0x1] =	vst.idx.msk $0xffff, v7;
	s27 =	smov.u32 s28  }
0x46: {  	v3 =	vld.idx.msk [tilespmem:v1+s27+$0x10 ss:$0x1], $0xffff;
	[tilespmem:v0+s27+$0x30 ss:$0x1] =	vst.idx.msk $0xffff, v8  }
0x47: {  	s28 =	sshra.s32 s29, $0x2;
	s29 =	sadd.s32 $0x200, s29;
	[tilespmem:v0+s27+$0xFFFFFFC0 ss:$0x1] =	vst.idx.msk $0xffff, v9;
	v7 =	vld.idx.msk [tilespmem:v1+s27+$0x20 ss:$0x1], $0xffff  }
0x48: {  	_ =	sdelay $0x3  }
0x49: {  	[tilespmem:v0+s27+$0xFFFFFFD0 ss:$0x1] =	vst.idx.msk $0xffff, v6  }
0x4a: {  	v56 =	vld.idx.msk [tilespmem:v1+s28+$0x30 ss:$0x1], $0xffff;
	[tilespmem:v0+s27+$0xFFFFFFE0 ss:$0x1] =	vst.idx.msk $0xffff, v5  }
0x4b: {  	v57 =	vld.idx.msk [tilespmem:v1+s28+$0xFFFFFFC0 ss:$0x1], $0xffff;
	[tilespmem:v0+s27+$0xFFFFFFF0 ss:$0x1] =	vst.idx.msk $0xffff, v4  }
0x4c: {  	v58 =	vld.idx.msk [tilespmem:v1+s28+$0xFFFFFFD0 ss:$0x1], $0xffff;
	[tilespmem:v0+s27+$0x0 ss:$0x1] =	vst.idx.msk $0xffff, v2  }
0x4d: {  	v59 =	vld.idx.msk [tilespmem:v1+s28+$0xFFFFFFE0 ss:$0x1], $0xffff;
	[tilespmem:v0+s27+$0x10 ss:$0x1] =	vst.idx.msk $0xffff, v3  }
0x4e: {  	v60 =	vld.idx.msk [tilespmem:v1+s28+$0xFFFFFFF0 ss:$0x1], $0xffff;
	[tilespmem:v0+s27+$0x20 ss:$0x1] =	vst.idx.msk $0xffff, v7  }
0x4f: {  	v61 =	vld.idx.msk [tilespmem:v1+s28+$0x0 ss:$0x1], $0xffff;
	[tilespmem:v0+s28+$0x30 ss:$0x1] =	vst.idx.msk $0xffff, v56  }
0x50: {  	v62 =	vld.idx.msk [tilespmem:v1+s28+$0x10 ss:$0x1], $0xffff;
	s26 =	sadd.s32 $0x1, s26;
	[tilespmem:v0+s28+$0xFFFFFFC0 ss:$0x1] =	vst.idx.msk $0xffff, v57  }
0x51: {  	v63 =	vld.idx.msk [tilespmem:v1+s28+$0x20 ss:$0x1], $0xffff;
	p0 =	sne.s32 s26, $0x4;
	[tilespmem:v0+s28+$0xFFFFFFD0 ss:$0x1] =	vst.idx.msk $0xffff, v58  }
.Ltmp4:
0x52: {  	[tilespmem:v0+s28+$0xFFFFFFE0 ss:$0x1] =	vst.idx.msk $0xffff, v59;
	(pc) =	sbr.rel @p0 .LBB1_3-.Ltmp4, $4  }
0x53: {  	[tilespmem:v0+s28+$0xFFFFFFF0 ss:$0x1] =	vst.idx.msk $0xffff, v60  }
0x54: {  	[tilespmem:v0+s28+$0x0 ss:$0x1] =	vst.idx.msk $0xffff, v61  }
0x55: {  	[tilespmem:v0+s28+$0x10 ss:$0x1] =	vst.idx.msk $0xffff, v62  }
0x56: {  	s24 =	sadd.s32 $0x800, s24;
	s25 =	sadd.s32 $0x800, s25;
	[tilespmem:v0+s28+$0x20 ss:$0x1] =	vst.idx.msk $0xffff, v63  }
0x57: {  	s24 =	sshrl.u32 s21, $0x3  }
0x58: {  	s25 =	sshll.u32 s19, $0x3;
	s24 =	smul.u32 $0x13C00, s24  }
0x59: {  	s29 =	sshll.u32 s21, $0x7;
	s25 =	sand.u32 $0xFFFFFC00, s25  }
0x5a: {  	s21 =	sand.u32 $0x380, s29;
	s24 =	sadd.s32 s24, s25  }
0x5b: {  	s30 =	sand.u32 $0x7F, s19;
	s21 =	sor.u32 s21, s24  }
0x5c: {  	s19 =	sor.u32 s30, s21  }
0x5d: {  	s31 =	smulhi.u32 $0xCF6474A9, s19  }
0x5e: {  	s21 =	smulhi.u32 $0xCF6474A9, s21  }
0x5f: {  	s20 =	smul.u32 $0x4F00, s20;
	s24 =	sshrl.u32 s31, $0xD  }
0x60: {  	s21 =	sshrl.u32 s21, $0xD;
	s24 =	smul.u32 $0x2780, s24  }
0x61: {  	s18 =	smul.u32 $0x7B700, s18;
	s21 =	sand.u32 $0xF, s21  }
0x62: {  	s25 =	sadd.s32 s5, s20;
	s21 =	smul.u32 $0x4F0, s21;
	s19 =	ssub.s32 s19, s24  }
0x63: {  	s24 =	sadd.s32 s18, s25;
	s26 =	sand.u32 $0x7, s19  }
0x64: {  	s19 =	sshrl.u32 s19, $0x3;
	s24 =	sadd.s32 s21, s24;
	s25 =	sshll.u32 s26, $0x12  }
0x65: {  	s27 =	sadd.s32 s20, s8;
	s24 =	sadd.s32 s19, s24;
	s25 =	sor.u32 $0x400, s25  }
0x66: {  	[hbm4b:s24+s25] =	stream.strided.scatter [tilespmem:s23], [sflag:$0x2], $0x800, s11, s25, $0x38;
	[tilespmem:$0x8000] =	vst v63  }
0x67: {  	s23 =	sadd.s32 s18, s27  }
0x68: {  	s23 =	sadd.s32 s21, s23  }
0x69: {  	s28 =	sadd.s32 $0x4800, s22;
	s29 =	sadd.s32 s20, s9;
	s23 =	sadd.s32 s19, s23  }
0x6a: {  	[hbm4b:s23+s25] =	stream.strided.scatter [tilespmem:s28], [sflag:$0x2], $0x800, s11, s25, $0x38;
	[tilespmem:$0x8000] =	vst v63  }
0x6b: {  	s20 =	sadd.s32 s20, s10;
	s23 =	sadd.s32 s18, s29  }
.Ltmp5:
0x6c: {  	s18 =	sadd.s32 s18, s20;
	s23 =	sadd.s32 s21, s23;
	(pc) =	sbr.rel .LBB1_7-.Ltmp5, $4  }
0x6d: {  	s30 =	sadd.s32 $0x5000, s22;
	s18 =	sadd.s32 s21, s18;
	s23 =	sadd.s32 s19, s23  }
0x6e: {  	[hbm4b:s23+s25] =	stream.strided.scatter [tilespmem:s30], [sflag:$0x2], $0x800, s11, s25, $0x38;
	[tilespmem:$0x8000] =	vst v63  }
0x6f: {  	s31 =	sadd.s32 $0x5800, s22;
	s18 =	sadd.s32 s19, s18  }
0x70: {  	[hbm4b:s18+s25] =	stream.strided.scatter [tilespmem:s31], [sflag:$0x2], $0x800, s11, s25, $0x38;
	[tilespmem:$0x8000] =	vst v63  }
.LBB1_8:
0x71: {  	_ =	sfence.sel $0x180000  }
0x72: {  	s2 =	simm.s32 $0x1;
	[bflag:$0x0] =	sbarrier.arrive $0xFFFF  }
0x73: {  	s31 =	simm.s32 $0x2;
	[sflag:s2] =	ssyncpa.u1 $0x1  }
0x74: {  	[sflag:s31] =	ssyncpa.u1 $0x1  }
0x75: {  	p0 =	sne.s32 s0, $0x0;
	_ =	strace $0x9000004D  }
0x76: {  	s0 =	sadd.s32 @!p0 $0x100000, s1;
	[bflag:$0x2] =	sbarrier.arrive $0xFFFF  }
0x77: {  	[sflag:s0] =	ssyncadd.tile.s32 @!p0 $0x1;
	_ =	shalt  }
.Lfunc_end1:
_tile_overlayer_lowered:
.L_overlay_start_2:
0x78: {  	(tag) =	ssettag $0x2  }
0x79: {  	s0 =	rddreg [dreg:$0x0];
	s2 =	stileid.u32  }
0x7a: {  	s1 =	rddreg [dreg:$0x1];
	p0 =	sne.s32 s2, $0x0  }
0x7b: {  	s3 =	rddreg [dreg:$0x2];
	[bflag:$0x3] =	sbarrier.arrive $0xFFFF;
	s2 =	simm.s32 @!p0 $0x1C01  }
0x7c: {  	[timem:s3], [sflag:s2] =	dma.local @!p0 [hbm:s0], s1  }
0x7d: {  	s0 =	simm.s32 @!p0 $0x1  }
0x7e: {  	_ =	swait.ge @!p0 [sflag:s0], s1  }
0x7f: {  	s1 =	ssub.s32 @!p0 $0x0, s1;
	[sflag:s0] =	ssyncset.done @!p0 $0x0  }
0x80: {  	[sflag:s0] =	ssyncadd.s32 @!p0 s1  }
0x81: {  	[bflag:$0x3] =	sbarrier.arrive $0xFFFF  }
0x82: {  	_ =	shalt  }

// kernel: sparse-core-data-format-call.3.cloned.1.call-start
scs
called_computation.3_lowered:
.L_overlay_start_0:
0x0: {  	s1 =	sld [smem:$0x3FD9]  }
0x1: {  	s2 =	sld [smem:$0x3FFE];
	_ =	sdelay $0x1  }
0x2: {  	s3 =	srdreg.scid  }
0x3: {  	s0 =	sand.u32 $0x1, s3  }
0x4: {  	s17 =	sshll.u32 s0, $0xA;
	s1 =	sadd.s32 s2, s1  }
0x5: {  	s1 =	sadd.s32 s1, s17  }
0x6: {  	[smem:$0x3FB9] =	sst s1  }
0x7: {  	_ = 	snop  }
0x8: {  	(tm) =	ssettm $0x1  }
0x9: {  	s18 =	sld [smem:$0x3FFB];
	_ =	sdelay $0x3  }
0xa: {  	_ =	strace s18  }
0xb: {  	s1 =	sld [smem:$0x3FFC];
	_ =	sdelay $0x3  }
0xc: {  	_ =	strace s1  }
0xd: {  	s1 =	sld [smem:$0x3FFD];
	_ =	sdelay $0x3  }
0xe: {  	_ =	strace s1  }
0xf: {  	_ =	strace $0x8FFFFFFF  }
0x10: {  	s19 =	sld [smem:$0x3FDB];
	_ =	sdelay $0x1  }
0x11: {  	s20 =	simm.s32 $_scs_section_size  }
0x12: {  	s4 =	simm.s32 $_size__tile_overlayer_lowered;
	s5 =	simm.s32 $_tile_overlayer_lowered  }
0x13: {  	s23 =	simm.s32 $0x1BFF;
	s22 =	sshll.u32 s5, $0x1;
	s1 =	sadd.s32 s20, s19  }
0x14: {  	s6 =	simm.s32 $0x0;
	s21 =	sshll.u32 s4, $0x1;
	s4 =	sadd.s32 s22, s1  }
0x15: {  	[timem:s6], [sflag:s23] =	dma.local [hbm:s4], s21  }
0x16: {  	_ =	swait.ge [sflag:s23], s21  }
0x17: {  	s2 =	ssub.s32 $0x0, s21;
	[sflag:s23] =	ssyncset.done $0x0  }
0x18: {  	[sflag:s23] =	ssyncadd.s32 s2;
	_ =	sdelay $0x1  }
0x19: {  	s24 =	simm.s32 $0x1B8B  }
0x1a: {  	_ =	swait.ge [sflag:s24], $0x1  }
0x1b: {  	[sflag:s24] =	ssyncset.done $0x0  }
0x1c: {  	s26 =	simm.s32 $0x1B8E;
	s25 =	sld [smem:$0x3FFE];
	[sflag:s24] =	ssyncadd.s32 $0xFFFFFFFF  }
0x1d: {  	s27 =	simm.s32 $execute0_lowered;
	[smem:$0x3FD2] =	sst s26  }
0x1e: {  	s4 =	sshll.u32 s27, $0x1;
	_ =	strace $0x80000049;
	[dreg:$0x1] =	wrdreg $0xFFFFFFFF  }
0x1f: {  	s28 =	simm.s32 $_size_execute0_lowered;
	s1 =	sadd.s32 s1, s4;
	[dreg:$0x0] =	wrdreg $0x0  }
0x20: {  	s4 =	sshll.u32 s28, $0x1;
	[dreg:$0x2] =	wrdreg s1  }
0x21: {  	[dreg:$0x3] =	wrdreg s4  }
0x22: {  	[dreg:$0x4] =	wrdreg $0xC0  }
0x23: {  	_ =	task [dreg:s6], $0x5FFFF  }
0x24: {  	[dreg:$0x1] =	wrdreg $0xFFFFFFFF  }
0x25: {  	[dreg:$0x0] =	wrdreg $0x60  }
0x26: {  	[dreg:$0x2] =	wrdreg s25  }
0x27: {  	[dreg:$0x3] =	wrdreg $0x9  }
0x28: {  	_ =	task.clear_ibuf [dreg:s6], $0x4FFFF;
	_ =	strace $0x90000049  }
0x29: {  	s29 =	simm.s32 $0x9;
	_ =	strace $0x8000004B  }
0x2a: {  	_ =	swait.ge [sflag:s29], $0x1  }
0x2b: {  	[sflag:s29] =	ssyncadd.s32 $0xFFFFFFFF  }
0x2c: {  	_ =	strace $0x9000004B  }
0x2d: {  	_ =	sfence  }
0x2e: {  	s30 =	sld [smem:$0x0];
	_ =	sdelay $0x2  }
0x2f: {  	s31 =	sshll.u32 s3, $0xD;
	s3 =	sshrl.u32 s3, $0x2  }
0x30: {  	s2 =	sand.u32 $0x4000, s31;
	s1 =	sadd.s32 s3, s30  }
0x31: {  	s0 =	sor.u32 s2, s0;
	s1 =	sshll.u32 s1, $0x11  }
0x32: {  	s0 =	sor.u32 s1, s0  }
0x33: {  	s0 =	sadd.s32 $0x8F2B, s0  }
0x34: {  	[sflag:s0] =	ssyncadd.remote.s32 $0x1  }
0x35: {  	_ =	sfence.sel $0xFFFF  }
0x36: {  	[dreg:$0x0] =	wrdreg $0xFFFFFFFF;
	(pc) =	sbr.abs _section_cstart, $3  }
0x37: {  	[dreg:$0x1] =	wrdreg $0xFFFFFFFF  }
0x38: {  	_ =	task.clear_ibuf [dreg:s6], $0x2FFFF;
	_ =	strace $0x9FFFFFFF  }
0x39: {  	(tm) =	ssettm $0x7FFFFFFF  }
tec
execute0_lowered:
.L_overlay_start_1:
0x0: {  	(tag) =	ssettag $0x1  }
0x1: {  	s0 =	srdreg.scid  }
0x2: {  	s1 =	sshll.u32 s0, $0x4  }
0x3: {  	s7 =	rddreg [dreg:$0x0];
	s0 =	stileid.u32;
	s1 =	sand.u32 $0x10, s1  }
0x4: {  	s5 =	simm.s32 $0x1;
	s8 =	simm.s32 $0x2;
	s1 =	sor.u32 s0, s1  }
0x5: {  	s16 =	simm.s32 $0x0;
	s9 =	simm.s32 $0x14000;
	s2 =	sshll.u32 s1, $0x7  }
0x6: {  	s14 =	simm.s32 $0x0;
	s15 =	simm.s32 $0x0;
	s3 =	ssub.s32 $0x2800, s2  }
0x7: {  	s11 =	simm.s32 $0x0;
	s12 =	simm.s32 $0x0;
	s4 =	sand.u32 $0xF80, s3  }
0x8: {  	s13 =	simm.s32 $0x0;
	s1 =	rddreg [dreg:$0x1];
	p0 =	sne.s32 s4, $0x0  }
.Ltmp0:
0x9: {  	s6 =	sshrl.u32 s3, $0xC;
	s5 =	simm.s32 @!p0 $0x0;
	(pc) =	sbr.rel .LBB1_1-.Ltmp0, $4  }
0xa: {  	_ =	strace $0x8000004A;
	s10 =	smov.u32 s2;
	s5 =	sadd.s32 s5, s6  }
0xb: {  	s3 =	sadd.s32 $0x218000, s7;
	s4 =	simm.s32 $0x1;
	s5 =	smul.u32 $0x19, s5  }
0xc: {  	[sflag:s4] =	ssyncpa.u1 $0x0;
	p0 =	por $0x0, $0x0;
	s6 =	sadd.s32 $0x1000, s7  }
0xd: {  	[sflag:s8] =	ssyncpa.u1 $0x0;
	s7 =	sadd.s32 $0x240000, s7;
	s8 =	sadd.s32 $0x1, s5  }
.LBB1_7:
0xe: {  	s17 =	sadd.s32 $0x1000, s10  }
0xf: {  	s14 =	sadd.s32 $0x2, s11;
	s18 =	smov.u32 s11;
	p2 =	sgt.s32 s17, $0x27FF  }
0x10: {  	s18 =	smov.u32 @p2 s14  }
0x11: {  	s14 =	simm.s32 $0x1;
	p3 =	sgt.s32 s18, $0x1  }
0x12: {  	s14 =	simm.s32 @!p3 $0x0  }
0x13: {  	s20 =	sadd.s32 s14, s12  }
0x14: {  	s17 =	smov.u32 @p2 s2;
	p2 =	sgt.s32 s20, $0x18  }
0x15: {  	p1 =	slt.u32 s13, $0x2;
	s20 =	simm.s32 @p2 $0x0;
	p2 =	sne.s32 s13, s8  }
.Ltmp1:
0x16: {  	s19 =	simm.s32 @!p1 $0x2;
	(pc) =	sbr.rel @!p2 .LBB1_8-.Ltmp1, $4  }
0x17: {  	s16 =	smov.u32 s10;
	s15 =	smov.u32 s12;
	_ =	swait.ge @!p1 [sflag:s19], $0x2000  }
0x18: {  	p0 =	por !p0, !p0;
	[sflag:s19] =	ssyncset.done @!p1 $0x0;
	s10 =	smov.u32 s17  }
0x19: {  	s18 =	simm.s32 @p3 $0x0;
	[sflag:s19] =	ssyncadd.s32 @!p1 $0xFFFFE000;
	s14 =	smov.u32 s11  }
0x1a: {  	s11 =	smov.u32 s18;
	s13 =	sadd.s32 $0x1, s13;
	s12 =	smov.u32 s20  }
.LBB1_1:
0x1b: {  	p1 =	sge.u32 s13, s5  }
0x1c: {  	s17 =	sand.u32 @!p1 $0x1FFFFFF, s10  }
0x1d: {  	s18 =	smulhi.u32 @!p1 $0xCCCCCD, s17;
	_ =	sdelay $0x1  }
0x1e: {  	s19 =	smul.u32 @!p1 $0x50000, s12;
	s18 =	sshrl.u32 @!p1 s18, $0x5  }
0x1f: {  	s18 =	smul.u32 @!p1 $0x2800, s18  }
0x20: {  	s20 =	sxor.u32 @!p1 $0xFFFFFFFF, s13;
	s21 =	smul.u32 @!p1 $0x28000, s11  }
0x21: {  	s22 =	simm.s32 @!p1 $0x20;
	s17 =	ssub.s32 @!p1 s17, s18;
	s18 =	sadd.s32 @!p1 s3, s19  }
0x22: {  	s20 =	sshll.u32 @!p1 s20, $0xD;
	s17 =	sshll.u32 @!p1 s17, $0x4;
	s18 =	sadd.s32 @!p1 s21, s18  }
0x23: {  	s23 =	simm.s32 @!p1 $0x80;
	s20 =	sand.u32 @!p1 $0x2000, s20;
	s18 =	sadd.s32 @!p1 s17, s18  }
0x24: {  	[tilespmem:s20], [sflag:$0x1] =	stream.strided.gather @!p1 [hbm4b:s18+s22], $0x1000, s23, s22, $0x38;
	[tilespmem:$0x8080] =	vst v63  }
0x25: {  	s18 =	sadd.s32 @!p1 s19, s7  }
0x26: {  	s18 =	sadd.s32 @!p1 s21, s18  }
0x27: {  	s31 =	sadd.s32 $0xFFFFFFFF, s13;
	s17 =	sadd.s32 @!p1 s17, s18;
	s18 =	sor.u32 @!p1 $0x1000, s20  }
0x28: {  	[tilespmem:s18], [sflag:$0x1] =	stream.strided.gather @!p1 [hbm4b:s17+s22], $0x1000, s23, s22, $0x38;
	[tilespmem:$0x8080] =	vst v63  }
0x29: {  	p1 =	sge.u32 s31, s5  }
.Ltmp2:
0x2a: {  	_ = 	snop;
	(pc) =	sbr.rel @p1 .LBB1_7-.Ltmp2, $1  }
0x2b: {  	_ =	sdelay $0x3  }
0x2c: {  	s17 =	simm.s32 $0x1;
	s19 =	sand.u32 $0x1, s13  }
0x2d: {  	_ =	swait.ge [sflag:s4], $0x2000;
	s17 =	simm.s32 @!p0 $0x0;
	s19 =	smul.u32 $0x8100, s19  }
0x2e: {  	p2 =	por $0x1, $0x1;
	[sflag:s4] =	ssyncset.done $0x0;
	s18 =	smul.u32 $0x8100, s17  }
0x2f: {  	s20 =	sshll.u32 s17, $0xF;
	[sflag:s4] =	ssyncadd.s32 $0xFFFFE000;
	s30 =	sshrl.u32 s19, $0x2  }
0x30: {  	s31 =	sshrl.u32 s20, $0x2;
	s20 =	simm.s32 $0x0;
	s18 =	sshrl.u32 s18, $0x2  }
0x31: {  	s17 =	sor.u32 $0x4000, s30;
	s19 =	sadd.s32 $0x10, s31;
	s18 =	sor.u32 $0x4000, s18  }
.LBB1_3:
0x32: {  	s21 =	sshll.u32 s20, $0xC  }
0x33: {  	s21 =	sand.u32 $0x3FFFF000, s21  }
0x34: {  	s22 =	sadd.s32 s21, s19  }
0x35: {  	s31 =	smul.u32 $0x4080, s20;
	v1 =	vld [tilespmem:s22+$0x0]  }
0x36: {  	v0 =	vld [tilespmem:s22+$0xFFFFFFF0]  }
0x37: {  	s20 =	sshra.s32 s31, $0x2  }
0x38: {  	s20 =	sadd.s32 s20, s18  }
0x39: {  	s23 =	sadd.s32 $0x0, s20  }
0x3a: {  	p1 =	por p2, p2;
	s21 =	simm.s32 $0x4;
	s22 =	sadd.s32 $0x20, s22;
	[tilespmem:s23+$0x810 ss:$0x81] =	vst.msk $0xffff, v1  }
.LBB1_4:
0x3b: {  	v1 =	vld [tilespmem:s22+$0x0];
	p2 =	sne.s32 s21, $0x1FC;
	[tilespmem:s23+$0x0 ss:$0x81] =	vst.msk $0xffff, v0;
	s23 =	smov.u32 s21;
	s21 =	sadd.s32 $0x4, s21  }
.Ltmp3:
0x3c: {  	v0 =	vld [tilespmem:s22+$0xFFFFFFF0];
	(pc) =	sbr.rel @p2 .LBB1_4-.Ltmp3, $4  }
0x3d: {  	_ = 	snop  }
0x3e: {  	s23 =	sshra.s32 s23, $0x2  }
0x3f: {  	s23 =	sadd.s32 s23, s20  }
0x40: {  	s22 =	sadd.s32 $0x20, s22;
	[tilespmem:s23+$0x810 ss:$0x81] =	vst.msk $0xffff, v1  }
.Ltmp4:
0x41: {  	(pc) =	sbr.rel @p1 .LBB1_3-.Ltmp4, $2  }
0x42: {  	_ =	sdelay $0x2  }
0x43: {  	[tilespmem:s23+$0x0 ss:$0x81] =	vst.msk $0xffff, v0;
	s20 =	simm.s32 $0x1;
	p2 =	por $0x0, $0x0  }
0x44: {  	s18 =	sshll.u32 s16, $0x3  }
0x45: {  	s30 =	sand.u32 $0x7F, s16;
	s19 =	sand.u32 $0xFFFFFC00, s18  }
0x46: {  	s18 =	smulhi.u32 $0xCCCCCCCD, s18;
	s16 =	sor.u32 s30, s19  }
0x47: {  	s19 =	smulhi.u32 $0xCCCCCCCD, s16  }
0x48: {  	s15 =	smul.u32 $0x14000, s15  }
0x49: {  	s14 =	smul.u32 $0xA000, s14;
	s18 =	sshrl.u32 s18, $0xD;
	s19 =	sshrl.u32 s19, $0xD  }
0x4a: {  	s18 =	sand.u32 $0x1F, s18;
	s19 =	smul.u32 $0x2800, s19  }
0x4b: {  	s18 =	smul.u32 $0x500, s18  }
.Ltmp5:
0x4c: {  	s15 =	sadd.s32 s6, s15;
	s16 =	ssub.s32 s16, s19;
	(pc) =	sbr.rel .LBB1_7-.Ltmp5, $4  }
0x4d: {  	s14 =	sadd.s32 s14, s15;
	s31 =	sand.u32 $0x7, s16  }
0x4e: {  	s14 =	sadd.s32 s18, s14;
	s16 =	sshrl.u32 s16, $0x3;
	s15 =	sshll.u32 s31, $0x12  }
0x4f: {  	s14 =	sadd.s32 s16, s14;
	s15 =	sor.u32 $0x400, s15  }
0x50: {  	[hbm4b:s14+s15] =	stream.strided.scatter [tilespmem:s17], [sflag:$0x2], $0x2000, s9, s15, $0x20;
	[tilespmem:$0x8080] =	vst v63  }
.LBB1_8:
0x51: {  	_ =	sfence.sel $0x180000  }
0x52: {  	s2 =	simm.s32 $0x1;
	[bflag:$0x0] =	sbarrier.arrive $0xFFFF  }
0x53: {  	s31 =	simm.s32 $0x2;
	[sflag:s2] =	ssyncpa.u1 $0x1  }
0x54: {  	[sflag:s31] =	ssyncpa.u1 $0x1  }
0x55: {  	p0 =	sne.s32 s0, $0x0;
	_ =	strace $0x9000004A  }
0x56: {  	s0 =	sadd.s32 @!p0 $0x100000, s1;
	[bflag:$0x2] =	sbarrier.arrive $0xFFFF  }
0x57: {  	[sflag:s0] =	ssyncadd.tile.s32 @!p0 $0x1;
	_ =	shalt  }
.Lfunc_end1:
_tile_overlayer_lowered:
.L_overlay_start_2:
0x58: {  	(tag) =	ssettag $0x2  }
0x59: {  	s0 =	rddreg [dreg:$0x0];
	s2 =	stileid.u32  }
0x5a: {  	s1 =	rddreg [dreg:$0x1];
	p0 =	sne.s32 s2, $0x0  }
0x5b: {  	s3 =	rddreg [dreg:$0x2];
	[bflag:$0x3] =	sbarrier.arrive $0xFFFF;
	s2 =	simm.s32 @!p0 $0x1C01  }
0x5c: {  	[timem:s3], [sflag:s2] =	dma.local @!p0 [hbm:s0], s1  }
0x5d: {  	s0 =	simm.s32 @!p0 $0x1  }
0x5e: {  	_ =	swait.ge @!p0 [sflag:s0], s1  }
0x5f: {  	s1 =	ssub.s32 @!p0 $0x0, s1;
	[sflag:s0] =	ssyncset.done @!p0 $0x0  }
0x60: {  	[sflag:s0] =	ssyncadd.s32 @!p0 s1  }
0x61: {  	[bflag:$0x3] =	sbarrier.arrive $0xFFFF  }
0x62: {  	_ =	shalt  }

// kernel: sparse-core-data-format-call.cloned.1.call-start
scs
called_computation_lowered:
.L_overlay_start_0:
0x0: {  	s1 =	sld [smem:$0x3FD9]  }
0x1: {  	s2 =	sld [smem:$0x3FFE];
	_ =	sdelay $0x1  }
0x2: {  	s3 =	srdreg.scid  }
0x3: {  	s0 =	sand.u32 $0x1, s3  }
0x4: {  	s17 =	sshll.u32 s0, $0xA;
	s1 =	sadd.s32 s2, s1  }
0x5: {  	s1 =	sadd.s32 s1, s17  }
0x6: {  	[smem:$0x3FB9] =	sst s1  }
0x7: {  	_ = 	snop  }
0x8: {  	(tm) =	ssettm $0x1  }
0x9: {  	s18 =	sld [smem:$0x3FFB];
	_ =	sdelay $0x3  }
0xa: {  	_ =	strace s18  }
0xb: {  	s1 =	sld [smem:$0x3FFC];
	_ =	sdelay $0x3  }
0xc: {  	_ =	strace s1  }
0xd: {  	s1 =	sld [smem:$0x3FFD];
	_ =	sdelay $0x3  }
0xe: {  	_ =	strace s1  }
0xf: {  	_ =	strace $0x8FFFFFFF  }
0x10: {  	s19 =	sld [smem:$0x3FDB];
	_ =	sdelay $0x1  }
0x11: {  	s20 =	simm.s32 $_scs_section_size  }
0x12: {  	s4 =	simm.s32 $_size__tile_overlayer_lowered;
	s5 =	simm.s32 $_tile_overlayer_lowered  }
0x13: {  	s23 =	simm.s32 $0x1BFF;
	s22 =	sshll.u32 s5, $0x1;
	s1 =	sadd.s32 s20, s19  }
0x14: {  	s6 =	simm.s32 $0x0;
	s21 =	sshll.u32 s4, $0x1;
	s4 =	sadd.s32 s22, s1  }
0x15: {  	[timem:s6], [sflag:s23] =	dma.local [hbm:s4], s21  }
0x16: {  	_ =	swait.ge [sflag:s23], s21  }
0x17: {  	s2 =	ssub.s32 $0x0, s21;
	[sflag:s23] =	ssyncset.done $0x0  }
0x18: {  	[sflag:s23] =	ssyncadd.s32 s2;
	_ =	sdelay $0x1  }
0x19: {  	s24 =	simm.s32 $0x1B8B  }
0x1a: {  	_ =	swait.ge [sflag:s24], $0x1  }
0x1b: {  	[sflag:s24] =	ssyncset.done $0x0  }
0x1c: {  	s26 =	simm.s32 $0x1B8E;
	s25 =	sld [smem:$0x3FFE];
	[sflag:s24] =	ssyncadd.s32 $0xFFFFFFFF  }
0x1d: {  	s27 =	simm.s32 $execute0_lowered;
	[smem:$0x3FD2] =	sst s26  }
0x1e: {  	s4 =	sshll.u32 s27, $0x1;
	_ =	strace $0x80000055;
	[dreg:$0x1] =	wrdreg $0xFFFFFFFF  }
0x1f: {  	s28 =	simm.s32 $_size_execute0_lowered;
	s1 =	sadd.s32 s1, s4;
	[dreg:$0x0] =	wrdreg $0x0  }
0x20: {  	s4 =	sshll.u32 s28, $0x1;
	[dreg:$0x2] =	wrdreg s1  }
0x21: {  	[dreg:$0x3] =	wrdreg s4  }
0x22: {  	[dreg:$0x4] =	wrdreg $0xC0  }
0x23: {  	_ =	task [dreg:s6], $0x5FFFF  }
0x24: {  	[dreg:$0x1] =	wrdreg $0xFFFFFFFF  }
0x25: {  	[dreg:$0x0] =	wrdreg $0x60  }
0x26: {  	[dreg:$0x2] =	wrdreg s25  }
0x27: {  	[dreg:$0x3] =	wrdreg $0x9  }
0x28: {  	_ =	task.clear_ibuf [dreg:s6], $0x4FFFF;
	_ =	strace $0x90000055  }
0x29: {  	s29 =	simm.s32 $0x9;
	_ =	strace $0x80000057  }
0x2a: {  	_ =	swait.ge [sflag:s29], $0x1  }
0x2b: {  	[sflag:s29] =	ssyncadd.s32 $0xFFFFFFFF  }
0x2c: {  	_ =	strace $0x90000057  }
0x2d: {  	_ =	sfence  }
0x2e: {  	s30 =	sld [smem:$0x0];
	_ =	sdelay $0x2  }
0x2f: {  	s31 =	sshll.u32 s3, $0xD;
	s3 =	sshrl.u32 s3, $0x2  }
0x30: {  	s2 =	sand.u32 $0x4000, s31;
	s1 =	sadd.s32 s3, s30  }
0x31: {  	s0 =	sor.u32 s2, s0;
	s1 =	sshll.u32 s1, $0x11  }
0x32: {  	s0 =	sor.u32 s1, s0  }
0x33: {  	s0 =	sadd.s32 $0x8F2B, s0  }
0x34: {  	[sflag:s0] =	ssyncadd.remote.s32 $0x1  }
0x35: {  	_ =	sfence.sel $0xFFFF  }
0x36: {  	[dreg:$0x0] =	wrdreg $0xFFFFFFFF;
	(pc) =	sbr.abs _section_cstart, $3  }
0x37: {  	[dreg:$0x1] =	wrdreg $0xFFFFFFFF  }
0x38: {  	_ =	task.clear_ibuf [dreg:s6], $0x2FFFF;
	_ =	strace $0x9FFFFFFF  }
0x39: {  	(tm) =	ssettm $0x7FFFFFFF  }
tec
execute0_lowered:
.L_overlay_start_1:
0x0: {  	(tag) =	ssettag $0x1  }
0x1: {  	s4 =	rddreg [dreg:$0x0];
	_ =	strace $0x80000056  }
0x2: {  	s3 =	srdreg.scid;
	s0 =	stileid.u32;
	s1 =	simm.s32 $0x1  }
0x3: {  	s6 =	simm.s32 $0x2;
	s14 =	simm.s32 $0x0;
	s15 =	simm.s32 $0x0  }
0x4: {  	s12 =	simm.s32 $0x0;
	s13 =	simm.s32 $0x0;
	s8 =	simm.s32 $0x0  }
.Ltmp0:
0x5: {  	s9 =	simm.s32 $0x0;
	s11 =	simm.s32 $0x0;
	(pc) =	sbr.rel .LBB1_1-.Ltmp0, $4  }
0x6: {  	s7 =	simm.s32 $0x0;
	s5 =	sshll.u32 s3, $0x4;
	s31 =	sadd.s32 $0x7D1000, s4  }
0x7: {  	s22 =	sadd.s32 $0x1000, s4;
	s5 =	sand.u32 $0x10, s5;
	[dreg:$0x3] =	wrdreg s31  }
0x8: {  	[sflag:s1] =	ssyncpa.u1 $0x0;
	[dreg:$0x2] =	wrdreg s22;
	s5 =	sor.u32 s0, s5  }
0x9: {  	[sflag:s6] =	ssyncpa.u1 $0x0;
	s10 =	smov.u32 s5;
	[dreg:$0x4] =	wrdreg s5  }
.LBB1_7:
0xa: {  	s0 =	sadd.s32 $0x400, s8  }
0xb: {  	s1 =	sadd.s32 $0x10, s9;
	s2 =	smov.u32 s9;
	p1 =	sgt.s32 s0, $0x1387  }
0xc: {  	s2 =	smov.u32 @p1 s1  }
0xd: {  	s3 =	smov.u32 s10;
	s1 =	sadd.s32 $0x20, s10;
	p2 =	sgt.s32 s2, $0xF  }
0xe: {  	s3 =	smov.u32 @p2 s1  }
0xf: {  	s1 =	simm.s32 $0x1;
	p3 =	sgt.s32 s3, $0x1F  }
0x10: {  	s1 =	simm.s32 @!p3 $0x0  }
0x11: {  	p0 =	slt.u32 s7, $0x2;
	s1 =	sadd.s32 s1, s11  }
0x12: {  	s7 =	sadd.s32 $0x1, s7;
	s0 =	simm.s32 @p1 $0x0;
	p1 =	sgt.s32 s1, $0x18  }
0x13: {  	s1 =	simm.s32 @p1 $0x0;
	p1 =	sne.s32 s7, $0x7F  }
.Ltmp1:
0x14: {  	s14 =	smov.u32 s8;
	s4 =	simm.s32 @!p0 $0x2;
	(pc) =	sbr.rel @!p1 .LBB1_8-.Ltmp1, $4  }
0x15: {  	s15 =	smov.u32 s9;
	s12 =	smov.u32 s10;
	_ =	swait.ge @!p0 [sflag:s4], $0x4000  }
0x16: {  	s13 =	smov.u32 s11;
	[sflag:s4] =	ssyncset.done @!p0 $0x0;
	s8 =	smov.u32 s0  }
0x17: {  	s2 =	simm.s32 @p2 $0x0;
	[sflag:s4] =	ssyncadd.s32 @!p0 $0xFFFFC000;
	s3 =	smov.u32 @p3 s5  }
0x18: {  	s9 =	smov.u32 s2;
	s10 =	smov.u32 s3;
	s11 =	smov.u32 s1  }
.LBB1_1:
0x19: {  	p0 =	sgt.u32 s7, $0x7C  }
0x1a: {  	s16 =	sshrl.u32 @!p0 s9, $0x3  }
0x1b: {  	s17 =	sshll.u32 @!p0 s8, $0x3;
	s18 =	sshll.u32 @!p0 s9, $0x7;
	s16 =	smul.u32 @!p0 $0xA000, s16  }
0x1c: {  	s19 =	sand.u32 @!p0 $0x7F, s8;
	s17 =	sand.u32 @!p0 $0xFFFFFC00, s17;
	s18 =	sand.u32 @!p0 $0x380, s18  }
0x1d: {  	s16 =	sadd.s32 @!p0 s16, s17;
	s17 =	sor.u32 @!p0 s19, s18  }
0x1e: {  	s17 =	sor.u32 @!p0 s16, s17  }
0x1f: {  	s18 =	smulhi.u32 @!p0 $0xCCCCCCCD, s17  }
0x20: {  	s16 =	smulhi.u32 @!p0 $0xCCCCCCCD, s16  }
0x21: {  	s20 =	smul.u32 @!p0 $0x50000, s11;
	s18 =	sshrl.u32 @!p0 s18, $0xC  }
0x22: {  	s19 =	sxor.u32 @!p0 $0xFFFFFFFF, s7;
	s16 =	sshrl.u32 @!p0 s16, $0xC;
	s18 =	smul.u32 @!p0 $0x1400, s18  }
0x23: {  	s21 =	smul.u32 @!p0 $0x2800, s10;
	s19 =	sshll.u32 @!p0 s19, $0xE;
	s16 =	sand.u32 @!p0 $0xF, s16  }
0x24: {  	s16 =	smul.u32 @!p0 $0x280, s16;
	s17 =	ssub.s32 @!p0 s17, s18;
	s18 =	sadd.s32 @!p0 s22, s20  }
0x25: {  	s19 =	sand.u32 @!p0 $0x4000, s19;
	s18 =	sadd.s32 @!p0 s21, s18;
	s20 =	sand.u32 @!p0 $0x7, s17  }
0x26: {  	s17 =	sshrl.u32 @!p0 s17, $0x3;
	s16 =	sadd.s32 @!p0 s16, s18;
	s18 =	sshll.u32 @!p0 s20, $0x12  }
0x27: {  	s16 =	sadd.s32 @!p0 s17, s16;
	s17 =	sor.u32 @!p0 $0x2000, s18;
	s18 =	simm.s32 @!p0 $0xA000  }
0x28: {  	[tilespmem:s19], [sflag:$0x1] =	stream.strided.gather @!p0 [hbm4b:s16+s17], $0x4000, s18, s17, $0x38;
	[tilespmem:$0x10000] =	vst v63  }
0x29: {  	p0 =	seq.s32 s7, $0x0  }
0x2a: {  	p1 =	seq.s32 @!p0 s7, $0x7E  }
0x2b: {  	p0 =	por p0, p1  }
.Ltmp2:
0x2c: {  	_ = 	snop;
	(pc) =	sbr.rel @p0 .LBB1_7-.Ltmp2, $1  }
0x2d: {  	_ =	sdelay $0x3  }
0x2e: {  	s16 =	sshll.u32 s7, $0xE  }
0x2f: {  	s18 =	sand.u32 $0x4000, s16  }
0x30: {  	s0 =	simm.s32 $0x1;
	v0 =	vmov s18  }
0x31: {  	_ =	swait.ge [sflag:s0], $0x4000  }
0x32: {  	[sflag:s0] =	ssyncset.done $0x0;
	s16 =	sor.u32 $0x8000, s18  }
0x33: {  	s17 =	simm.s32 $0x0;
	[sflag:s0] =	ssyncadd.s32 $0xFFFFC000;
	v1 =	vmov s16  }
.LBB1_3:
0x34: {  	s18 =	sshll.u32 s17, $0xA;
	s27 =	sshll.u32 s17, $0x7  }
0x35: {  	s28 =	sand.u32 $0x2000, s18;
	s31 =	sand.u32 $0x380, s27  }
0x36: {  	p0 =	por $0x1, $0x1;
	s18 =	sor.u32 s31, s28  }
0x37: {  	s30 =	simm.s32 $0x0;
	s27 =	sor.u32 s27, s28;
	s19 =	sor.u32 $0x10, s18  }
0x38: {  	s20 =	sor.u32 $0x20, s18;
	s21 =	sor.u32 $0x30, s18;
	s22 =	sor.u32 $0x40, s18  }
0x39: {  	s23 =	sor.u32 $0x50, s18;
	s24 =	sor.u32 $0x60, s18;
	s25 =	sor.u32 $0x70, s18  }
0x3a: {  	s26 =	sor.u32 $0x400, s18;
	s28 =	sor.u32 $0x800, s18;
	s29 =	sor.u32 $0xC00, s18  }
.LBB1_4:
0x3b: {  	s31 =	sor.u32 s19, s30  }
0x3c: {  	s0 =	sor.u32 s20, s30;
	v2 =	vld.idx.msk [tilespmem:v0+s31+$0x0 ss:$0x1], $0xffff  }
0x3d: {  	s1 =	sor.u32 s21, s30;
	v3 =	vld.idx.msk [tilespmem:v0+s0+$0x0 ss:$0x1], $0xffff  }
0x3e: {  	s6 =	sor.u32 s22, s30;
	v4 =	vld.idx.msk [tilespmem:v0+s1+$0x0 ss:$0x1], $0xffff  }
0x3f: {  	s4 =	sor.u32 s23, s30;
	v5 =	vld.idx.msk [tilespmem:v0+s6+$0x0 ss:$0x1], $0xffff  }
0x40: {  	s3 =	sor.u32 s24, s30;
	v6 =	vld.idx.msk [tilespmem:v0+s4+$0x0 ss:$0x1], $0xffff  }
0x41: {  	s2 =	sor.u32 s25, s30;
	[tilespmem:v1+s31+$0x0 ss:$0x1] =	vst.idx.msk $0xffff, v2;
	v2 =	vld.idx.msk [tilespmem:v0+s3+$0x0 ss:$0x1], $0xffff  }
0x42: {  	[tilespmem:v1+s0+$0x0 ss:$0x1] =	vst.idx.msk $0xffff, v3;
	v3 =	vld.idx.msk [tilespmem:v0+s2+$0x0 ss:$0x1], $0xffff;
	s0 =	sor.u32 s26, s30;
	s31 =	sor.u32 s27, s30  }
0x43: {  	[tilespmem:v1+s1+$0x0 ss:$0x1] =	vst.idx.msk $0xffff, v4;
	v49 =	vld.idx.msk [tilespmem:v0+s0+$0x0 ss:$0x1], $0xffff;
	s5 =	sor.u32 $0x410, s31  }
0x44: {  	[tilespmem:v1+s6+$0x0 ss:$0x1] =	vst.idx.msk $0xffff, v5;
	s6 =	sor.u32 $0x420, s31;
	v50 =	vld.idx.msk [tilespmem:v0+s5+$0x0 ss:$0x1], $0xffff  }
0x45: {  	[tilespmem:v1+s4+$0x0 ss:$0x1] =	vst.idx.msk $0xffff, v6;
	s4 =	sor.u32 $0x430, s31;
	v51 =	vld.idx.msk [tilespmem:v0+s6+$0x0 ss:$0x1], $0xffff  }
0x46: {  	[tilespmem:v1+s3+$0x0 ss:$0x1] =	vst.idx.msk $0xffff, v2;
	v2 =	vld.idx.msk [tilespmem:v0+s4+$0x0 ss:$0x1], $0xffff;
	s3 =	sor.u32 $0x440, s31  }
0x47: {  	[tilespmem:v1+s2+$0x0 ss:$0x1] =	vst.idx.msk $0xffff, v3;
	s2 =	sor.u32 $0x450, s31;
	v3 =	vld.idx.msk [tilespmem:v0+s3+$0x0 ss:$0x1], $0xffff  }
0x48: {  	[tilespmem:v1+s0+$0x0 ss:$0x1] =	vst.idx.msk $0xffff, v49;
	v52 =	vld.idx.msk [tilespmem:v0+s2+$0x0 ss:$0x1], $0xffff;
	s0 =	sor.u32 $0x460, s31  }
0x49: {  	s1 =	sor.u32 $0x470, s31;
	[tilespmem:v1+s5+$0x0 ss:$0x1] =	vst.idx.msk $0xffff, v50;
	v53 =	vld.idx.msk [tilespmem:v0+s0+$0x0 ss:$0x1], $0xffff  }
0x4a: {  	v54 =	vld.idx.msk [tilespmem:v0+s1+$0x0 ss:$0x1], $0xffff;
	s5 =	sor.u32 s18, s30;
	[tilespmem:v1+s6+$0x0 ss:$0x1] =	vst.idx.msk $0xffff, v51;
	s6 =	sor.u32 s28, s30  }
0x4b: {  	[tilespmem:v1+s4+$0x0 ss:$0x1] =	vst.idx.msk $0xffff, v2;
	v2 =	vld.idx.msk [tilespmem:v0+s6+$0x0 ss:$0x1], $0xffff;
	s4 =	sor.u32 $0x810, s5  }
0x4c: {  	[tilespmem:v1+s3+$0x0 ss:$0x1] =	vst.idx.msk $0xffff, v3;
	v3 =	vld.idx.msk [tilespmem:v0+s4+$0x0 ss:$0x1], $0xffff  }
0x4d: {  	v55 =	vld.idx.msk [tilespmem:v0+s5+$0x0 ss:$0x1], $0xffff;
	[tilespmem:v1+s2+$0x0 ss:$0x1] =	vst.idx.msk $0xffff, v52;
	s2 =	sor.u32 $0x820, s5  }
0x4e: {  	[tilespmem:v1+s0+$0x0 ss:$0x1] =	vst.idx.msk $0xffff, v53;
	v56 =	vld.idx.msk [tilespmem:v0+s2+$0x0 ss:$0x1], $0xffff;
	s0 =	sor.u32 $0x830, s5  }
0x4f: {  	[tilespmem:v1+s1+$0x0 ss:$0x1] =	vst.idx.msk $0xffff, v54;
	s1 =	sor.u32 $0x840, s5;
	v57 =	vld.idx.msk [tilespmem:v0+s0+$0x0 ss:$0x1], $0xffff  }
0x50: {  	s3 =	sor.u32 $0x850, s5;
	[tilespmem:v1+s6+$0x0 ss:$0x1] =	vst.idx.msk $0xffff, v2;
	v2 =	vld.idx.msk [tilespmem:v0+s1+$0x0 ss:$0x1], $0xffff  }
0x51: {  	[tilespmem:v1+s4+$0x0 ss:$0x1] =	vst.idx.msk $0xffff, v3;
	v3 =	vld.idx.msk [tilespmem:v0+s3+$0x0 ss:$0x1], $0xffff;
	s4 =	sor.u32 $0x860, s5  }
0x52: {  	[tilespmem:v1+s5+$0x0 ss:$0x1] =	vst.idx.msk $0xffff, v55;
	s5 =	sor.u32 $0x870, s5;
	v58 =	vld.idx.msk [tilespmem:v0+s4+$0x0 ss:$0x1], $0xffff  }
0x53: {  	s6 =	sor.u32 s29, s30;
	[tilespmem:v1+s2+$0x0 ss:$0x1] =	vst.idx.msk $0xffff, v56;
	v59 =	vld.idx.msk [tilespmem:v0+s5+$0x0 ss:$0x1], $0xffff  }
0x54: {  	v60 =	vld.idx.msk [tilespmem:v0+s6+$0x0 ss:$0x1], $0xffff;
	[tilespmem:v1+s0+$0x0 ss:$0x1] =	vst.idx.msk $0xffff, v57;
	s0 =	sor.u32 $0xC10, s31  }
0x55: {  	[tilespmem:v1+s1+$0x0 ss:$0x1] =	vst.idx.msk $0xffff, v2;
	v2 =	vld.idx.msk [tilespmem:v0+s0+$0x0 ss:$0x1], $0xffff;
	s1 =	sor.u32 $0xC20, s31  }
0x56: {  	[tilespmem:v1+s3+$0x0 ss:$0x1] =	vst.idx.msk $0xffff, v3;
	v3 =	vld.idx.msk [tilespmem:v0+s1+$0x0 ss:$0x1], $0xffff;
	s3 =	sor.u32 $0xC30, s31  }
0x57: {  	[tilespmem:v1+s4+$0x0 ss:$0x1] =	vst.idx.msk $0xffff, v58;
	v61 =	vld.idx.msk [tilespmem:v0+s3+$0x0 ss:$0x1], $0xffff;
	s4 =	sor.u32 $0xC40, s31  }
0x58: {  	[tilespmem:v1+s5+$0x0 ss:$0x1] =	vst.idx.msk $0xffff, v59;
	s5 =	sor.u32 $0xC50, s31;
	v62 =	vld.idx.msk [tilespmem:v0+s4+$0x0 ss:$0x1], $0xffff  }
0x59: {  	[tilespmem:v1+s6+$0x0 ss:$0x1] =	vst.idx.msk $0xffff, v60;
	s6 =	sor.u32 $0xC60, s31;
	v63 =	vld.idx.msk [tilespmem:v0+s5+$0x0 ss:$0x1], $0xffff  }
0x5a: {  	s31 =	sor.u32 $0xC70, s31;
	[tilespmem:v1+s0+$0x0 ss:$0x1] =	vst.idx.msk $0xffff, v2;
	v2 =	vld.idx.msk [tilespmem:v0+s6+$0x0 ss:$0x1], $0xffff  }
0x5b: {  	p1 =	por p0, p0;
	[tilespmem:v1+s1+$0x0 ss:$0x1] =	vst.idx.msk $0xffff, v3;
	v3 =	vld.idx.msk [tilespmem:v0+s31+$0x0 ss:$0x1], $0xffff  }
.Ltmp3:
0x5c: {  	[tilespmem:v1+s3+$0x0 ss:$0x1] =	vst.idx.msk $0xffff, v61;
	(pc) =	sbr.rel @p1 .LBB1_4-.Ltmp3, $4  }
0x5d: {  	[tilespmem:v1+s4+$0x0 ss:$0x1] =	vst.idx.msk $0xffff, v62  }
0x5e: {  	[tilespmem:v1+s5+$0x0 ss:$0x1] =	vst.idx.msk $0xffff, v63  }
0x5f: {  	[tilespmem:v1+s6+$0x0 ss:$0x1] =	vst.idx.msk $0xffff, v2  }
0x60: {  	p0 =	por $0x0, $0x0;
	s30 =	simm.s32 $0x1000;
	[tilespmem:v1+s31+$0x0 ss:$0x1] =	vst.idx.msk $0xffff, v3  }
0x61: {  	s17 =	sadd.s32 $0x1, s17  }
0x62: {  	p0 =	sne.s32 s17, $0x10  }
.Ltmp4:
0x63: {  	_ = 	snop;
	(pc) =	sbr.rel @p0 .LBB1_3-.Ltmp4, $1  }
0x64: {  	_ =	sdelay $0x3  }
0x65: {  	s0 =	sshrl.u32 s15, $0x3  }
0x66: {  	s1 =	sshll.u32 s14, $0x3;
	s2 =	sshll.u32 s15, $0x7;
	s0 =	smul.u32 $0xA000, s0  }
0x67: {  	s3 =	sand.u32 $0x7F, s14;
	s1 =	sand.u32 $0xFFFFFC00, s1;
	s2 =	sand.u32 $0x380, s2  }
0x68: {  	s24 =	sor.u32 s3, s2;
	s0 =	sadd.s32 s0, s1  }
0x69: {  	s1 =	sor.u32 s0, s24;
	s0 =	smulhi.u32 $0xCCCCCCCD, s0  }
0x6a: {  	s25 =	smulhi.u32 $0xCCCCCCCD, s1  }
0x6b: {  	s26 =	smul.u32 $0x2800, s13  }
0x6c: {  	s4 =	smul.u32 $0x3E800, s12;
	s0 =	sshrl.u32 s0, $0xC;
	s2 =	sshrl.u32 s25, $0xC  }
0x6d: {  	s0 =	sand.u32 $0xF, s0;
	s2 =	smul.u32 $0x1400, s2  }
0x6e: {  	s27 =	rddreg [dreg:$0x3];
	s31 =	simm.s32 $0xA000;
	s0 =	smul.u32 $0x280, s0  }
.Ltmp5:
0x6f: {  	s1 =	ssub.s32 s1, s2;
	s2 =	sadd.s32 s27, s26;
	(pc) =	sbr.rel .LBB1_7-.Ltmp5, $4  }
0x70: {  	s22 =	rddreg [dreg:$0x2];
	s2 =	sadd.s32 s4, s2;
	s28 =	sand.u32 $0x7, s1  }
0x71: {  	s1 =	sshrl.u32 s1, $0x3;
	s0 =	sadd.s32 s0, s2;
	s29 =	sshll.u32 s28, $0x12  }
0x72: {  	s5 =	rddreg [dreg:$0x4];
	s0 =	sadd.s32 s1, s0;
	s30 =	sor.u32 $0x2000, s29  }
0x73: {  	[hbm4b:s0+s30] =	stream.strided.scatter [tilespmem:s16], [sflag:$0x2], $0x4000, s31, s30, $0x38;
	[tilespmem:$0x10000] =	vst v63  }
.LBB1_8:
0x74: {  	_ =	sfence.sel $0x180000  }
0x75: {  	s0 =	simm.s32 $0x1;
	[bflag:$0x0] =	sbarrier.arrive $0xFFFF  }
0x76: {  	s30 =	simm.s32 $0x2;
	[sflag:s0] =	ssyncpa.u1 $0x1  }
0x77: {  	[sflag:s30] =	ssyncpa.u1 $0x1  }
0x78: {  	_ =	strace $0x90000056  }
0x79: {  	s31 =	stileid.u32;
	[bflag:$0x2] =	sbarrier.arrive $0xFFFF  }
0x7a: {  	p0 =	sne.s32 s31, $0x0;
	s0 =	rddreg [dreg:$0x1]  }
0x7b: {  	s0 =	sadd.s32 @!p0 $0x100000, s0  }
0x7c: {  	[sflag:s0] =	ssyncadd.tile.s32 @!p0 $0x1;
	_ =	shalt  }
.Lfunc_end1:
_tile_overlayer_lowered:
.L_overlay_start_2:
0x7d: {  	(tag) =	ssettag $0x2  }
0x7e: {  	s0 =	rddreg [dreg:$0x0];
	s2 =	stileid.u32  }
0x7f: {  	s1 =	rddreg [dreg:$0x1];
	p0 =	sne.s32 s2, $0x0  }
0x80: {  	s3 =	rddreg [dreg:$0x2];
	[bflag:$0x3] =	sbarrier.arrive $0xFFFF;
	s2 =	simm.s32 @!p0 $0x1C01  }
0x81: {  	[timem:s3], [sflag:s2] =	dma.local @!p0 [hbm:s0], s1  }
0x82: {  	s0 =	simm.s32 @!p0 $0x1  }
0x83: {  	_ =	swait.ge @!p0 [sflag:s0], s1  }
0x84: {  	s1 =	ssub.s32 @!p0 $0x0, s1;
	[sflag:s0] =	ssyncset.done @!p0 $0x0  }
0x85: {  	[sflag:s0] =	ssyncadd.s32 @!p0 s1  }
0x86: {  	[bflag:$0x3] =	sbarrier.arrive $0xFFFF  }
0x87: {  	_ =	shalt  }

</sc_bundles>
